<compile_context>
chip_gen: v7x
topology: tpu7x:2x2x1
jax: 0.10.2.dev20260603
libtpu: 0.0.44.dev20260713+nightly
codegen_flags: <defaults>
</compile_context>

<pallas_src>
import functools

import jax
import jax.numpy as jnp
from jax import lax
from jax.experimental import pallas as pl
from jax.experimental.pallas import tpu as pltpu
from jax.experimental.pallas import tpu_sc as plsc

KK = 13
MW = 15
WN = 2 * MW + 1
EPS = 1e-5
SENT = 1e4
B, H, W = 4, 64, 64
C = 8
PW = W + 2 * MW
PH = H + 2 * MW
RB = 8
BIG = 3e38



def _conv2d(x, w, b):
    y = lax.conv_general_dilated(x, w, window_strides=(1, 1), padding='SAME',
                                 dimension_numbers=('NCHW', 'OIHW', 'NCHW'))
    return y + b[None, :, None, None]


def _batchnorm(x, g, b):
    m = jnp.mean(x, axis=(0, 2, 3), keepdims=True)
    v = jnp.var(x, axis=(0, 2, 3), keepdims=True)
    return g[None, :, None, None] * (x - m) / jnp.sqrt(v + EPS) \
        + b[None, :, None, None]


def _embed(x, w1, b1, g1, be1, w2, b2, g2, be2, w3, b3):
    h = jax.nn.relu(_batchnorm(_conv2d(x, w1, b1), g1, be1))
    h = jax.nn.relu(_batchnorm(_conv2d(h, w2, b2), g2, be2))
    return _conv2d(h, w3, b3)




def _knn_body(ep_ref, idx_ref):
    b = pl.program_id(0)
    band = pl.program_id(1)
    r0 = band * RB

    ec = ep_ref[0, :, pl.ds(r0 + MW, RB), MW:MW + W]
    rvec = lax.broadcasted_iota(jnp.int32, (RB, W), 0)
    wvec = lax.broadcasted_iota(jnp.int32, (RB, W), 1)
    fbase = (rvec + r0) * PW + wvec + b * (PH * PW)

    init_vals = tuple(jnp.full((RB, W), BIG, jnp.float32) for _ in range(KK))
    init_idxs = tuple(jnp.zeros((RB, W), jnp.int32) for _ in range(KK))

    def dy_body(dy, carry):
        vals, idxs = carry
        sw = ep_ref[0, :, pl.ds(r0 + dy, RB), :]
        for dx in range(WN):
            sh = lax.slice(sw, (0, 0, dx), (C, RB, dx + W))
            d = ec - sh
            d2 = jnp.sum(d * d, axis=0)
            if dx == MW:
                d2 = jnp.where(dy == MW, BIG, d2)
            cv = d2
            ci = fbase + (dy * PW + dx)
            new_vals, new_idxs = [], []
            for k in range(KK):
                vk, ik = vals[k], idxs[k]
                cond = cv < vk
                new_vals.append(jnp.where(cond, cv, vk))
                new_idxs.append(jnp.where(cond, ci, ik))
                cv = jnp.where(cond, vk, cv)
                ci = jnp.where(cond, ik, ci)
            vals, idxs = tuple(new_vals), tuple(new_idxs)
        return vals, idxs

    vals, idxs = lax.fori_loop(0, WN, dy_body, (init_vals, init_idxs))
    for k in range(KK):
        idx_ref[0, k, :, :] = idxs[k]



NROWS = B * KK * H * W
NW = 32
PER_W = NROWS // NW
CHUNK = 128
NCH = PER_W // CHUNK


@functools.cache
def _make_gather_sc():
    mesh = plsc.VectorSubcoreMesh(core_axis_name="c", subcore_axis_name="s")

    @functools.partial(
        pl.kernel,
        mesh=mesh,
        out_type=jax.ShapeDtypeStruct((NROWS // CHUNK, CHUNK, 16),
                                      jnp.float32),
        scratch_types=[
            pltpu.VMEM((NCH, CHUNK), jnp.int32),
            pltpu.VMEM((CHUNK, 16), jnp.float32),
            pltpu.SemaphoreType.DMA,
        ],
        compiler_params=pltpu.CompilerParams(use_tc_tiling_on_sc=False),
    )
    def _gather_sc(idx_hbm, tab_hbm, out_hbm, idx_v, rows_v, sem):
        wid = lax.axis_index("s") * 2 + lax.axis_index("c")
        base = wid * NCH
        pltpu.sync_copy(idx_hbm.at[wid], idx_v)

        def chunk_body(j, carry):
            pltpu.async_copy(tab_hbm.at[idx_v.at[j]], rows_v, sem).wait()
            pltpu.sync_copy(rows_v, out_hbm.at[base + j])
            return carry

        lax.fori_loop(0, NCH, chunk_body, 0)

    return _gather_sc




def kernel(x, w1, b1, g1, be1, w2, b2, g2, be2, w3, b3):
    e = _embed(x, w1, b1, g1, be1, w2, b2, g2, be2, w3, b3)
    ep = jnp.pad(e, ((0, 0), (0, 0), (MW, MW), (MW, MW)),
                 constant_values=SENT)

    idx = pl.pallas_call(
        _knn_body,
        grid=(B, H // RB),
        in_specs=[pl.BlockSpec((1, C, PH, PW), lambda b, r: (b, 0, 0, 0))],
        out_specs=pl.BlockSpec((1, KK, RB, W), lambda b, r: (b, 0, r, 0)),
        out_shape=jax.ShapeDtypeStruct((B, KK, H, W), jnp.int32),
    )(ep)

    tab = jnp.pad(jnp.transpose(ep, (0, 2, 3, 1)).reshape(B * PH * PW, C),
                  ((0, 0), (0, 16 - C)))
    idx2 = idx.reshape(NW, NCH, CHUNK)
    rows = _make_gather_sc()(idx2, tab)

    z = rows.reshape(B, KK, H, W, 16)[..., :C]
    zt = jnp.transpose(z, (0, 1, 4, 2, 3)).reshape(B, KK * C, H, W)
    return jnp.concatenate([e, zt], axis=1)

# --- scband reference (transcript-rebuilt; emitter-appended) ---
"""Pipeline reference for scband-n3-block-7490422964348 (READ-ONLY COPY).

The authoritative reference and input builder live on the scoring server;
editing this copy changes nothing except your own understanding.
"""

import jax, jax.numpy as jnp
import numpy as np

K = 13
MW = 15
EPS = 1e-5


def conv2d(x, w, b):
    y = jax.lax.conv_general_dilated(x, w, window_strides=(1, 1), padding='SAME',
                                     dimension_numbers=('NCHW', 'OIHW', 'NCHW'))
    return y + b[None, :, None, None]


def batchnorm(x, g, b):
    m = jnp.mean(x, axis=(0, 2, 3), keepdims=True)
    v = jnp.var(x, axis=(0, 2, 3), keepdims=True)
    return g[None, :, None, None] * (x - m) / jnp.sqrt(v + EPS) + b[None, :, None, None]


def embed(x, w1, b1, g1, be1, w2, b2, g2, be2, w3, b3):
    h = jax.nn.relu(batchnorm(conv2d(x, w1, b1), g1, be1))
    h = jax.nn.relu(batchnorm(conv2d(h, w2, b2), g2, be2))
    return conv2d(h, w3, b3)


def n3_forward(x, w1, b1, g1, be1, w2, b2, g2, be2, w3, b3):
    E = embed(x, w1, b1, g1, be1, w2, b2, g2, be2, w3, b3)
    B, C, H, W = E.shape
    Wn = 2 * MW + 1
    # sentinel-pad so out-of-image window positions have huge distance and are never in top-(K+1)
    E_pad = jnp.pad(E, ((0, 0), (0, 0), (MW, MW), (MW, MW)), constant_values=1e4)
    # indices are non-differentiable in the torch code (topk indices), so compute
    # distances under stop_gradient
    Eq = jax.lax.stop_gradient(E)
    Eq_pad = jax.lax.stop_gradient(E_pad)

    def d2_off(k):
        dy = k // Wn
        dx = k % Wn
        sh = jax.lax.dynamic_slice(Eq_pad, (0, 0, dy, dx), (B, C, H, W))
        return jnp.sum((Eq - sh) ** 2, axis=1)  # [B, H, W]

    d2 = jax.lax.map(d2_off, jnp.arange(Wn * Wn))  # [Wn*Wn, B, H, W]
    d2 = jnp.transpose(d2, (1, 2, 3, 0))           # [B, H, W, Wn*Wn]
    # torch: topk of softmax(-cdist) == smallest euclidean distance == largest -d2
    _, idx = jax.lax.top_k(-d2, K + 1)             # [B, H, W, K+1], rank 0 is the pixel itself
    dy = idx // Wn
    dx = idx % Wn
    pi = dy + jnp.arange(H)[None, :, None, None]
    pj = dx + jnp.arange(W)[None, None, :, None]
    flat = pi * (W + 2 * MW) + pj                  # index into padded spatial grid
    Ef = E_pad.reshape(B, C, -1)
    nb = jax.vmap(lambda e, f: e[:, f])(Ef, flat)  # [B, C, H, W, K+1]
    nb = nb[..., 1:]                               # drop self-match
    Z = jnp.transpose(nb, (0, 4, 1, 2, 3)).reshape(B, K * C, H, W)
    return jnp.concatenate([E, Z], axis=1)         # [B, (K+1)*C, H, W]


def setup_inputs(seed: int = 0):
    key = jax.random.key(seed)
    ks = jax.random.split(key, 4)
    B, Cin, H, W = 4, 3, 64, 64
    fd, oc = 64, 8
    x = jax.random.normal(ks[0], (B, Cin, H, W), dtype=jnp.float32)
    w1 = jax.random.normal(ks[1], (fd, Cin, 3, 3), dtype=jnp.float32) * 0.1
    b1 = jnp.zeros((fd,), jnp.float32)
    g1 = jnp.ones((fd,), jnp.float32)
    be1 = jnp.zeros((fd,), jnp.float32)
    w2 = jax.random.normal(ks[2], (fd, fd, 3, 3), dtype=jnp.float32) * 0.05
    b2 = jnp.zeros((fd,), jnp.float32)
    g2 = jnp.ones((fd,), jnp.float32)
    be2 = jnp.zeros((fd,), jnp.float32)
    w3 = jax.random.normal(ks[3], (oc, fd, 3, 3), dtype=jnp.float32) * 0.05
    b3 = jnp.zeros((oc,), jnp.float32)
    return {"x": x, "w1": w1, "b1": b1, "g1": g1, "be1": be1,
            "w2": w2, "b2": b2, "g2": g2, "be2": be2, "w3": w3, "b3": b3}


def reference(x, w1, b1, g1, be1, w2, b2, g2, be2, w3, b3):
    return n3_forward(x, w1, b1, g1, be1, w2, b2, g2, be2, w3, b3)

if __name__ == "__main__":
    import jax
    _d = setup_inputs()
    print(jax.jit(kernel)(*tuple(_d.values())))

</pallas_src>

<mosaic_0001>
#map = affine_map<(d0, d1) -> (0, 0, 0)>
#map1 = affine_map<(d0, d1) -> (0, 0)>
module attributes {stable_mosaic.version = 14 : i64} {
  func.func @_gather_sc(%arg0: i32, %arg1: i32, %arg2: memref<32x52x128xi32, #tpu.memory_space<hbm>>, %arg3: memref<35344x16xf32, #tpu.memory_space<hbm>>, %arg4: memref<1664x128x16xf32, #tpu.memory_space<hbm>>, %arg5: memref<52x128xi32, #tpu.memory_space<vmem>>, %arg6: memref<128x16xf32, #tpu.memory_space<vmem>>, %arg7: memref<!tpu.dma_semaphore, #tpu.memory_space<semaphore_mem>>) attributes {dimension_semantics = [#tpu.dimension_semantics<core_parallel>, #tpu.dimension_semantics<subcore_parallel>], iteration_bounds = array<i64: 2, 16>, scalar_prefetch = 0 : i64, scratch_operands = 3 : i64, tpu.core_type = #tpu.core_type<sc_vector_subcore>, window_params = [{transform_indices = #map}, {transform_indices = #map1}, {transform_indices = #map}]} {
    %mul3A = arith.constant 2 : i32
    %mul3A_0 = arith.muli %arg1, %mul3A : i32
    %add3A = arith.addi %mul3A_0, %arg0 : i32
    %mul3A_1 = arith.constant 52 : i32
    %mul3A_2 = arith.muli %add3A, %mul3A_1 : i32
    "tpu.region"() ({
      %run_scoped3A = tpu.sem_alloc : memref<!tpu.dma_semaphore, #tpu.memory_space<semaphore_mem>>
      %dma_start3A = arith.constant 0 : i32
      %dma_start3A_8 = arith.constant 0 : i32
      %dma_start3A_9 = tpu.memref_slice %arg2[%add3A, %dma_start3A, %dma_start3A_8] : memref<32x52x128xi32, #tpu.memory_space<hbm>> -> memref<1x52x128xi32, #tpu.memory_space<hbm>>
      %dma_start3A_10 = tpu.memref_squeeze %dma_start3A_9 : memref<1x52x128xi32, #tpu.memory_space<hbm>> -> memref<52x128xi32, #tpu.memory_space<hbm>>
      %dma_start3A_11 = arith.constant 0 : i32
      %dma_start3A_12 = arith.constant 0 : i32
      %dma_start3A_13 = tpu.memref_slice %arg2[%add3A, %dma_start3A_11, %dma_start3A_12] : memref<32x52x128xi32, #tpu.memory_space<hbm>> -> memref<1x52x128xi32, #tpu.memory_space<hbm>>
      %dma_start3A_14 = tpu.memref_squeeze %dma_start3A_13 : memref<1x52x128xi32, #tpu.memory_space<hbm>> -> memref<52x128xi32, #tpu.memory_space<hbm>>
      tpu.enqueue_dma source(%dma_start3A_14 : memref<52x128xi32, #tpu.memory_space<hbm>>) target(%arg5 : memref<52x128xi32, #tpu.memory_space<vmem>>) target_semaphore(%run_scoped3A : memref<!tpu.dma_semaphore, #tpu.memory_space<semaphore_mem>>)
      %dma_wait3A = arith.constant 0 : i32
      %dma_wait3A_15 = arith.constant 0 : i32
      %dma_wait3A_16 = tpu.memref_slice %arg2[%add3A, %dma_wait3A, %dma_wait3A_15] : memref<32x52x128xi32, #tpu.memory_space<hbm>> -> memref<1x52x128xi32, #tpu.memory_space<hbm>>
      %dma_wait3A_17 = tpu.memref_squeeze %dma_wait3A_16 : memref<1x52x128xi32, #tpu.memory_space<hbm>> -> memref<52x128xi32, #tpu.memory_space<hbm>>
      %dma_wait3A_18 = arith.constant 0 : i32
      %dma_wait3A_19 = arith.constant 0 : i32
      %dma_wait3A_20 = tpu.memref_slice %arg2[%add3A, %dma_wait3A_18, %dma_wait3A_19] : memref<32x52x128xi32, #tpu.memory_space<hbm>> -> memref<1x52x128xi32, #tpu.memory_space<hbm>>
      %dma_wait3A_21 = tpu.memref_squeeze %dma_wait3A_20 : memref<1x52x128xi32, #tpu.memory_space<hbm>> -> memref<52x128xi32, #tpu.memory_space<hbm>>
      tpu.wait_dma2 semaphore(%run_scoped3A : memref<!tpu.dma_semaphore, #tpu.memory_space<semaphore_mem>>) src(%dma_wait3A_21 : memref<52x128xi32, #tpu.memory_space<hbm>>) dst(%arg5 : memref<52x128xi32, #tpu.memory_space<vmem>>)
      tpu.yield
    }) : () -> ()
    %scan3A = arith.constant 0 : i32
    %scan3A_3 = arith.constant 0 : i32
    %scan3A_4 = arith.constant 52 : i32
    %scan3A_5 = arith.addi %scan3A_3, %scan3A_4 : i32
    %scan3A_6 = arith.constant 1 : i32
    scf.for %scan3A_8 = %scan3A_3 to %scan3A_5 step %scan3A_6  : i32 {
      %dma_start3A = arith.constant 0 : i32
      %dma_start3A_9 = tpu.memref_slice %arg5[%scan3A_8, %dma_start3A] : memref<52x128xi32, #tpu.memory_space<vmem>> -> memref<1x128xi32, #tpu.memory_space<vmem>>
      %dma_start3A_10 = tpu.memref_squeeze %dma_start3A_9 : memref<1x128xi32, #tpu.memory_space<vmem>> -> memref<128xi32, #tpu.memory_space<vmem>>
      %dma_start3A_11 = arith.constant 0 : i32
      %dma_start3A_12 = arith.constant 0 : i32
      %dma_start3A_13 = tpu.memref_slice %arg3[%dma_start3A_11, %dma_start3A_12] : memref<35344x16xf32, #tpu.memory_space<hbm>> -> memref<35344x16xf32, #tpu.memory_space<hbm>>
      tpu.enqueue_indirect_dma source(%dma_start3A_13 : memref<35344x16xf32, #tpu.memory_space<hbm>>) target(%arg6 : memref<128x16xf32, #tpu.memory_space<vmem>>) offsets(%dma_start3A_10 : memref<128xi32, #tpu.memory_space<vmem>>) semaphore(%arg7 : memref<!tpu.dma_semaphore, #tpu.memory_space<semaphore_mem>>)
      %dma_wait3A = arith.constant 0 : i32
      %dma_wait3A_14 = tpu.memref_slice %arg5[%scan3A_8, %dma_wait3A] : memref<52x128xi32, #tpu.memory_space<vmem>> -> memref<1x128xi32, #tpu.memory_space<vmem>>
      %dma_wait3A_15 = tpu.memref_squeeze %dma_wait3A_14 : memref<1x128xi32, #tpu.memory_space<vmem>> -> memref<128xi32, #tpu.memory_space<vmem>>
      %dma_wait3A_16 = arith.constant 0 : i32
      %dma_wait3A_17 = arith.constant 0 : i32
      %dma_wait3A_18 = tpu.memref_slice %arg3[%dma_wait3A_16, %dma_wait3A_17] : memref<35344x16xf32, #tpu.memory_space<hbm>> -> memref<35344x16xf32, #tpu.memory_space<hbm>>
      tpu.wait_indirect_dma semaphore(%arg7 : memref<!tpu.dma_semaphore, #tpu.memory_space<semaphore_mem>>) src(%dma_wait3A_18 : memref<35344x16xf32, #tpu.memory_space<hbm>>) dst(%arg6 : memref<128x16xf32, #tpu.memory_space<vmem>>)
      %add3A_19 = arith.addi %mul3A_2, %scan3A_8 : i32
      "tpu.region"() ({
        %run_scoped3A = tpu.sem_alloc : memref<!tpu.dma_semaphore, #tpu.memory_space<semaphore_mem>>
        %dma_start3A_20 = arith.constant 0 : i32
        %dma_start3A_21 = arith.constant 0 : i32
        %dma_start3A_22 = tpu.memref_slice %arg4[%add3A_19, %dma_start3A_20, %dma_start3A_21] : memref<1664x128x16xf32, #tpu.memory_space<hbm>> -> memref<1x128x16xf32, #tpu.memory_space<hbm>>
        %dma_start3A_23 = tpu.memref_squeeze %dma_start3A_22 : memref<1x128x16xf32, #tpu.memory_space<hbm>> -> memref<128x16xf32, #tpu.memory_space<hbm>>
        %dma_start3A_24 = arith.constant 0 : i32
        %dma_start3A_25 = arith.constant 0 : i32
        %dma_start3A_26 = tpu.memref_slice %arg4[%add3A_19, %dma_start3A_24, %dma_start3A_25] : memref<1664x128x16xf32, #tpu.memory_space<hbm>> -> memref<1x128x16xf32, #tpu.memory_space<hbm>>
        %dma_start3A_27 = tpu.memref_squeeze %dma_start3A_26 : memref<1x128x16xf32, #tpu.memory_space<hbm>> -> memref<128x16xf32, #tpu.memory_space<hbm>>
        tpu.enqueue_dma source(%arg6 : memref<128x16xf32, #tpu.memory_space<vmem>>) target(%dma_start3A_27 : memref<128x16xf32, #tpu.memory_space<hbm>>) target_semaphore(%run_scoped3A : memref<!tpu.dma_semaphore, #tpu.memory_space<semaphore_mem>>)
        %dma_wait3A_28 = arith.constant 0 : i32
        %dma_wait3A_29 = arith.constant 0 : i32
        %dma_wait3A_30 = tpu.memref_slice %arg4[%add3A_19, %dma_wait3A_28, %dma_wait3A_29] : memref<1664x128x16xf32, #tpu.memory_space<hbm>> -> memref<1x128x16xf32, #tpu.memory_space<hbm>>
        %dma_wait3A_31 = tpu.memref_squeeze %dma_wait3A_30 : memref<1x128x16xf32, #tpu.memory_space<hbm>> -> memref<128x16xf32, #tpu.memory_space<hbm>>
        %dma_wait3A_32 = arith.constant 0 : i32
        %dma_wait3A_33 = arith.constant 0 : i32
        %dma_wait3A_34 = tpu.memref_slice %arg4[%add3A_19, %dma_wait3A_32, %dma_wait3A_33] : memref<1664x128x16xf32, #tpu.memory_space<hbm>> -> memref<1x128x16xf32, #tpu.memory_space<hbm>>
        %dma_wait3A_35 = tpu.memref_squeeze %dma_wait3A_34 : memref<1x128x16xf32, #tpu.memory_space<hbm>> -> memref<128x16xf32, #tpu.memory_space<hbm>>
        tpu.wait_dma2 semaphore(%run_scoped3A : memref<!tpu.dma_semaphore, #tpu.memory_space<semaphore_mem>>) src(%arg6 : memref<128x16xf32, #tpu.memory_space<vmem>>) dst(%dma_wait3A_35 : memref<128x16xf32, #tpu.memory_space<hbm>>)
        tpu.yield
      }) : () -> ()
    }
    %scan3A_7 = arith.constant 52 : i32
    return
  }
}

module attributes {stable_mosaic.version = 14 : i64} {
  func.func @_knn_body(%arg0: i32, %arg1: i32, %arg2: memref<1x8x94x94xf32, #tpu.memory_space<vmem>>, %arg3: memref<1x13x8x64xi32, #tpu.memory_space<vmem>>) attributes {dimension_semantics = [#tpu.dimension_semantics<arbitrary>, #tpu.dimension_semantics<arbitrary>], iteration_bounds = array<i64: 4, 8>, scalar_prefetch = 0 : i64, scratch_operands = 0 : i64, tpu.core_type = #tpu.core_type<tc>, window_params = [{transform_indices = @transform_0, window_bounds = array<i64: 1, 8, 94, 94>}, {transform_indices = @transform_1, window_bounds = array<i64: 1, 13, 8, 64>}]} {
    %mul3A = arith.constant 8 : i32
    %mul3A_0 = arith.muli %arg1, %mul3A : i32
    %add3A = arith.constant 15 : i32
    %add3A_1 = arith.addi %mul3A_0, %add3A : i32
    %get3A = arith.constant 0 : index
    %get3A_2 = arith.constant 0 : index
    %get3A_3 = arith.index_cast %add3A_1 : i32 to index
    %get3A_4 = arith.constant 15 : index
    %get3A_5 = vector.load %arg2[%get3A, %get3A_2, %get3A_3, %get3A_4] : memref<1x8x94x94xf32, #tpu.memory_space<vmem>>, vector<1x8x8x64xf32>
    %get3A_6 = vector.shape_cast %get3A_5 : vector<1x8x8x64xf32> to vector<8x8x64xf32>
    %iota3A = tpu.iota {dimensions = array<i32: 0>} : vector<8x64xi32>
    %iota3A_7 = tpu.iota {dimensions = array<i32: 1>} : vector<8x64xi32>
    %add3A_8 = vector.broadcast %mul3A_0 : i32 to vector<8x64xi32>
    %add3A_9 = arith.addi %iota3A, %add3A_8 : vector<8x64xi32>
    %mul3A_10 = arith.constant 94 : i32
    %mul3A_11 = vector.broadcast %mul3A_10 : i32 to vector<8x64xi32>
    %mul3A_12 = arith.muli %add3A_9, %mul3A_11 : vector<8x64xi32>
    %add3A_13 = arith.addi %mul3A_12, %iota3A_7 : vector<8x64xi32>
    %mul3A_14 = arith.constant 8836 : i32
    %mul3A_15 = arith.muli %arg0, %mul3A_14 : i32
    %add3A_16 = vector.broadcast %mul3A_15 : i32 to vector<8x64xi32>
    %add3A_17 = arith.addi %add3A_13, %add3A_16 : vector<8x64xi32>
    %broadcast_in_dim3A = arith.constant 3.000000e+38 : f32
    %broadcast_in_dim3A_18 = vector.broadcast %broadcast_in_dim3A : f32 to vector<8x64xf32>
    %broadcast_in_dim3A_19 = arith.constant 3.000000e+38 : f32
    %broadcast_in_dim3A_20 = vector.broadcast %broadcast_in_dim3A_19 : f32 to vector<8x64xf32>
    %broadcast_in_dim3A_21 = arith.constant 3.000000e+38 : f32
    %broadcast_in_dim3A_22 = vector.broadcast %broadcast_in_dim3A_21 : f32 to vector<8x64xf32>
    %broadcast_in_dim3A_23 = arith.constant 3.000000e+38 : f32
    %broadcast_in_dim3A_24 = vector.broadcast %broadcast_in_dim3A_23 : f32 to vector<8x64xf32>
    %broadcast_in_dim3A_25 = arith.constant 3.000000e+38 : f32
    %broadcast_in_dim3A_26 = vector.broadcast %broadcast_in_dim3A_25 : f32 to vector<8x64xf32>
    %broadcast_in_dim3A_27 = arith.constant 3.000000e+38 : f32
    %broadcast_in_dim3A_28 = vector.broadcast %broadcast_in_dim3A_27 : f32 to vector<8x64xf32>
    %broadcast_in_dim3A_29 = arith.constant 3.000000e+38 : f32
    %broadcast_in_dim3A_30 = vector.broadcast %broadcast_in_dim3A_29 : f32 to vector<8x64xf32>
    %broadcast_in_dim3A_31 = arith.constant 3.000000e+38 : f32
    %broadcast_in_dim3A_32 = vector.broadcast %broadcast_in_dim3A_31 : f32 to vector<8x64xf32>
    %broadcast_in_dim3A_33 = arith.constant 3.000000e+38 : f32
    %broadcast_in_dim3A_34 = vector.broadcast %broadcast_in_dim3A_33 : f32 to vector<8x64xf32>
    %broadcast_in_dim3A_35 = arith.constant 3.000000e+38 : f32
    %broadcast_in_dim3A_36 = vector.broadcast %broadcast_in_dim3A_35 : f32 to vector<8x64xf32>
    %broadcast_in_dim3A_37 = arith.constant 3.000000e+38 : f32
    %broadcast_in_dim3A_38 = vector.broadcast %broadcast_in_dim3A_37 : f32 to vector<8x64xf32>
    %broadcast_in_dim3A_39 = arith.constant 3.000000e+38 : f32
    %broadcast_in_dim3A_40 = vector.broadcast %broadcast_in_dim3A_39 : f32 to vector<8x64xf32>
    %broadcast_in_dim3A_41 = arith.constant 3.000000e+38 : f32
    %broadcast_in_dim3A_42 = vector.broadcast %broadcast_in_dim3A_41 : f32 to vector<8x64xf32>
    %broadcast_in_dim3A_43 = arith.constant 0 : i32
    %broadcast_in_dim3A_44 = vector.broadcast %broadcast_in_dim3A_43 : i32 to vector<8x64xi32>
    %broadcast_in_dim3A_45 = arith.constant 0 : i32
    %broadcast_in_dim3A_46 = vector.broadcast %broadcast_in_dim3A_45 : i32 to vector<8x64xi32>
    %broadcast_in_dim3A_47 = arith.constant 0 : i32
    %broadcast_in_dim3A_48 = vector.broadcast %broadcast_in_dim3A_47 : i32 to vector<8x64xi32>
    %broadcast_in_dim3A_49 = arith.constant 0 : i32
    %broadcast_in_dim3A_50 = vector.broadcast %broadcast_in_dim3A_49 : i32 to vector<8x64xi32>
    %broadcast_in_dim3A_51 = arith.constant 0 : i32
    %broadcast_in_dim3A_52 = vector.broadcast %broadcast_in_dim3A_51 : i32 to vector<8x64xi32>
    %broadcast_in_dim3A_53 = arith.constant 0 : i32
    %broadcast_in_dim3A_54 = vector.broadcast %broadcast_in_dim3A_53 : i32 to vector<8x64xi32>
    %broadcast_in_dim3A_55 = arith.constant 0 : i32
    %broadcast_in_dim3A_56 = vector.broadcast %broadcast_in_dim3A_55 : i32 to vector<8x64xi32>
    %broadcast_in_dim3A_57 = arith.constant 0 : i32
    %broadcast_in_dim3A_58 = vector.broadcast %broadcast_in_dim3A_57 : i32 to vector<8x64xi32>
    %broadcast_in_dim3A_59 = arith.constant 0 : i32
    %broadcast_in_dim3A_60 = vector.broadcast %broadcast_in_dim3A_59 : i32 to vector<8x64xi32>
    %broadcast_in_dim3A_61 = arith.constant 0 : i32
    %broadcast_in_dim3A_62 = vector.broadcast %broadcast_in_dim3A_61 : i32 to vector<8x64xi32>
    %broadcast_in_dim3A_63 = arith.constant 0 : i32
    %broadcast_in_dim3A_64 = vector.broadcast %broadcast_in_dim3A_63 : i32 to vector<8x64xi32>
    %broadcast_in_dim3A_65 = arith.constant 0 : i32
    %broadcast_in_dim3A_66 = vector.broadcast %broadcast_in_dim3A_65 : i32 to vector<8x64xi32>
    %broadcast_in_dim3A_67 = arith.constant 0 : i32
    %broadcast_in_dim3A_68 = vector.broadcast %broadcast_in_dim3A_67 : i32 to vector<8x64xi32>
    %scan3A = arith.constant 0 : i32
    %scan3A_69 = arith.constant 31 : i32
    %scan3A_70 = arith.addi %scan3A, %scan3A_69 : i32
    %scan3A_71 = arith.constant 1 : i32
    %scan3A_72:26 = scf.for %scan3A_164 = %scan3A to %scan3A_70 step %scan3A_71 iter_args(%scan3A_165 = %broadcast_in_dim3A_18, %scan3A_166 = %broadcast_in_dim3A_20, %scan3A_167 = %broadcast_in_dim3A_22, %scan3A_168 = %broadcast_in_dim3A_24, %scan3A_169 = %broadcast_in_dim3A_26, %scan3A_170 = %broadcast_in_dim3A_28, %scan3A_171 = %broadcast_in_dim3A_30, %scan3A_172 = %broadcast_in_dim3A_32, %scan3A_173 = %broadcast_in_dim3A_34, %scan3A_174 = %broadcast_in_dim3A_36, %scan3A_175 = %broadcast_in_dim3A_38, %scan3A_176 = %broadcast_in_dim3A_40, %scan3A_177 = %broadcast_in_dim3A_42, %scan3A_178 = %broadcast_in_dim3A_44, %scan3A_179 = %broadcast_in_dim3A_46, %scan3A_180 = %broadcast_in_dim3A_48, %scan3A_181 = %broadcast_in_dim3A_50, %scan3A_182 = %broadcast_in_dim3A_52, %scan3A_183 = %broadcast_in_dim3A_54, %scan3A_184 = %broadcast_in_dim3A_56, %scan3A_185 = %broadcast_in_dim3A_58, %scan3A_186 = %broadcast_in_dim3A_60, %scan3A_187 = %broadcast_in_dim3A_62, %scan3A_188 = %broadcast_in_dim3A_64, %scan3A_189 = %broadcast_in_dim3A_66, %scan3A_190 = %broadcast_in_dim3A_68) -> (vector<8x64xf32>, vector<8x64xf32>, vector<8x64xf32>, vector<8x64xf32>, vector<8x64xf32>, vector<8x64xf32>, vector<8x64xf32>, vector<8x64xf32>, vector<8x64xf32>, vector<8x64xf32>, vector<8x64xf32>, vector<8x64xf32>, vector<8x64xf32>, vector<8x64xi32>, vector<8x64xi32>, vector<8x64xi32>, vector<8x64xi32>, vector<8x64xi32>, vector<8x64xi32>, vector<8x64xi32>, vector<8x64xi32>, vector<8x64xi32>, vector<8x64xi32>, vector<8x64xi32>, vector<8x64xi32>, vector<8x64xi32>)  : i32 {
      %add3A_191 = arith.addi %mul3A_0, %scan3A_164 : i32
      %get3A_192 = arith.constant 0 : index
      %get3A_193 = arith.constant 0 : index
      %get3A_194 = arith.index_cast %add3A_191 : i32 to index
      %get3A_195 = arith.constant 0 : index
      %get3A_196 = vector.load %arg2[%get3A_192, %get3A_193, %get3A_194, %get3A_195] : memref<1x8x94x94xf32, #tpu.memory_space<vmem>>, vector<1x8x8x94xf32>
      %get3A_197 = vector.shape_cast %get3A_196 : vector<1x8x8x94xf32> to vector<8x8x94xf32>
      %slice3A = vector.extract_strided_slice %get3A_197 {offsets = [0, 0, 0], sizes = [8, 8, 64], strides = [1, 1, 1]} : vector<8x8x94xf32> to vector<8x8x64xf32>
      %sub3A = arith.subf %get3A_6, %slice3A : vector<8x8x64xf32>
      %mul3A_198 = arith.mulf %sub3A, %sub3A : vector<8x8x64xf32>
      %reduce_sum3A = arith.constant dense<0.000000e+00> : vector<8x64xf32>
      %reduce_sum3A_199 = vector.multi_reduction <add>, %mul3A_198, %reduce_sum3A [0] : vector<8x8x64xf32> to vector<8x64xf32>
      %mul3A_200 = arith.constant 94 : i32
      %mul3A_201 = arith.muli %scan3A_164, %mul3A_200 : i32
      %add3A_202 = arith.constant 0 : i32
      %add3A_203 = arith.addi %mul3A_201, %add3A_202 : i32
      %add3A_204 = vector.broadcast %add3A_203 : i32 to vector<8x64xi32>
      %add3A_205 = arith.addi %add3A_17, %add3A_204 : vector<8x64xi32>
      %lt3A = arith.cmpf olt, %reduce_sum3A_199, %scan3A_165 : vector<8x64xf32>
      %select_n3A = arith.select %lt3A, %reduce_sum3A_199, %scan3A_165 : vector<8x64xi1>, vector<8x64xf32>
      %select_n3A_206 = arith.select %lt3A, %add3A_205, %scan3A_178 : vector<8x64xi1>, vector<8x64xi32>
      %select_n3A_207 = arith.select %lt3A, %scan3A_165, %reduce_sum3A_199 : vector<8x64xi1>, vector<8x64xf32>
      %select_n3A_208 = arith.select %lt3A, %scan3A_178, %add3A_205 : vector<8x64xi1>, vector<8x64xi32>
      %lt3A_209 = arith.cmpf olt, %select_n3A_207, %scan3A_166 : vector<8x64xf32>
      %select_n3A_210 = arith.select %lt3A_209, %select_n3A_207, %scan3A_166 : vector<8x64xi1>, vector<8x64xf32>
      %select_n3A_211 = arith.select %lt3A_209, %select_n3A_208, %scan3A_179 : vector<8x64xi1>, vector<8x64xi32>
      %select_n3A_212 = arith.select %lt3A_209, %scan3A_166, %select_n3A_207 : vector<8x64xi1>, vector<8x64xf32>
      %select_n3A_213 = arith.select %lt3A_209, %scan3A_179, %select_n3A_208 : vector<8x64xi1>, vector<8x64xi32>
      %lt3A_214 = arith.cmpf olt, %select_n3A_212, %scan3A_167 : vector<8x64xf32>
      %select_n3A_215 = arith.select %lt3A_214, %select_n3A_212, %scan3A_167 : vector<8x64xi1>, vector<8x64xf32>
      %select_n3A_216 = arith.select %lt3A_214, %select_n3A_213, %scan3A_180 : vector<8x64xi1>, vector<8x64xi32>
      %select_n3A_217 = arith.select %lt3A_214, %scan3A_167, %select_n3A_212 : vector<8x64xi1>, vector<8x64xf32>
      %select_n3A_218 = arith.select %lt3A_214, %scan3A_180, %select_n3A_213 : vector<8x64xi1>, vector<8x64xi32>
      %lt3A_219 = arith.cmpf olt, %select_n3A_217, %scan3A_168 : vector<8x64xf32>
      %select_n3A_220 = arith.select %lt3A_219, %select_n3A_217, %scan3A_168 : vector<8x64xi1>, vector<8x64xf32>
      %select_n3A_221 = arith.select %lt3A_219, %select_n3A_218, %scan3A_181 : vector<8x64xi1>, vector<8x64xi32>
      %select_n3A_222 = arith.select %lt3A_219, %scan3A_168, %select_n3A_217 : vector<8x64xi1>, vector<8x64xf32>
      %select_n3A_223 = arith.select %lt3A_219, %scan3A_181, %select_n3A_218 : vector<8x64xi1>, vector<8x64xi32>
      %lt3A_224 = arith.cmpf olt, %select_n3A_222, %scan3A_169 : vector<8x64xf32>
      %select_n3A_225 = arith.select %lt3A_224, %select_n3A_222, %scan3A_169 : vector<8x64xi1>, vector<8x64xf32>
      %select_n3A_226 = arith.select %lt3A_224, %select_n3A_223, %scan3A_182 : vector<8x64xi1>, vector<8x64xi32>
      %select_n3A_227 = arith.select %lt3A_224, %scan3A_169, %select_n3A_222 : vector<8x64xi1>, vector<8x64xf32>
      %select_n3A_228 = arith.select %lt3A_224, %scan3A_182, %select_n3A_223 : vector<8x64xi1>, vector<8x64xi32>
      %lt3A_229 = arith.cmpf olt, %select_n3A_227, %scan3A_170 : vector<8x64xf32>
      %select_n3A_230 = arith.select %lt3A_229, %select_n3A_227, %scan3A_170 : vector<8x64xi1>, vector<8x64xf32>
      %select_n3A_231 = arith.select %lt3A_229, %select_n3A_228, %scan3A_183 : vector<8x64xi1>, vector<8x64xi32>
      %select_n3A_232 = arith.select %lt3A_229, %scan3A_170, %select_n3A_227 : vector<8x64xi1>, vector<8x64xf32>
      %select_n3A_233 = arith.select %lt3A_229, %scan3A_183, %select_n3A_228 : vector<8x64xi1>, vector<8x64xi32>
      %lt3A_234 = arith.cmpf olt, %select_n3A_232, %scan3A_171 : vector<8x64xf32>
      %select_n3A_235 = arith.select %lt3A_234, %select_n3A_232, %scan3A_171 : vector<8x64xi1>, vector<8x64xf32>
      %select_n3A_236 = arith.select %lt3A_234, %select_n3A_233, %scan3A_184 : vector<8x64xi1>, vector<8x64xi32>
      %select_n3A_237 = arith.select %lt3A_234, %scan3A_171, %select_n3A_232 : vector<8x64xi1>, vector<8x64xf32>
      %select_n3A_238 = arith.select %lt3A_234, %scan3A_184, %select_n3A_233 : vector<8x64xi1>, vector<8x64xi32>
      %lt3A_239 = arith.cmpf olt, %select_n3A_237, %scan3A_172 : vector<8x64xf32>
      %select_n3A_240 = arith.select %lt3A_239, %select_n3A_237, %scan3A_172 : vector<8x64xi1>, vector<8x64xf32>
      %select_n3A_241 = arith.select %lt3A_239, %select_n3A_238, %scan3A_185 : vector<8x64xi1>, vector<8x64xi32>
      %select_n3A_242 = arith.select %lt3A_239, %scan3A_172, %select_n3A_237 : vector<8x64xi1>, vector<8x64xf32>
      %select_n3A_243 = arith.select %lt3A_239, %scan3A_185, %select_n3A_238 : vector<8x64xi1>, vector<8x64xi32>
      %lt3A_244 = arith.cmpf olt, %select_n3A_242, %scan3A_173 : vector<8x64xf32>
      %select_n3A_245 = arith.select %lt3A_244, %select_n3A_242, %scan3A_173 : vector<8x64xi1>, vector<8x64xf32>
      %select_n3A_246 = arith.select %lt3A_244, %select_n3A_243, %scan3A_186 : vector<8x64xi1>, vector<8x64xi32>
      %select_n3A_247 = arith.select %lt3A_244, %scan3A_173, %select_n3A_242 : vector<8x64xi1>, vector<8x64xf32>
      %select_n3A_248 = arith.select %lt3A_244, %scan3A_186, %select_n3A_243 : vector<8x64xi1>, vector<8x64xi32>
      %lt3A_249 = arith.cmpf olt, %select_n3A_247, %scan3A_174 : vector<8x64xf32>
      %select_n3A_250 = arith.select %lt3A_249, %select_n3A_247, %scan3A_174 : vector<8x64xi1>, vector<8x64xf32>
      %select_n3A_251 = arith.select %lt3A_249, %select_n3A_248, %scan3A_187 : vector<8x64xi1>, vector<8x64xi32>
      %select_n3A_252 = arith.select %lt3A_249, %scan3A_174, %select_n3A_247 : vector<8x64xi1>, vector<8x64xf32>
      %select_n3A_253 = arith.select %lt3A_249, %scan3A_187, %select_n3A_248 : vector<8x64xi1>, vector<8x64xi32>
      %lt3A_254 = arith.cmpf olt, %select_n3A_252, %scan3A_175 : vector<8x64xf32>
      %select_n3A_255 = arith.select %lt3A_254, %select_n3A_252, %scan3A_175 : vector<8x64xi1>, vector<8x64xf32>
      %select_n3A_256 = arith.select %lt3A_254, %select_n3A_253, %scan3A_188 : vector<8x64xi1>, vector<8x64xi32>
      %select_n3A_257 = arith.select %lt3A_254, %scan3A_175, %select_n3A_252 : vector<8x64xi1>, vector<8x64xf32>
      %select_n3A_258 = arith.select %lt3A_254, %scan3A_188, %select_n3A_253 : vector<8x64xi1>, vector<8x64xi32>
      %lt3A_259 = arith.cmpf olt, %select_n3A_257, %scan3A_176 : vector<8x64xf32>
      %select_n3A_260 = arith.select %lt3A_259, %select_n3A_257, %scan3A_176 : vector<8x64xi1>, vector<8x64xf32>
      %select_n3A_261 = arith.select %lt3A_259, %select_n3A_258, %scan3A_189 : vector<8x64xi1>, vector<8x64xi32>
      %select_n3A_262 = arith.select %lt3A_259, %scan3A_176, %select_n3A_257 : vector<8x64xi1>, vector<8x64xf32>
      %select_n3A_263 = arith.select %lt3A_259, %scan3A_189, %select_n3A_258 : vector<8x64xi1>, vector<8x64xi32>
      %lt3A_264 = arith.cmpf olt, %select_n3A_262, %scan3A_177 : vector<8x64xf32>
      %select_n3A_265 = arith.select %lt3A_264, %select_n3A_262, %scan3A_177 : vector<8x64xi1>, vector<8x64xf32>
      %select_n3A_266 = arith.select %lt3A_264, %select_n3A_263, %scan3A_190 : vector<8x64xi1>, vector<8x64xi32>
      %slice3A_267 = vector.extract_strided_slice %get3A_197 {offsets = [0, 0, 1], sizes = [8, 8, 64], strides = [1, 1, 1]} : vector<8x8x94xf32> to vector<8x8x64xf32>
      %sub3A_268 = arith.subf %get3A_6, %slice3A_267 : vector<8x8x64xf32>
      %mul3A_269 = arith.mulf %sub3A_268, %sub3A_268 : vector<8x8x64xf32>
      %reduce_sum3A_270 = arith.constant dense<0.000000e+00> : vector<8x64xf32>
      %reduce_sum3A_271 = vector.multi_reduction <add>, %mul3A_269, %reduce_sum3A_270 [0] : vector<8x8x64xf32> to vector<8x64xf32>
      %mul3A_272 = arith.constant 94 : i32
      %mul3A_273 = arith.muli %scan3A_164, %mul3A_272 : i32
      %add3A_274 = arith.constant 1 : i32
      %add3A_275 = arith.addi %mul3A_273, %add3A_274 : i32
      %add3A_276 = vector.broadcast %add3A_275 : i32 to vector<8x64xi32>
      %add3A_277 = arith.addi %add3A_17, %add3A_276 : vector<8x64xi32>
      %lt3A_278 = arith.cmpf olt, %reduce_sum3A_271, %select_n3A : vector<8x64xf32>
      %select_n3A_279 = arith.select %lt3A_278, %reduce_sum3A_271, %select_n3A : vector<8x64xi1>, vector<8x64xf32>
      %select_n3A_280 = arith.select %lt3A_278, %add3A_277, %select_n3A_206 : vector<8x64xi1>, vector<8x64xi32>
      %select_n3A_281 = arith.select %lt3A_278, %select_n3A, %reduce_sum3A_271 : vector<8x64xi1>, vector<8x64xf32>
      %select_n3A_282 = arith.select %lt3A_278, %select_n3A_206, %add3A_277 : vector<8x64xi1>, vector<8x64xi32>
      %lt3A_283 = arith.cmpf olt, %select_n3A_281, %select_n3A_210 : vector<8x64xf32>
      %select_n3A_284 = arith.select %lt3A_283, %select_n3A_281, %select_n3A_210 : vector<8x64xi1>, vector<8x64xf32>
      %select_n3A_285 = arith.select %lt3A_283, %select_n3A_282, %select_n3A_211 : vector<8x64xi1>, vector<8x64xi32>
      %select_n3A_286 = arith.select %lt3A_283, %select_n3A_210, %select_n3A_281 : vector<8x64xi1>, vector<8x64xf32>
      %select_n3A_287 = arith.select %lt3A_283, %select_n3A_211, %select_n3A_282 : vector<8x64xi1>, vector<8x64xi32>
      %lt3A_288 = arith.cmpf olt, %select_n3A_286, %select_n3A_215 : vector<8x64xf32>
      %select_n3A_289 = arith.select %lt3A_288, %select_n3A_286, %select_n3A_215 : vector<8x64xi1>, vector<8x64xf32>
      %select_n3A_290 = arith.select %lt3A_288, %select_n3A_287, %select_n3A_216 : vector<8x64xi1>, vector<8x64xi32>
      %select_n3A_291 = arith.select %lt3A_288, %select_n3A_215, %select_n3A_286 : vector<8x64xi1>, vector<8x64xf32>
      %select_n3A_292 = arith.select %lt3A_288, %select_n3A_216, %select_n3A_287 : vector<8x64xi1>, vector<8x64xi32>
      %lt3A_293 = arith.cmpf olt, %select_n3A_291, %select_n3A_220 : vector<8x64xf32>
      %select_n3A_294 = arith.select %lt3A_293, %select_n3A_291, %select_n3A_220 : vector<8x64xi1>, vector<8x64xf32>
      %select_n3A_295 = arith.select %lt3A_293, %select_n3A_292, %select_n3A_221 : vector<8x64xi1>, vector<8x64xi32>
      %select_n3A_296 = arith.select %lt3A_293, %select_n3A_220, %select_n3A_291 : vector<8x64xi1>, vector<8x64xf32>
      %select_n3A_297 = arith.select %lt3A_293, %select_n3A_221, %select_n3A_292 : vector<8x64xi1>, vector<8x64xi32>
      %lt3A_298 = arith.cmpf olt, %select_n3A_296, %select_n3A_225 : vector<8x64xf32>
      %select_n3A_299 = arith.select %lt3A_298, %select_n3A_296, %select_n3A_225 : vector<8x64xi1>, vector<8x64xf32>
      %select_n3A_300 = arith.select %lt3A_298, %select_n3A_297, %select_n3A_226 : vector<8x64xi1>, vector<8x64xi32>
      %select_n3A_301 = arith.select %lt3A_298, %select_n3A_225, %select_n3A_296 : vector<8x64xi1>, vector<8x64xf32>
      %select_n3A_302 = arith.select %lt3A_298, %select_n3A_226, %select_n3A_297 : vector<8x64xi1>, vector<8x64xi32>
      %lt3A_303 = arith.cmpf olt, %select_n3A_301, %select_n3A_230 : vector<8x64xf32>
      %select_n3A_304 = arith.select %lt3A_303, %select_n3A_301, %select_n3A_230 : vector<8x64xi1>, vector<8x64xf32>
      %select_n3A_305 = arith.select %lt3A_303, %select_n3A_302, %select_n3A_231 : vector<8x64xi1>, vector<8x64xi32>
      %select_n3A_306 = arith.select %lt3A_303, %select_n3A_230, %select_n3A_301 : vector<8x64xi1>, vector<8x64xf32>
      %select_n3A_307 = arith.select %lt3A_303, %select_n3A_231, %select_n3A_302 : vector<8x64xi1>, vector<8x64xi32>
      %lt3A_308 = arith.cmpf olt, %select_n3A_306, %select_n3A_235 : vector<8x64xf32>
      %select_n3A_309 = arith.select %lt3A_308, %select_n3A_306, %select_n3A_235 : vector<8x64xi1>, vector<8x64xf32>
      %select_n3A_310 = arith.select %lt3A_308, %select_n3A_307, %select_n3A_236 : vector<8x64xi1>, vector<8x64xi32>
      %select_n3A_311 = arith.select %lt3A_308, %select_n3A_235, %select_n3A_306 : vector<8x64xi1>, vector<8x64xf32>
      %select_n3A_312 = arith.select %lt3A_308, %select_n3A_236, %select_n3A_307 : vector<8x64xi1>, vector<8x64xi32>
      %lt3A_313 = arith.cmpf olt, %select_n3A_311, %select_n3A_240 : vector<8x64xf32>
      %select_n3A_314 = arith.select %lt3A_313, %select_n3A_311, %select_n3A_240 : vector<8x64xi1>, vector<8x64xf32>
      %select_n3A_315 = arith.select %lt3A_313, %select_n3A_312, %select_n3A_241 : vector<8x64xi1>, vector<8x64xi32>
      %select_n3A_316 = arith.select %lt3A_313, %select_n3A_240, %select_n3A_311 : vector<8x64xi1>, vector<8x64xf32>
      %select_n3A_317 = arith.select %lt3A_313, %select_n3A_241, %select_n3A_312 : vector<8x64xi1>, vector<8x64xi32>
      %lt3A_318 = arith.cmpf olt, %select_n3A_316, %select_n3A_245 : vector<8x64xf32>
      %select_n3A_319 = arith.select %lt3A_318, %select_n3A_316, %select_n3A_245 : vector<8x64xi1>, vector<8x64xf32>
      %select_n3A_320 = arith.select %lt3A_318, %select_n3A_317, %select_n3A_246 : vector<8x64xi1>, vector<8x64xi32>
      %select_n3A_321 = arith.select %lt3A_318, %select_n3A_245, %select_n3A_316 : vector<8x64xi1>, vector<8x64xf32>
      %select_n3A_322 = arith.select %lt3A_318, %select_n3A_246, %select_n3A_317 : vector<8x64xi1>, vector<8x64xi32>
      %lt3A_323 = arith.cmpf olt, %select_n3A_321, %select_n3A_250 : vector<8x64xf32>
      %select_n3A_324 = arith.select %lt3A_323, %select_n3A_321, %select_n3A_250 : vector<8x64xi1>, vector<8x64xf32>
      %select_n3A_325 = arith.select %lt3A_323, %select_n3A_322, %select_n3A_251 : vector<8x64xi1>, vector<8x64xi32>
      %select_n3A_326 = arith.select %lt3A_323, %select_n3A_250, %select_n3A_321 : vector<8x64xi1>, vector<8x64xf32>
      %select_n3A_327 = arith.select %lt3A_323, %select_n3A_251, %select_n3A_322 : vector<8x64xi1>, vector<8x64xi32>
      %lt3A_328 = arith.cmpf olt, %select_n3A_326, %select_n3A_255 : vector<8x64xf32>
      %select_n3A_329 = arith.select %lt3A_328, %select_n3A_326, %select_n3A_255 : vector<8x64xi1>, vector<8x64xf32>
      %select_n3A_330 = arith.select %lt3A_328, %select_n3A_327, %select_n3A_256 : vector<8x64xi1>, vector<8x64xi32>
      %select_n3A_331 = arith.select %lt3A_328, %select_n3A_255, %select_n3A_326 : vector<8x64xi1>, vector<8x64xf32>
      %select_n3A_332 = arith.select %lt3A_328, %select_n3A_256, %select_n3A_327 : vector<8x64xi1>, vector<8x64xi32>
      %lt3A_333 = arith.cmpf olt, %select_n3A_331, %select_n3A_260 : vector<8x64xf32>
      %select_n3A_334 = arith.select %lt3A_333, %select_n3A_331, %select_n3A_260 : vector<8x64xi1>, vector<8x64xf32>
      %select_n3A_335 = arith.select %lt3A_333, %select_n3A_332, %select_n3A_261 : vector<8x64xi1>, vector<8x64xi32>
      %select_n3A_336 = arith.select %lt3A_333, %select_n3A_260, %select_n3A_331 : vector<8x64xi1>, vector<8x64xf32>
      %select_n3A_337 = arith.select %lt3A_333, %select_n3A_261, %select_n3A_332 : vector<8x64xi1>, vector<8x64xi32>
      %lt3A_338 = arith.cmpf olt, %select_n3A_336, %select_n3A_265 : vector<8x64xf32>
      %select_n3A_339 = arith.select %lt3A_338, %select_n3A_336, %select_n3A_265 : vector<8x64xi1>, vector<8x64xf32>
      %select_n3A_340 = arith.select %lt3A_338, %select_n3A_337, %select_n3A_266 : vector<8x64xi1>, vector<8x64xi32>
      %slice3A_341 = vector.extract_strided_slice %get3A_197 {offsets = [0, 0, 2], sizes = [8, 8, 64], strides = [1, 1, 1]} : vector<8x8x94xf32> to vector<8x8x64xf32>
      %sub3A_342 = arith.subf %get3A_6, %slice3A_341 : vector<8x8x64xf32>
      %mul3A_343 = arith.mulf %sub3A_342, %sub3A_342 : vector<8x8x64xf32>
      %reduce_sum3A_344 = arith.constant dense<0.000000e+00> : vector<8x64xf32>
      %reduce_sum3A_345 = vector.multi_reduction <add>, %mul3A_343, %reduce_sum3A_344 [0] : vector<8x8x64xf32> to vector<8x64xf32>
      %mul3A_346 = arith.constant 94 : i32
      %mul3A_347 = arith.muli %scan3A_164, %mul3A_346 : i32
      %add3A_348 = arith.constant 2 : i32
      %add3A_349 = arith.addi %mul3A_347, %add3A_348 : i32
      %add3A_350 = vector.broadcast %add3A_349 : i32 to vector<8x64xi32>
      %add3A_351 = arith.addi %add3A_17, %add3A_350 : vector<8x64xi32>
      %lt3A_352 = arith.cmpf olt, %reduce_sum3A_345, %select_n3A_279 : vector<8x64xf32>
      %select_n3A_353 = arith.select %lt3A_352, %reduce_sum3A_345, %select_n3A_279 : vector<8x64xi1>, vector<8x64xf32>
      %select_n3A_354 = arith.select %lt3A_352, %add3A_351, %select_n3A_280 : vector<8x64xi1>, vector<8x64xi32>
      %select_n3A_355 = arith.select %lt3A_352, %select_n3A_279, %reduce_sum3A_345 : vector<8x64xi1>, vector<8x64xf32>
      %select_n3A_356 = arith.select %lt3A_352, %select_n3A_280, %add3A_351 : vector<8x64xi1>, vector<8x64xi32>
      %lt3A_357 = arith.cmpf olt, %select_n3A_355, %select_n3A_284 : vector<8x64xf32>
      %select_n3A_358 = arith.select %lt3A_357, %select_n3A_355, %select_n3A_284 : vector<8x64xi1>, vector<8x64xf32>
      %select_n3A_359 = arith.select %lt3A_357, %select_n3A_356, %select_n3A_285 : vector<8x64xi1>, vector<8x64xi32>
      %select_n3A_360 = arith.select %lt3A_357, %select_n3A_284, %select_n3A_355 : vector<8x64xi1>, vector<8x64xf32>
      %select_n3A_361 = arith.select %lt3A_357, %select_n3A_285, %select_n3A_356 : vector<8x64xi1>, vector<8x64xi32>
      %lt3A_362 = arith.cmpf olt, %select_n3A_360, %select_n3A_289 : vector<8x64xf32>
      %select_n3A_363 = arith.select %lt3A_362, %select_n3A_360, %select_n3A_289 : vector<8x64xi1>, vector<8x64xf32>
      %select_n3A_364 = arith.select %lt3A_362, %select_n3A_361, %select_n3A_290 : vector<8x64xi1>, vector<8x64xi32>
      %select_n3A_365 = arith.select %lt3A_362, %select_n3A_289, %select_n3A_360 : vector<8x64xi1>, vector<8x64xf32>
      %select_n3A_366 = arith.select %lt3A_362, %select_n3A_290, %select_n3A_361 : vector<8x64xi1>, vector<8x64xi32>
      %lt3A_367 = arith.cmpf olt, %select_n3A_365, %select_n3A_294 : vector<8x64xf32>
      %select_n3A_368 = arith.select %lt3A_367, %select_n3A_365, %select_n3A_294 : vector<8x64xi1>, vector<8x64xf32>
      %select_n3A_369 = arith.select %lt3A_367, %select_n3A_366, %select_n3A_295 : vector<8x64xi1>, vector<8x64xi32>
      %select_n3A_370 = arith.select %lt3A_367, %select_n3A_294, %select_n3A_365 : vector<8x64xi1>, vector<8x64xf32>
      %select_n3A_371 = arith.select %lt3A_367, %select_n3A_295, %select_n3A_366 : vector<8x64xi1>, vector<8x64xi32>
      %lt3A_372 = arith.cmpf olt, %select_n3A_370, %select_n3A_299 : vector<8x64xf32>
      %select_n3A_373 = arith.select %lt3A_372, %select_n3A_370, %select_n3A_299 : vector<8x64xi1>, vector<8x64xf32>
      %select_n3A_374 = arith.select %lt3A_372, %select_n3A_371, %select_n3A_300 : vector<8x64xi1>, vector<8x64xi32>
      %select_n3A_375 = arith.select %lt3A_372, %select_n3A_299, %select_n3A_370 : vector<8x64xi1>, vector<8x64xf32>
      %select_n3A_376 = arith.select %lt3A_372, %select_n3A_300, %select_n3A_371 : vector<8x64xi1>, vector<8x64xi32>
      %lt3A_377 = arith.cmpf olt, %select_n3A_375, %select_n3A_304 : vector<8x64xf32>
      %select_n3A_378 = arith.select %lt3A_377, %select_n3A_375, %select_n3A_304 : vector<8x64xi1>, vector<8x64xf32>
      %select_n3A_379 = arith.select %lt3A_377, %select_n3A_376, %select_n3A_305 : vector<8x64xi1>, vector<8x64xi32>
      %select_n3A_380 = arith.select %lt3A_377, %select_n3A_304, %select_n3A_375 : vector<8x64xi1>, vector<8x64xf32>
      %select_n3A_381 = arith.select %lt3A_377, %select_n3A_305, %select_n3A_376 : vector<8x64xi1>, vector<8x64xi32>
      %lt3A_382 = arith.cmpf olt, %select_n3A_380, %select_n3A_309 : vector<8x64xf32>
      %select_n3A_383 = arith.select %lt3A_382, %select_n3A_380, %select_n3A_309 : vector<8x64xi1>, vector<8x64xf32>
      %select_n3A_384 = arith.select %lt3A_382, %select_n3A_381, %select_n3A_310 : vector<8x64xi1>, vector<8x64xi32>
      %select_n3A_385 = arith.select %lt3A_382, %select_n3A_309, %select_n3A_380 : vector<8x64xi1>, vector<8x64xf32>
      %select_n3A_386 = arith.select %lt3A_382, %select_n3A_310, %select_n3A_381 : vector<8x64xi1>, vector<8x64xi32>
      %lt3A_387 = arith.cmpf olt, %select_n3A_385, %select_n3A_314 : vector<8x64xf32>
      %select_n3A_388 = arith.select %lt3A_387, %select_n3A_385, %select_n3A_314 : vector<8x64xi1>, vector<8x64xf32>
      %select_n3A_389 = arith.select %lt3A_387, %select_n3A_386, %select_n3A_315 : vector<8x64xi1>, vector<8x64xi32>
      %select_n3A_390 = arith.select %lt3A_387, %select_n3A_314, %select_n3A_385 : vector<8x64xi1>, vector<8x64xf32>
      %select_n3A_391 = arith.select %lt3A_387, %select_n3A_315, %select_n3A_386 : vector<8x64xi1>, vector<8x64xi32>
      %lt3A_392 = arith.cmpf olt, %select_n3A_390, %select_n3A_319 : vector<8x64xf32>
      %select_n3A_393 = arith.select %lt3A_392, %select_n3A_390, %select_n3A_319 : vector<8x64xi1>, vector<8x64xf32>
      %select_n3A_394 = arith.select %lt3A_392, %select_n3A_391, %select_n3A_320 : vector<8x64xi1>, vector<8x64xi32>
      %select_n3A_395 = arith.select %lt3A_392, %select_n3A_319, %select_n3A_390 : vector<8x64xi1>, vector<8x64xf32>
      %select_n3A_396 = arith.select %lt3A_392, %select_n3A_320, %select_n3A_391 : vector<8x64xi1>, vector<8x64xi32>
      %lt3A_397 = arith.cmpf olt, %select_n3A_395, %select_n3A_324 : vector<8x64xf32>
      %select_n3A_398 = arith.select %lt3A_397, %select_n3A_395, %select_n3A_324 : vector<8x64xi1>, vector<8x64xf32>
      %select_n3A_399 = arith.select %lt3A_397, %select_n3A_396, %select_n3A_325 : vector<8x64xi1>, vector<8x64xi32>
      %select_n3A_400 = arith.select %lt3A_397, %select_n3A_324, %select_n3A_395 : vector<8x64xi1>, vector<8x64xf32>
      %select_n3A_401 = arith.select %lt3A_397, %select_n3A_325, %select_n3A_396 : vector<8x64xi1>, vector<8x64xi32>
      %lt3A_402 = arith.cmpf olt, %select_n3A_400, %select_n3A_329 : vector<8x64xf32>
      %select_n3A_403 = arith.select %lt3A_402, %select_n3A_400, %select_n3A_329 : vector<8x64xi1>, vector<8x64xf32>
      %select_n3A_404 = arith.select %lt3A_402, %select_n3A_401, %select_n3A_330 : vector<8x64xi1>, vector<8x64xi32>
      %select_n3A_405 = arith.select %lt3A_402, %select_n3A_329, %select_n3A_400 : vector<8x64xi1>, vector<8x64xf32>
      %select_n3A_406 = arith.select %lt3A_402, %select_n3A_330, %select_n3A_401 : vector<8x64xi1>, vector<8x64xi32>
      %lt3A_407 = arith.cmpf olt, %select_n3A_405, %select_n3A_334 : vector<8x64xf32>
      %select_n3A_408 = arith.select %lt3A_407, %select_n3A_405, %select_n3A_334 : vector<8x64xi1>, vector<8x64xf32>
      %select_n3A_409 = arith.select %lt3A_407, %select_n3A_406, %select_n3A_335 : vector<8x64xi1>, vector<8x64xi32>
      %select_n3A_410 = arith.select %lt3A_407, %select_n3A_334, %select_n3A_405 : vector<8x64xi1>, vector<8x64xf32>
      %select_n3A_411 = arith.select %lt3A_407, %select_n3A_335, %select_n3A_406 : vector<8x64xi1>, vector<8x64xi32>
      %lt3A_412 = arith.cmpf olt, %select_n3A_410, %select_n3A_339 : vector<8x64xf32>
      %select_n3A_413 = arith.select %lt3A_412, %select_n3A_410, %select_n3A_339 : vector<8x64xi1>, vector<8x64xf32>
      %select_n3A_414 = arith.select %lt3A_412, %select_n3A_411, %select_n3A_340 : vector<8x64xi1>, vector<8x64xi32>
      %slice3A_415 = vector.extract_strided_slice %get3A_197 {offsets = [0, 0, 3], sizes = [8, 8, 64], strides = [1, 1, 1]} : vector<8x8x94xf32> to vector<8x8x64xf32>
      %sub3A_416 = arith.subf %get3A_6, %slice3A_415 : vector<8x8x64xf32>
      %mul3A_417 = arith.mulf %sub3A_416, %sub3A_416 : vector<8x8x64xf32>
      %reduce_sum3A_418 = arith.constant dense<0.000000e+00> : vector<8x64xf32>
      %reduce_sum3A_419 = vector.multi_reduction <add>, %mul3A_417, %reduce_sum3A_418 [0] : vector<8x8x64xf32> to vector<8x64xf32>
      %mul3A_420 = arith.constant 94 : i32
      %mul3A_421 = arith.muli %scan3A_164, %mul3A_420 : i32
      %add3A_422 = arith.constant 3 : i32
      %add3A_423 = arith.addi %mul3A_421, %add3A_422 : i32
      %add3A_424 = vector.broadcast %add3A_423 : i32 to vector<8x64xi32>
      %add3A_425 = arith.addi %add3A_17, %add3A_424 : vector<8x64xi32>
      %lt3A_426 = arith.cmpf olt, %reduce_sum3A_419, %select_n3A_353 : vector<8x64xf32>
      %select_n3A_427 = arith.select %lt3A_426, %reduce_sum3A_419, %select_n3A_353 : vector<8x64xi1>, vector<8x64xf32>
      %select_n3A_428 = arith.select %lt3A_426, %add3A_425, %select_n3A_354 : vector<8x64xi1>, vector<8x64xi32>
      %select_n3A_429 = arith.select %lt3A_426, %select_n3A_353, %reduce_sum3A_419 : vector<8x64xi1>, vector<8x64xf32>
      %select_n3A_430 = arith.select %lt3A_426, %select_n3A_354, %add3A_425 : vector<8x64xi1>, vector<8x64xi32>
      %lt3A_431 = arith.cmpf olt, %select_n3A_429, %select_n3A_358 : vector<8x64xf32>
      %select_n3A_432 = arith.select %lt3A_431, %select_n3A_429, %select_n3A_358 : vector<8x64xi1>, vector<8x64xf32>
      %select_n3A_433 = arith.select %lt3A_431, %select_n3A_430, %select_n3A_359 : vector<8x64xi1>, vector<8x64xi32>
      %select_n3A_434 = arith.select %lt3A_431, %select_n3A_358, %select_n3A_429 : vector<8x64xi1>, vector<8x64xf32>
      %select_n3A_435 = arith.select %lt3A_431, %select_n3A_359, %select_n3A_430 : vector<8x64xi1>, vector<8x64xi32>
      %lt3A_436 = arith.cmpf olt, %select_n3A_434, %select_n3A_363 : vector<8x64xf32>
      %select_n3A_437 = arith.select %lt3A_436, %select_n3A_434, %select_n3A_363 : vector<8x64xi1>, vector<8x64xf32>
      %select_n3A_438 = arith.select %lt3A_436, %select_n3A_435, %select_n3A_364 : vector<8x64xi1>, vector<8x64xi32>
      %select_n3A_439 = arith.select %lt3A_436, %select_n3A_363, %select_n3A_434 : vector<8x64xi1>, vector<8x64xf32>
      %select_n3A_440 = arith.select %lt3A_436, %select_n3A_364, %select_n3A_435 : vector<8x64xi1>, vector<8x64xi32>
      %lt3A_441 = arith.cmpf olt, %select_n3A_439, %select_n3A_368 : vector<8x64xf32>
      %select_n3A_442 = arith.select %lt3A_441, %select_n3A_439, %select_n3A_368 : vector<8x64xi1>, vector<8x64xf32>
      %select_n3A_443 = arith.select %lt3A_441, %select_n3A_440, %select_n3A_369 : vector<8x64xi1>, vector<8x64xi32>
      %select_n3A_444 = arith.select %lt3A_441, %select_n3A_368, %select_n3A_439 : vector<8x64xi1>, vector<8x64xf32>
      %select_n3A_445 = arith.select %lt3A_441, %select_n3A_369, %select_n3A_440 : vector<8x64xi1>, vector<8x64xi32>
      %lt3A_446 = arith.cmpf olt, %select_n3A_444, %select_n3A_373 : vector<8x64xf32>
      %select_n3A_447 = arith.select %lt3A_446, %select_n3A_444, %select_n3A_373 : vector<8x64xi1>, vector<8x64xf32>
      %select_n3A_448 = arith.select %lt3A_446, %select_n3A_445, %select_n3A_374 : vector<8x64xi1>, vector<8x64xi32>
      %select_n3A_449 = arith.select %lt3A_446, %select_n3A_373, %select_n3A_444 : vector<8x64xi1>, vector<8x64xf32>
      %select_n3A_450 = arith.select %lt3A_446, %select_n3A_374, %select_n3A_445 : vector<8x64xi1>, vector<8x64xi32>
      %lt3A_451 = arith.cmpf olt, %select_n3A_449, %select_n3A_378 : vector<8x64xf32>
      %select_n3A_452 = arith.select %lt3A_451, %select_n3A_449, %select_n3A_378 : vector<8x64xi1>, vector<8x64xf32>
      %select_n3A_453 = arith.select %lt3A_451, %select_n3A_450, %select_n3A_379 : vector<8x64xi1>, vector<8x64xi32>
      %select_n3A_454 = arith.select %lt3A_451, %select_n3A_378, %select_n3A_449 : vector<8x64xi1>, vector<8x64xf32>
      %select_n3A_455 = arith.select %lt3A_451, %select_n3A_379, %select_n3A_450 : vector<8x64xi1>, vector<8x64xi32>
      %lt3A_456 = arith.cmpf olt, %select_n3A_454, %select_n3A_383 : vector<8x64xf32>
      %select_n3A_457 = arith.select %lt3A_456, %select_n3A_454, %select_n3A_383 : vector<8x64xi1>, vector<8x64xf32>
      %select_n3A_458 = arith.select %lt3A_456, %select_n3A_455, %select_n3A_384 : vector<8x64xi1>, vector<8x64xi32>
      %select_n3A_459 = arith.select %lt3A_456, %select_n3A_383, %select_n3A_454 : vector<8x64xi1>, vector<8x64xf32>
      %select_n3A_460 = arith.select %lt3A_456, %select_n3A_384, %select_n3A_455 : vector<8x64xi1>, vector<8x64xi32>
      %lt3A_461 = arith.cmpf olt, %select_n3A_459, %select_n3A_388 : vector<8x64xf32>
      %select_n3A_462 = arith.select %lt3A_461, %select_n3A_459, %select_n3A_388 : vector<8x64xi1>, vector<8x64xf32>
      %select_n3A_463 = arith.select %lt3A_461, %select_n3A_460, %select_n3A_389 : vector<8x64xi1>, vector<8x64xi32>
      %select_n3A_464 = arith.select %lt3A_461, %select_n3A_388, %select_n3A_459 : vector<8x64xi1>, vector<8x64xf32>
      %select_n3A_465 = arith.select %lt3A_461, %select_n3A_389, %select_n3A_460 : vector<8x64xi1>, vector<8x64xi32>
      %lt3A_466 = arith.cmpf olt, %select_n3A_464, %select_n3A_393 : vector<8x64xf32>
      %select_n3A_467 = arith.select %lt3A_466, %select_n3A_464, %select_n3A_393 : vector<8x64xi1>, vector<8x64xf32>
      %select_n3A_468 = arith.select %lt3A_466, %select_n3A_465, %select_n3A_394 : vector<8x64xi1>, vector<8x64xi32>
      %select_n3A_469 = arith.select %lt3A_466, %select_n3A_393, %select_n3A_464 : vector<8x64xi1>, vector<8x64xf32>
      %select_n3A_470 = arith.select %lt3A_466, %select_n3A_394, %select_n3A_465 : vector<8x64xi1>, vector<8x64xi32>
      %lt3A_471 = arith.cmpf olt, %select_n3A_469, %select_n3A_398 : vector<8x64xf32>
      %select_n3A_472 = arith.select %lt3A_471, %select_n3A_469, %select_n3A_398 : vector<8x64xi1>, vector<8x64xf32>
      %select_n3A_473 = arith.select %lt3A_471, %select_n3A_470, %select_n3A_399 : vector<8x64xi1>, vector<8x64xi32>
      %select_n3A_474 = arith.select %lt3A_471, %select_n3A_398, %select_n3A_469 : vector<8x64xi1>, vector<8x64xf32>
      %select_n3A_475 = arith.select %lt3A_471, %select_n3A_399, %select_n3A_470 : vector<8x64xi1>, vector<8x64xi32>
      %lt3A_476 = arith.cmpf olt, %select_n3A_474, %select_n3A_403 : vector<8x64xf32>
      %select_n3A_477 = arith.select %lt3A_476, %select_n3A_474, %select_n3A_403 : vector<8x64xi1>, vector<8x64xf32>
      %select_n3A_478 = arith.select %lt3A_476, %select_n3A_475, %select_n3A_404 : vector<8x64xi1>, vector<8x64xi32>
      %select_n3A_479 = arith.select %lt3A_476, %select_n3A_403, %select_n3A_474 : vector<8x64xi1>, vector<8x64xf32>
      %select_n3A_480 = arith.select %lt3A_476, %select_n3A_404, %select_n3A_475 : vector<8x64xi1>, vector<8x64xi32>
      %lt3A_481 = arith.cmpf olt, %select_n3A_479, %select_n3A_408 : vector<8x64xf32>
      %select_n3A_482 = arith.select %lt3A_481, %select_n3A_479, %select_n3A_408 : vector<8x64xi1>, vector<8x64xf32>
      %select_n3A_483 = arith.select %lt3A_481, %select_n3A_480, %select_n3A_409 : vector<8x64xi1>, vector<8x64xi32>
      %select_n3A_484 = arith.select %lt3A_481, %select_n3A_408, %select_n3A_479 : vector<8x64xi1>, vector<8x64xf32>
      %select_n3A_485 = arith.select %lt3A_481, %select_n3A_409, %select_n3A_480 : vector<8x64xi1>, vector<8x64xi32>
      %lt3A_486 = arith.cmpf olt, %select_n3A_484, %select_n3A_413 : vector<8x64xf32>
      %select_n3A_487 = arith.select %lt3A_486, %select_n3A_484, %select_n3A_413 : vector<8x64xi1>, vector<8x64xf32>
      %select_n3A_488 = arith.select %lt3A_486, %select_n3A_485, %select_n3A_414 : vector<8x64xi1>, vector<8x64xi32>
      %slice3A_489 = vector.extract_strided_slice %get3A_197 {offsets = [0, 0, 4], sizes = [8, 8, 64], strides = [1, 1, 1]} : vector<8x8x94xf32> to vector<8x8x64xf32>
      %sub3A_490 = arith.subf %get3A_6, %slice3A_489 : vector<8x8x64xf32>
      %mul3A_491 = arith.mulf %sub3A_490, %sub3A_490 : vector<8x8x64xf32>
      %reduce_sum3A_492 = arith.constant dense<0.000000e+00> : vector<8x64xf32>
      %reduce_sum3A_493 = vector.multi_reduction <add>, %mul3A_491, %reduce_sum3A_492 [0] : vector<8x8x64xf32> to vector<8x64xf32>
      %mul3A_494 = arith.constant 94 : i32
      %mul3A_495 = arith.muli %scan3A_164, %mul3A_494 : i32
      %add3A_496 = arith.constant 4 : i32
      %add3A_497 = arith.addi %mul3A_495, %add3A_496 : i32
      %add3A_498 = vector.broadcast %add3A_497 : i32 to vector<8x64xi32>
      %add3A_499 = arith.addi %add3A_17, %add3A_498 : vector<8x64xi32>
      %lt3A_500 = arith.cmpf olt, %reduce_sum3A_493, %select_n3A_427 : vector<8x64xf32>
      %select_n3A_501 = arith.select %lt3A_500, %reduce_sum3A_493, %select_n3A_427 : vector<8x64xi1>, vector<8x64xf32>
      %select_n3A_502 = arith.select %lt3A_500, %add3A_499, %select_n3A_428 : vector<8x64xi1>, vector<8x64xi32>
      %select_n3A_503 = arith.select %lt3A_500, %select_n3A_427, %reduce_sum3A_493 : vector<8x64xi1>, vector<8x64xf32>
      %select_n3A_504 = arith.select %lt3A_500, %select_n3A_428, %add3A_499 : vector<8x64xi1>, vector<8x64xi32>
      %lt3A_505 = arith.cmpf olt, %select_n3A_503, %select_n3A_432 : vector<8x64xf32>
      %select_n3A_506 = arith.select %lt3A_505, %select_n3A_503, %select_n3A_432 : vector<8x64xi1>, vector<8x64xf32>
      %select_n3A_507 = arith.select %lt3A_505, %select_n3A_504, %select_n3A_433 : vector<8x64xi1>, vector<8x64xi32>
      %select_n3A_508 = arith.select %lt3A_505, %select_n3A_432, %select_n3A_503 : vector<8x64xi1>, vector<8x64xf32>
      %select_n3A_509 = arith.select %lt3A_505, %select_n3A_433, %select_n3A_504 : vector<8x64xi1>, vector<8x64xi32>
      %lt3A_510 = arith.cmpf olt, %select_n3A_508, %select_n3A_437 : vector<8x64xf32>
      %select_n3A_511 = arith.select %lt3A_510, %select_n3A_508, %select_n3A_437 : vector<8x64xi1>, vector<8x64xf32>
      %select_n3A_512 = arith.select %lt3A_510, %select_n3A_509, %select_n3A_438 : vector<8x64xi1>, vector<8x64xi32>
      %select_n3A_513 = arith.select %lt3A_510, %select_n3A_437, %select_n3A_508 : vector<8x64xi1>, vector<8x64xf32>
      %select_n3A_514 = arith.select %lt3A_510, %select_n3A_438, %select_n3A_509 : vector<8x64xi1>, vector<8x64xi32>
      %lt3A_515 = arith.cmpf olt, %select_n3A_513, %select_n3A_442 : vector<8x64xf32>
      %select_n3A_516 = arith.select %lt3A_515, %select_n3A_513, %select_n3A_442 : vector<8x64xi1>, vector<8x64xf32>
      %select_n3A_517 = arith.select %lt3A_515, %select_n3A_514, %select_n3A_443 : vector<8x64xi1>, vector<8x64xi32>
      %select_n3A_518 = arith.select %lt3A_515, %select_n3A_442, %select_n3A_513 : vector<8x64xi1>, vector<8x64xf32>
      %select_n3A_519 = arith.select %lt3A_515, %select_n3A_443, %select_n3A_514 : vector<8x64xi1>, vector<8x64xi32>
      %lt3A_520 = arith.cmpf olt, %select_n3A_518, %select_n3A_447 : vector<8x64xf32>
      %select_n3A_521 = arith.select %lt3A_520, %select_n3A_518, %select_n3A_447 : vector<8x64xi1>, vector<8x64xf32>
      %select_n3A_522 = arith.select %lt3A_520, %select_n3A_519, %select_n3A_448 : vector<8x64xi1>, vector<8x64xi32>
      %select_n3A_523 = arith.select %lt3A_520, %select_n3A_447, %select_n3A_518 : vector<8x64xi1>, vector<8x64xf32>
      %select_n3A_524 = arith.select %lt3A_520, %select_n3A_448, %select_n3A_519 : vector<8x64xi1>, vector<8x64xi32>
      %lt3A_525 = arith.cmpf olt, %select_n3A_523, %select_n3A_452 : vector<8x64xf32>
      %select_n3A_526 = arith.select %lt3A_525, %select_n3A_523, %select_n3A_452 : vector<8x64xi1>, vector<8x64xf32>
      %select_n3A_527 = arith.select %lt3A_525, %select_n3A_524, %select_n3A_453 : vector<8x64xi1>, vector<8x64xi32>
      %select_n3A_528 = arith.select %lt3A_525, %select_n3A_452, %select_n3A_523 : vector<8x64xi1>, vector<8x64xf32>
      %select_n3A_529 = arith.select %lt3A_525, %select_n3A_453, %select_n3A_524 : vector<8x64xi1>, vector<8x64xi32>
      %lt3A_530 = arith.cmpf olt, %select_n3A_528, %select_n3A_457 : vector<8x64xf32>
      %select_n3A_531 = arith.select %lt3A_530, %select_n3A_528, %select_n3A_457 : vector<8x64xi1>, vector<8x64xf32>
      %select_n3A_532 = arith.select %lt3A_530, %select_n3A_529, %select_n3A_458 : vector<8x64xi1>, vector<8x64xi32>
      %select_n3A_533 = arith.select %lt3A_530, %select_n3A_457, %select_n3A_528 : vector<8x64xi1>, vector<8x64xf32>
      %select_n3A_534 = arith.select %lt3A_530, %select_n3A_458, %select_n3A_529 : vector<8x64xi1>, vector<8x64xi32>
      %lt3A_535 = arith.cmpf olt, %select_n3A_533, %select_n3A_462 : vector<8x64xf32>
      %select_n3A_536 = arith.select %lt3A_535, %select_n3A_533, %select_n3A_462 : vector<8x64xi1>, vector<8x64xf32>
      %select_n3A_537 = arith.select %lt3A_535, %select_n3A_534, %select_n3A_463 : vector<8x64xi1>, vector<8x64xi32>
      %select_n3A_538 = arith.select %lt3A_535, %select_n3A_462, %select_n3A_533 : vector<8x64xi1>, vector<8x64xf32>
      %select_n3A_539 = arith.select %lt3A_535, %select_n3A_463, %select_n3A_534 : vector<8x64xi1>, vector<8x64xi32>
      %lt3A_540 = arith.cmpf olt, %select_n3A_538, %select_n3A_467 : vector<8x64xf32>
      %select_n3A_541 = arith.select %lt3A_540, %select_n3A_538, %select_n3A_467 : vector<8x64xi1>, vector<8x64xf32>
      %select_n3A_542 = arith.select %lt3A_540, %select_n3A_539, %select_n3A_468 : vector<8x64xi1>, vector<8x64xi32>
      %select_n3A_543 = arith.select %lt3A_540, %select_n3A_467, %select_n3A_538 : vector<8x64xi1>, vector<8x64xf32>
      %select_n3A_544 = arith.select %lt3A_540, %select_n3A_468, %select_n3A_539 : vector<8x64xi1>, vector<8x64xi32>
      %lt3A_545 = arith.cmpf olt, %select_n3A_543, %select_n3A_472 : vector<8x64xf32>
      %select_n3A_546 = arith.select %lt3A_545, %select_n3A_543, %select_n3A_472 : vector<8x64xi1>, vector<8x64xf32>
      %select_n3A_547 = arith.select %lt3A_545, %select_n3A_544, %select_n3A_473 : vector<8x64xi1>, vector<8x64xi32>
      %select_n3A_548 = arith.select %lt3A_545, %select_n3A_472, %select_n3A_543 : vector<8x64xi1>, vector<8x64xf32>
      %select_n3A_549 = arith.select %lt3A_545, %select_n3A_473, %select_n3A_544 : vector<8x64xi1>, vector<8x64xi32>
      %lt3A_550 = arith.cmpf olt, %select_n3A_548, %select_n3A_477 : vector<8x64xf32>
      %select_n3A_551 = arith.select %lt3A_550, %select_n3A_548, %select_n3A_477 : vector<8x64xi1>, vector<8x64xf32>
      %select_n3A_552 = arith.select %lt3A_550, %select_n3A_549, %select_n3A_478 : vector<8x64xi1>, vector<8x64xi32>
      %select_n3A_553 = arith.select %lt3A_550, %select_n3A_477, %select_n3A_548 : vector<8x64xi1>, vector<8x64xf32>
      %select_n3A_554 = arith.select %lt3A_550, %select_n3A_478, %select_n3A_549 : vector<8x64xi1>, vector<8x64xi32>
      %lt3A_555 = arith.cmpf olt, %select_n3A_553, %select_n3A_482 : vector<8x64xf32>
      %select_n3A_556 = arith.select %lt3A_555, %select_n3A_553, %select_n3A_482 : vector<8x64xi1>, vector<8x64xf32>
      %select_n3A_557 = arith.select %lt3A_555, %select_n3A_554, %select_n3A_483 : vector<8x64xi1>, vector<8x64xi32>
      %select_n3A_558 = arith.select %lt3A_555, %select_n3A_482, %select_n3A_553 : vector<8x64xi1>, vector<8x64xf32>
      %select_n3A_559 = arith.select %lt3A_555, %select_n3A_483, %select_n3A_554 : vector<8x64xi1>, vector<8x64xi32>
      %lt3A_560 = arith.cmpf olt, %select_n3A_558, %select_n3A_487 : vector<8x64xf32>
      %select_n3A_561 = arith.select %lt3A_560, %select_n3A_558, %select_n3A_487 : vector<8x64xi1>, vector<8x64xf32>
      %select_n3A_562 = arith.select %lt3A_560, %select_n3A_559, %select_n3A_488 : vector<8x64xi1>, vector<8x64xi32>
      %slice3A_563 = vector.extract_strided_slice %get3A_197 {offsets = [0, 0, 5], sizes = [8, 8, 64], strides = [1, 1, 1]} : vector<8x8x94xf32> to vector<8x8x64xf32>
      %sub3A_564 = arith.subf %get3A_6, %slice3A_563 : vector<8x8x64xf32>
      %mul3A_565 = arith.mulf %sub3A_564, %sub3A_564 : vector<8x8x64xf32>
      %reduce_sum3A_566 = arith.constant dense<0.000000e+00> : vector<8x64xf32>
      %reduce_sum3A_567 = vector.multi_reduction <add>, %mul3A_565, %reduce_sum3A_566 [0] : vector<8x8x64xf32> to vector<8x64xf32>
      %mul3A_568 = arith.constant 94 : i32
      %mul3A_569 = arith.muli %scan3A_164, %mul3A_568 : i32
      %add3A_570 = arith.constant 5 : i32
      %add3A_571 = arith.addi %mul3A_569, %add3A_570 : i32
      %add3A_572 = vector.broadcast %add3A_571 : i32 to vector<8x64xi32>
      %add3A_573 = arith.addi %add3A_17, %add3A_572 : vector<8x64xi32>
      %lt3A_574 = arith.cmpf olt, %reduce_sum3A_567, %select_n3A_501 : vector<8x64xf32>
      %select_n3A_575 = arith.select %lt3A_574, %reduce_sum3A_567, %select_n3A_501 : vector<8x64xi1>, vector<8x64xf32>
      %select_n3A_576 = arith.select %lt3A_574, %add3A_573, %select_n3A_502 : vector<8x64xi1>, vector<8x64xi32>
      %select_n3A_577 = arith.select %lt3A_574, %select_n3A_501, %reduce_sum3A_567 : vector<8x64xi1>, vector<8x64xf32>
      %select_n3A_578 = arith.select %lt3A_574, %select_n3A_502, %add3A_573 : vector<8x64xi1>, vector<8x64xi32>
      %lt3A_579 = arith.cmpf olt, %select_n3A_577, %select_n3A_506 : vector<8x64xf32>
      %select_n3A_580 = arith.select %lt3A_579, %select_n3A_577, %select_n3A_506 : vector<8x64xi1>, vector<8x64xf32>
      %select_n3A_581 = arith.select %lt3A_579, %select_n3A_578, %select_n3A_507 : vector<8x64xi1>, vector<8x64xi32>
      %select_n3A_582 = arith.select %lt3A_579, %select_n3A_506, %select_n3A_577 : vector<8x64xi1>, vector<8x64xf32>
      %select_n3A_583 = arith.select %lt3A_579, %select_n3A_507, %select_n3A_578 : vector<8x64xi1>, vector<8x64xi32>
      %lt3A_584 = arith.cmpf olt, %select_n3A_582, %select_n3A_511 : vector<8x64xf32>
      %select_n3A_585 = arith.select %lt3A_584, %select_n3A_582, %select_n3A_511 : vector<8x64xi1>, vector<8x64xf32>
      %select_n3A_586 = arith.select %lt3A_584, %select_n3A_583, %select_n3A_512 : vector<8x64xi1>, vector<8x64xi32>
      %select_n3A_587 = arith.select %lt3A_584, %select_n3A_511, %select_n3A_582 : vector<8x64xi1>, vector<8x64xf32>
      %select_n3A_588 = arith.select %lt3A_584, %select_n3A_512, %select_n3A_583 : vector<8x64xi1>, vector<8x64xi32>
      %lt3A_589 = arith.cmpf olt, %select_n3A_587, %select_n3A_516 : vector<8x64xf32>
      %select_n3A_590 = arith.select %lt3A_589, %select_n3A_587, %select_n3A_516 : vector<8x64xi1>, vector<8x64xf32>
      %select_n3A_591 = arith.select %lt3A_589, %select_n3A_588, %select_n3A_517 : vector<8x64xi1>, vector<8x64xi32>
      %select_n3A_592 = arith.select %lt3A_589, %select_n3A_516, %select_n3A_587 : vector<8x64xi1>, vector<8x64xf32>
      %select_n3A_593 = arith.select %lt3A_589, %select_n3A_517, %select_n3A_588 : vector<8x64xi1>, vector<8x64xi32>
      %lt3A_594 = arith.cmpf olt, %select_n3A_592, %select_n3A_521 : vector<8x64xf32>
      %select_n3A_595 = arith.select %lt3A_594, %select_n3A_592, %select_n3A_521 : vector<8x64xi1>, vector<8x64xf32>
      %select_n3A_596 = arith.select %lt3A_594, %select_n3A_593, %select_n3A_522 : vector<8x64xi1>, vector<8x64xi32>
      %select_n3A_597 = arith.select %lt3A_594, %select_n3A_521, %select_n3A_592 : vector<8x64xi1>, vector<8x64xf32>
      %select_n3A_598 = arith.select %lt3A_594, %select_n3A_522, %select_n3A_593 : vector<8x64xi1>, vector<8x64xi32>
      %lt3A_599 = arith.cmpf olt, %select_n3A_597, %select_n3A_526 : vector<8x64xf32>
      %select_n3A_600 = arith.select %lt3A_599, %select_n3A_597, %select_n3A_526 : vector<8x64xi1>, vector<8x64xf32>
      %select_n3A_601 = arith.select %lt3A_599, %select_n3A_598, %select_n3A_527 : vector<8x64xi1>, vector<8x64xi32>
      %select_n3A_602 = arith.select %lt3A_599, %select_n3A_526, %select_n3A_597 : vector<8x64xi1>, vector<8x64xf32>
      %select_n3A_603 = arith.select %lt3A_599, %select_n3A_527, %select_n3A_598 : vector<8x64xi1>, vector<8x64xi32>
      %lt3A_604 = arith.cmpf olt, %select_n3A_602, %select_n3A_531 : vector<8x64xf32>
      %select_n3A_605 = arith.select %lt3A_604, %select_n3A_602, %select_n3A_531 : vector<8x64xi1>, vector<8x64xf32>
      %select_n3A_606 = arith.select %lt3A_604, %select_n3A_603, %select_n3A_532 : vector<8x64xi1>, vector<8x64xi32>
      %select_n3A_607 = arith.select %lt3A_604, %select_n3A_531, %select_n3A_602 : vector<8x64xi1>, vector<8x64xf32>
      %select_n3A_608 = arith.select %lt3A_604, %select_n3A_532, %select_n3A_603 : vector<8x64xi1>, vector<8x64xi32>
      %lt3A_609 = arith.cmpf olt, %select_n3A_607, %select_n3A_536 : vector<8x64xf32>
      %select_n3A_610 = arith.select %lt3A_609, %select_n3A_607, %select_n3A_536 : vector<8x64xi1>, vector<8x64xf32>
      %select_n3A_611 = arith.select %lt3A_609, %select_n3A_608, %select_n3A_537 : vector<8x64xi1>, vector<8x64xi32>
      %select_n3A_612 = arith.select %lt3A_609, %select_n3A_536, %select_n3A_607 : vector<8x64xi1>, vector<8x64xf32>
      %select_n3A_613 = arith.select %lt3A_609, %select_n3A_537, %select_n3A_608 : vector<8x64xi1>, vector<8x64xi32>
      %lt3A_614 = arith.cmpf olt, %select_n3A_612, %select_n3A_541 : vector<8x64xf32>
      %select_n3A_615 = arith.select %lt3A_614, %select_n3A_612, %select_n3A_541 : vector<8x64xi1>, vector<8x64xf32>
      %select_n3A_616 = arith.select %lt3A_614, %select_n3A_613, %select_n3A_542 : vector<8x64xi1>, vector<8x64xi32>
      %select_n3A_617 = arith.select %lt3A_614, %select_n3A_541, %select_n3A_612 : vector<8x64xi1>, vector<8x64xf32>
      %select_n3A_618 = arith.select %lt3A_614, %select_n3A_542, %select_n3A_613 : vector<8x64xi1>, vector<8x64xi32>
      %lt3A_619 = arith.cmpf olt, %select_n3A_617, %select_n3A_546 : vector<8x64xf32>
      %select_n3A_620 = arith.select %lt3A_619, %select_n3A_617, %select_n3A_546 : vector<8x64xi1>, vector<8x64xf32>
      %select_n3A_621 = arith.select %lt3A_619, %select_n3A_618, %select_n3A_547 : vector<8x64xi1>, vector<8x64xi32>
      %select_n3A_622 = arith.select %lt3A_619, %select_n3A_546, %select_n3A_617 : vector<8x64xi1>, vector<8x64xf32>
      %select_n3A_623 = arith.select %lt3A_619, %select_n3A_547, %select_n3A_618 : vector<8x64xi1>, vector<8x64xi32>
      %lt3A_624 = arith.cmpf olt, %select_n3A_622, %select_n3A_551 : vector<8x64xf32>
      %select_n3A_625 = arith.select %lt3A_624, %select_n3A_622, %select_n3A_551 : vector<8x64xi1>, vector<8x64xf32>
      %select_n3A_626 = arith.select %lt3A_624, %select_n3A_623, %select_n3A_552 : vector<8x64xi1>, vector<8x64xi32>
      %select_n3A_627 = arith.select %lt3A_624, %select_n3A_551, %select_n3A_622 : vector<8x64xi1>, vector<8x64xf32>
      %select_n3A_628 = arith.select %lt3A_624, %select_n3A_552, %select_n3A_623 : vector<8x64xi1>, vector<8x64xi32>
      %lt3A_629 = arith.cmpf olt, %select_n3A_627, %select_n3A_556 : vector<8x64xf32>
      %select_n3A_630 = arith.select %lt3A_629, %select_n3A_627, %select_n3A_556 : vector<8x64xi1>, vector<8x64xf32>
      %select_n3A_631 = arith.select %lt3A_629, %select_n3A_628, %select_n3A_557 : vector<8x64xi1>, vector<8x64xi32>
      %select_n3A_632 = arith.select %lt3A_629, %select_n3A_556, %select_n3A_627 : vector<8x64xi1>, vector<8x64xf32>
      %select_n3A_633 = arith.select %lt3A_629, %select_n3A_557, %select_n3A_628 : vector<8x64xi1>, vector<8x64xi32>
      %lt3A_634 = arith.cmpf olt, %select_n3A_632, %select_n3A_561 : vector<8x64xf32>
      %select_n3A_635 = arith.select %lt3A_634, %select_n3A_632, %select_n3A_561 : vector<8x64xi1>, vector<8x64xf32>
      %select_n3A_636 = arith.select %lt3A_634, %select_n3A_633, %select_n3A_562 : vector<8x64xi1>, vector<8x64xi32>
      %slice3A_637 = vector.extract_strided_slice %get3A_197 {offsets = [0, 0, 6], sizes = [8, 8, 64], strides = [1, 1, 1]} : vector<8x8x94xf32> to vector<8x8x64xf32>
      %sub3A_638 = arith.subf %get3A_6, %slice3A_637 : vector<8x8x64xf32>
      %mul3A_639 = arith.mulf %sub3A_638, %sub3A_638 : vector<8x8x64xf32>
      %reduce_sum3A_640 = arith.constant dense<0.000000e+00> : vector<8x64xf32>
      %reduce_sum3A_641 = vector.multi_reduction <add>, %mul3A_639, %reduce_sum3A_640 [0] : vector<8x8x64xf32> to vector<8x64xf32>
      %mul3A_642 = arith.constant 94 : i32
      %mul3A_643 = arith.muli %scan3A_164, %mul3A_642 : i32
      %add3A_644 = arith.constant 6 : i32
      %add3A_645 = arith.addi %mul3A_643, %add3A_644 : i32
      %add3A_646 = vector.broadcast %add3A_645 : i32 to vector<8x64xi32>
      %add3A_647 = arith.addi %add3A_17, %add3A_646 : vector<8x64xi32>
      %lt3A_648 = arith.cmpf olt, %reduce_sum3A_641, %select_n3A_575 : vector<8x64xf32>
      %select_n3A_649 = arith.select %lt3A_648, %reduce_sum3A_641, %select_n3A_575 : vector<8x64xi1>, vector<8x64xf32>
      %select_n3A_650 = arith.select %lt3A_648, %add3A_647, %select_n3A_576 : vector<8x64xi1>, vector<8x64xi32>
      %select_n3A_651 = arith.select %lt3A_648, %select_n3A_575, %reduce_sum3A_641 : vector<8x64xi1>, vector<8x64xf32>
      %select_n3A_652 = arith.select %lt3A_648, %select_n3A_576, %add3A_647 : vector<8x64xi1>, vector<8x64xi32>
      %lt3A_653 = arith.cmpf olt, %select_n3A_651, %select_n3A_580 : vector<8x64xf32>
      %select_n3A_654 = arith.select %lt3A_653, %select_n3A_651, %select_n3A_580 : vector<8x64xi1>, vector<8x64xf32>
      %select_n3A_655 = arith.select %lt3A_653, %select_n3A_652, %select_n3A_581 : vector<8x64xi1>, vector<8x64xi32>
      %select_n3A_656 = arith.select %lt3A_653, %select_n3A_580, %select_n3A_651 : vector<8x64xi1>, vector<8x64xf32>
      %select_n3A_657 = arith.select %lt3A_653, %select_n3A_581, %select_n3A_652 : vector<8x64xi1>, vector<8x64xi32>
      %lt3A_658 = arith.cmpf olt, %select_n3A_656, %select_n3A_585 : vector<8x64xf32>
      %select_n3A_659 = arith.select %lt3A_658, %select_n3A_656, %select_n3A_585 : vector<8x64xi1>, vector<8x64xf32>
      %select_n3A_660 = arith.select %lt3A_658, %select_n3A_657, %select_n3A_586 : vector<8x64xi1>, vector<8x64xi32>
      %select_n3A_661 = arith.select %lt3A_658, %select_n3A_585, %select_n3A_656 : vector<8x64xi1>, vector<8x64xf32>
      %select_n3A_662 = arith.select %lt3A_658, %select_n3A_586, %select_n3A_657 : vector<8x64xi1>, vector<8x64xi32>
      %lt3A_663 = arith.cmpf olt, %select_n3A_661, %select_n3A_590 : vector<8x64xf32>
      %select_n3A_664 = arith.select %lt3A_663, %select_n3A_661, %select_n3A_590 : vector<8x64xi1>, vector<8x64xf32>
      %select_n3A_665 = arith.select %lt3A_663, %select_n3A_662, %select_n3A_591 : vector<8x64xi1>, vector<8x64xi32>
      %select_n3A_666 = arith.select %lt3A_663, %select_n3A_590, %select_n3A_661 : vector<8x64xi1>, vector<8x64xf32>
      %select_n3A_667 = arith.select %lt3A_663, %select_n3A_591, %select_n3A_662 : vector<8x64xi1>, vector<8x64xi32>
      %lt3A_668 = arith.cmpf olt, %select_n3A_666, %select_n3A_595 : vector<8x64xf32>
      %select_n3A_669 = arith.select %lt3A_668, %select_n3A_666, %select_n3A_595 : vector<8x64xi1>, vector<8x64xf32>
      %select_n3A_670 = arith.select %lt3A_668, %select_n3A_667, %select_n3A_596 : vector<8x64xi1>, vector<8x64xi32>
      %select_n3A_671 = arith.select %lt3A_668, %select_n3A_595, %select_n3A_666 : vector<8x64xi1>, vector<8x64xf32>
      %select_n3A_672 = arith.select %lt3A_668, %select_n3A_596, %select_n3A_667 : vector<8x64xi1>, vector<8x64xi32>
      %lt3A_673 = arith.cmpf olt, %select_n3A_671, %select_n3A_600 : vector<8x64xf32>
      %select_n3A_674 = arith.select %lt3A_673, %select_n3A_671, %select_n3A_600 : vector<8x64xi1>, vector<8x64xf32>
      %select_n3A_675 = arith.select %lt3A_673, %select_n3A_672, %select_n3A_601 : vector<8x64xi1>, vector<8x64xi32>
      %select_n3A_676 = arith.select %lt3A_673, %select_n3A_600, %select_n3A_671 : vector<8x64xi1>, vector<8x64xf32>
      %select_n3A_677 = arith.select %lt3A_673, %select_n3A_601, %select_n3A_672 : vector<8x64xi1>, vector<8x64xi32>
      %lt3A_678 = arith.cmpf olt, %select_n3A_676, %select_n3A_605 : vector<8x64xf32>
      %select_n3A_679 = arith.select %lt3A_678, %select_n3A_676, %select_n3A_605 : vector<8x64xi1>, vector<8x64xf32>
      %select_n3A_680 = arith.select %lt3A_678, %select_n3A_677, %select_n3A_606 : vector<8x64xi1>, vector<8x64xi32>
      %select_n3A_681 = arith.select %lt3A_678, %select_n3A_605, %select_n3A_676 : vector<8x64xi1>, vector<8x64xf32>
      %select_n3A_682 = arith.select %lt3A_678, %select_n3A_606, %select_n3A_677 : vector<8x64xi1>, vector<8x64xi32>
      %lt3A_683 = arith.cmpf olt, %select_n3A_681, %select_n3A_610 : vector<8x64xf32>
      %select_n3A_684 = arith.select %lt3A_683, %select_n3A_681, %select_n3A_610 : vector<8x64xi1>, vector<8x64xf32>
      %select_n3A_685 = arith.select %lt3A_683, %select_n3A_682, %select_n3A_611 : vector<8x64xi1>, vector<8x64xi32>
      %select_n3A_686 = arith.select %lt3A_683, %select_n3A_610, %select_n3A_681 : vector<8x64xi1>, vector<8x64xf32>
      %select_n3A_687 = arith.select %lt3A_683, %select_n3A_611, %select_n3A_682 : vector<8x64xi1>, vector<8x64xi32>
      %lt3A_688 = arith.cmpf olt, %select_n3A_686, %select_n3A_615 : vector<8x64xf32>
      %select_n3A_689 = arith.select %lt3A_688, %select_n3A_686, %select_n3A_615 : vector<8x64xi1>, vector<8x64xf32>
      %select_n3A_690 = arith.select %lt3A_688, %select_n3A_687, %select_n3A_616 : vector<8x64xi1>, vector<8x64xi32>
      %select_n3A_691 = arith.select %lt3A_688, %select_n3A_615, %select_n3A_686 : vector<8x64xi1>, vector<8x64xf32>
      %select_n3A_692 = arith.select %lt3A_688, %select_n3A_616, %select_n3A_687 : vector<8x64xi1>, vector<8x64xi32>
      %lt3A_693 = arith.cmpf olt, %select_n3A_691, %select_n3A_620 : vector<8x64xf32>
      %select_n3A_694 = arith.select %lt3A_693, %select_n3A_691, %select_n3A_620 : vector<8x64xi1>, vector<8x64xf32>
      %select_n3A_695 = arith.select %lt3A_693, %select_n3A_692, %select_n3A_621 : vector<8x64xi1>, vector<8x64xi32>
      %select_n3A_696 = arith.select %lt3A_693, %select_n3A_620, %select_n3A_691 : vector<8x64xi1>, vector<8x64xf32>
      %select_n3A_697 = arith.select %lt3A_693, %select_n3A_621, %select_n3A_692 : vector<8x64xi1>, vector<8x64xi32>
      %lt3A_698 = arith.cmpf olt, %select_n3A_696, %select_n3A_625 : vector<8x64xf32>
      %select_n3A_699 = arith.select %lt3A_698, %select_n3A_696, %select_n3A_625 : vector<8x64xi1>, vector<8x64xf32>
      %select_n3A_700 = arith.select %lt3A_698, %select_n3A_697, %select_n3A_626 : vector<8x64xi1>, vector<8x64xi32>
      %select_n3A_701 = arith.select %lt3A_698, %select_n3A_625, %select_n3A_696 : vector<8x64xi1>, vector<8x64xf32>
      %select_n3A_702 = arith.select %lt3A_698, %select_n3A_626, %select_n3A_697 : vector<8x64xi1>, vector<8x64xi32>
      %lt3A_703 = arith.cmpf olt, %select_n3A_701, %select_n3A_630 : vector<8x64xf32>
      %select_n3A_704 = arith.select %lt3A_703, %select_n3A_701, %select_n3A_630 : vector<8x64xi1>, vector<8x64xf32>
      %select_n3A_705 = arith.select %lt3A_703, %select_n3A_702, %select_n3A_631 : vector<8x64xi1>, vector<8x64xi32>
      %select_n3A_706 = arith.select %lt3A_703, %select_n3A_630, %select_n3A_701 : vector<8x64xi1>, vector<8x64xf32>
      %select_n3A_707 = arith.select %lt3A_703, %select_n3A_631, %select_n3A_702 : vector<8x64xi1>, vector<8x64xi32>
      %lt3A_708 = arith.cmpf olt, %select_n3A_706, %select_n3A_635 : vector<8x64xf32>
      %select_n3A_709 = arith.select %lt3A_708, %select_n3A_706, %select_n3A_635 : vector<8x64xi1>, vector<8x64xf32>
      %select_n3A_710 = arith.select %lt3A_708, %select_n3A_707, %select_n3A_636 : vector<8x64xi1>, vector<8x64xi32>
      %slice3A_711 = vector.extract_strided_slice %get3A_197 {offsets = [0, 0, 7], sizes = [8, 8, 64], strides = [1, 1, 1]} : vector<8x8x94xf32> to vector<8x8x64xf32>
      %sub3A_712 = arith.subf %get3A_6, %slice3A_711 : vector<8x8x64xf32>
      %mul3A_713 = arith.mulf %sub3A_712, %sub3A_712 : vector<8x8x64xf32>
      %reduce_sum3A_714 = arith.constant dense<0.000000e+00> : vector<8x64xf32>
      %reduce_sum3A_715 = vector.multi_reduction <add>, %mul3A_713, %reduce_sum3A_714 [0] : vector<8x8x64xf32> to vector<8x64xf32>
      %mul3A_716 = arith.constant 94 : i32
      %mul3A_717 = arith.muli %scan3A_164, %mul3A_716 : i32
      %add3A_718 = arith.constant 7 : i32
      %add3A_719 = arith.addi %mul3A_717, %add3A_718 : i32
      %add3A_720 = vector.broadcast %add3A_719 : i32 to vector<8x64xi32>
      %add3A_721 = arith.addi %add3A_17, %add3A_720 : vector<8x64xi32>
      %lt3A_722 = arith.cmpf olt, %reduce_sum3A_715, %select_n3A_649 : vector<8x64xf32>
      %select_n3A_723 = arith.select %lt3A_722, %reduce_sum3A_715, %select_n3A_649 : vector<8x64xi1>, vector<8x64xf32>
      %select_n3A_724 = arith.select %lt3A_722, %add3A_721, %select_n3A_650 : vector<8x64xi1>, vector<8x64xi32>
      %select_n3A_725 = arith.select %lt3A_722, %select_n3A_649, %reduce_sum3A_715 : vector<8x64xi1>, vector<8x64xf32>
      %select_n3A_726 = arith.select %lt3A_722, %select_n3A_650, %add3A_721 : vector<8x64xi1>, vector<8x64xi32>
      %lt3A_727 = arith.cmpf olt, %select_n3A_725, %select_n3A_654 : vector<8x64xf32>
      %select_n3A_728 = arith.select %lt3A_727, %select_n3A_725, %select_n3A_654 : vector<8x64xi1>, vector<8x64xf32>
      %select_n3A_729 = arith.select %lt3A_727, %select_n3A_726, %select_n3A_655 : vector<8x64xi1>, vector<8x64xi32>
      %select_n3A_730 = arith.select %lt3A_727, %select_n3A_654, %select_n3A_725 : vector<8x64xi1>, vector<8x64xf32>
      %select_n3A_731 = arith.select %lt3A_727, %select_n3A_655, %select_n3A_726 : vector<8x64xi1>, vector<8x64xi32>
      %lt3A_732 = arith.cmpf olt, %select_n3A_730, %select_n3A_659 : vector<8x64xf32>
      %select_n3A_733 = arith.select %lt3A_732, %select_n3A_730, %select_n3A_659 : vector<8x64xi1>, vector<8x64xf32>
      %select_n3A_734 = arith.select %lt3A_732, %select_n3A_731, %select_n3A_660 : vector<8x64xi1>, vector<8x64xi32>
      %select_n3A_735 = arith.select %lt3A_732, %select_n3A_659, %select_n3A_730 : vector<8x64xi1>, vector<8x64xf32>
      %select_n3A_736 = arith.select %lt3A_732, %select_n3A_660, %select_n3A_731 : vector<8x64xi1>, vector<8x64xi32>
      %lt3A_737 = arith.cmpf olt, %select_n3A_735, %select_n3A_664 : vector<8x64xf32>
      %select_n3A_738 = arith.select %lt3A_737, %select_n3A_735, %select_n3A_664 : vector<8x64xi1>, vector<8x64xf32>
      %select_n3A_739 = arith.select %lt3A_737, %select_n3A_736, %select_n3A_665 : vector<8x64xi1>, vector<8x64xi32>
      %select_n3A_740 = arith.select %lt3A_737, %select_n3A_664, %select_n3A_735 : vector<8x64xi1>, vector<8x64xf32>
      %select_n3A_741 = arith.select %lt3A_737, %select_n3A_665, %select_n3A_736 : vector<8x64xi1>, vector<8x64xi32>
      %lt3A_742 = arith.cmpf olt, %select_n3A_740, %select_n3A_669 : vector<8x64xf32>
      %select_n3A_743 = arith.select %lt3A_742, %select_n3A_740, %select_n3A_669 : vector<8x64xi1>, vector<8x64xf32>
      %select_n3A_744 = arith.select %lt3A_742, %select_n3A_741, %select_n3A_670 : vector<8x64xi1>, vector<8x64xi32>
      %select_n3A_745 = arith.select %lt3A_742, %select_n3A_669, %select_n3A_740 : vector<8x64xi1>, vector<8x64xf32>
      %select_n3A_746 = arith.select %lt3A_742, %select_n3A_670, %select_n3A_741 : vector<8x64xi1>, vector<8x64xi32>
      %lt3A_747 = arith.cmpf olt, %select_n3A_745, %select_n3A_674 : vector<8x64xf32>
      %select_n3A_748 = arith.select %lt3A_747, %select_n3A_745, %select_n3A_674 : vector<8x64xi1>, vector<8x64xf32>
      %select_n3A_749 = arith.select %lt3A_747, %select_n3A_746, %select_n3A_675 : vector<8x64xi1>, vector<8x64xi32>
      %select_n3A_750 = arith.select %lt3A_747, %select_n3A_674, %select_n3A_745 : vector<8x64xi1>, vector<8x64xf32>
      %select_n3A_751 = arith.select %lt3A_747, %select_n3A_675, %select_n3A_746 : vector<8x64xi1>, vector<8x64xi32>
      %lt3A_752 = arith.cmpf olt, %select_n3A_750, %select_n3A_679 : vector<8x64xf32>
      %select_n3A_753 = arith.select %lt3A_752, %select_n3A_750, %select_n3A_679 : vector<8x64xi1>, vector<8x64xf32>
      %select_n3A_754 = arith.select %lt3A_752, %select_n3A_751, %select_n3A_680 : vector<8x64xi1>, vector<8x64xi32>
      %select_n3A_755 = arith.select %lt3A_752, %select_n3A_679, %select_n3A_750 : vector<8x64xi1>, vector<8x64xf32>
      %select_n3A_756 = arith.select %lt3A_752, %select_n3A_680, %select_n3A_751 : vector<8x64xi1>, vector<8x64xi32>
      %lt3A_757 = arith.cmpf olt, %select_n3A_755, %select_n3A_684 : vector<8x64xf32>
      %select_n3A_758 = arith.select %lt3A_757, %select_n3A_755, %select_n3A_684 : vector<8x64xi1>, vector<8x64xf32>
      %select_n3A_759 = arith.select %lt3A_757, %select_n3A_756, %select_n3A_685 : vector<8x64xi1>, vector<8x64xi32>
      %select_n3A_760 = arith.select %lt3A_757, %select_n3A_684, %select_n3A_755 : vector<8x64xi1>, vector<8x64xf32>
      %select_n3A_761 = arith.select %lt3A_757, %select_n3A_685, %select_n3A_756 : vector<8x64xi1>, vector<8x64xi32>
      %lt3A_762 = arith.cmpf olt, %select_n3A_760, %select_n3A_689 : vector<8x64xf32>
      %select_n3A_763 = arith.select %lt3A_762, %select_n3A_760, %select_n3A_689 : vector<8x64xi1>, vector<8x64xf32>
      %select_n3A_764 = arith.select %lt3A_762, %select_n3A_761, %select_n3A_690 : vector<8x64xi1>, vector<8x64xi32>
      %select_n3A_765 = arith.select %lt3A_762, %select_n3A_689, %select_n3A_760 : vector<8x64xi1>, vector<8x64xf32>
      %select_n3A_766 = arith.select %lt3A_762, %select_n3A_690, %select_n3A_761 : vector<8x64xi1>, vector<8x64xi32>
      %lt3A_767 = arith.cmpf olt, %select_n3A_765, %select_n3A_694 : vector<8x64xf32>
      %select_n3A_768 = arith.select %lt3A_767, %select_n3A_765, %select_n3A_694 : vector<8x64xi1>, vector<8x64xf32>
      %select_n3A_769 = arith.select %lt3A_767, %select_n3A_766, %select_n3A_695 : vector<8x64xi1>, vector<8x64xi32>
      %select_n3A_770 = arith.select %lt3A_767, %select_n3A_694, %select_n3A_765 : vector<8x64xi1>, vector<8x64xf32>
      %select_n3A_771 = arith.select %lt3A_767, %select_n3A_695, %select_n3A_766 : vector<8x64xi1>, vector<8x64xi32>
      %lt3A_772 = arith.cmpf olt, %select_n3A_770, %select_n3A_699 : vector<8x64xf32>
      %select_n3A_773 = arith.select %lt3A_772, %select_n3A_770, %select_n3A_699 : vector<8x64xi1>, vector<8x64xf32>
      %select_n3A_774 = arith.select %lt3A_772, %select_n3A_771, %select_n3A_700 : vector<8x64xi1>, vector<8x64xi32>
      %select_n3A_775 = arith.select %lt3A_772, %select_n3A_699, %select_n3A_770 : vector<8x64xi1>, vector<8x64xf32>
      %select_n3A_776 = arith.select %lt3A_772, %select_n3A_700, %select_n3A_771 : vector<8x64xi1>, vector<8x64xi32>
      %lt3A_777 = arith.cmpf olt, %select_n3A_775, %select_n3A_704 : vector<8x64xf32>
      %select_n3A_778 = arith.select %lt3A_777, %select_n3A_775, %select_n3A_704 : vector<8x64xi1>, vector<8x64xf32>
      %select_n3A_779 = arith.select %lt3A_777, %select_n3A_776, %select_n3A_705 : vector<8x64xi1>, vector<8x64xi32>
      %select_n3A_780 = arith.select %lt3A_777, %select_n3A_704, %select_n3A_775 : vector<8x64xi1>, vector<8x64xf32>
      %select_n3A_781 = arith.select %lt3A_777, %select_n3A_705, %select_n3A_776 : vector<8x64xi1>, vector<8x64xi32>
      %lt3A_782 = arith.cmpf olt, %select_n3A_780, %select_n3A_709 : vector<8x64xf32>
      %select_n3A_783 = arith.select %lt3A_782, %select_n3A_780, %select_n3A_709 : vector<8x64xi1>, vector<8x64xf32>
      %select_n3A_784 = arith.select %lt3A_782, %select_n3A_781, %select_n3A_710 : vector<8x64xi1>, vector<8x64xi32>
      %slice3A_785 = vector.extract_strided_slice %get3A_197 {offsets = [0, 0, 8], sizes = [8, 8, 64], strides = [1, 1, 1]} : vector<8x8x94xf32> to vector<8x8x64xf32>
      %sub3A_786 = arith.subf %get3A_6, %slice3A_785 : vector<8x8x64xf32>
      %mul3A_787 = arith.mulf %sub3A_786, %sub3A_786 : vector<8x8x64xf32>
      %reduce_sum3A_788 = arith.constant dense<0.000000e+00> : vector<8x64xf32>
      %reduce_sum3A_789 = vector.multi_reduction <add>, %mul3A_787, %reduce_sum3A_788 [0] : vector<8x8x64xf32> to vector<8x64xf32>
      %mul3A_790 = arith.constant 94 : i32
      %mul3A_791 = arith.muli %scan3A_164, %mul3A_790 : i32
      %add3A_792 = arith.constant 8 : i32
      %add3A_793 = arith.addi %mul3A_791, %add3A_792 : i32
      %add3A_794 = vector.broadcast %add3A_793 : i32 to vector<8x64xi32>
      %add3A_795 = arith.addi %add3A_17, %add3A_794 : vector<8x64xi32>
      %lt3A_796 = arith.cmpf olt, %reduce_sum3A_789, %select_n3A_723 : vector<8x64xf32>
      %select_n3A_797 = arith.select %lt3A_796, %reduce_sum3A_789, %select_n3A_723 : vector<8x64xi1>, vector<8x64xf32>
      %select_n3A_798 = arith.select %lt3A_796, %add3A_795, %select_n3A_724 : vector<8x64xi1>, vector<8x64xi32>
      %select_n3A_799 = arith.select %lt3A_796, %select_n3A_723, %reduce_sum3A_789 : vector<8x64xi1>, vector<8x64xf32>
      %select_n3A_800 = arith.select %lt3A_796, %select_n3A_724, %add3A_795 : vector<8x64xi1>, vector<8x64xi32>
      %lt3A_801 = arith.cmpf olt, %select_n3A_799, %select_n3A_728 : vector<8x64xf32>
      %select_n3A_802 = arith.select %lt3A_801, %select_n3A_799, %select_n3A_728 : vector<8x64xi1>, vector<8x64xf32>
      %select_n3A_803 = arith.select %lt3A_801, %select_n3A_800, %select_n3A_729 : vector<8x64xi1>, vector<8x64xi32>
      %select_n3A_804 = arith.select %lt3A_801, %select_n3A_728, %select_n3A_799 : vector<8x64xi1>, vector<8x64xf32>
      %select_n3A_805 = arith.select %lt3A_801, %select_n3A_729, %select_n3A_800 : vector<8x64xi1>, vector<8x64xi32>
      %lt3A_806 = arith.cmpf olt, %select_n3A_804, %select_n3A_733 : vector<8x64xf32>
      %select_n3A_807 = arith.select %lt3A_806, %select_n3A_804, %select_n3A_733 : vector<8x64xi1>, vector<8x64xf32>
      %select_n3A_808 = arith.select %lt3A_806, %select_n3A_805, %select_n3A_734 : vector<8x64xi1>, vector<8x64xi32>
      %select_n3A_809 = arith.select %lt3A_806, %select_n3A_733, %select_n3A_804 : vector<8x64xi1>, vector<8x64xf32>
      %select_n3A_810 = arith.select %lt3A_806, %select_n3A_734, %select_n3A_805 : vector<8x64xi1>, vector<8x64xi32>
      %lt3A_811 = arith.cmpf olt, %select_n3A_809, %select_n3A_738 : vector<8x64xf32>
      %select_n3A_812 = arith.select %lt3A_811, %select_n3A_809, %select_n3A_738 : vector<8x64xi1>, vector<8x64xf32>
      %select_n3A_813 = arith.select %lt3A_811, %select_n3A_810, %select_n3A_739 : vector<8x64xi1>, vector<8x64xi32>
      %select_n3A_814 = arith.select %lt3A_811, %select_n3A_738, %select_n3A_809 : vector<8x64xi1>, vector<8x64xf32>
      %select_n3A_815 = arith.select %lt3A_811, %select_n3A_739, %select_n3A_810 : vector<8x64xi1>, vector<8x64xi32>
      %lt3A_816 = arith.cmpf olt, %select_n3A_814, %select_n3A_743 : vector<8x64xf32>
      %select_n3A_817 = arith.select %lt3A_816, %select_n3A_814, %select_n3A_743 : vector<8x64xi1>, vector<8x64xf32>
      %select_n3A_818 = arith.select %lt3A_816, %select_n3A_815, %select_n3A_744 : vector<8x64xi1>, vector<8x64xi32>
      %select_n3A_819 = arith.select %lt3A_816, %select_n3A_743, %select_n3A_814 : vector<8x64xi1>, vector<8x64xf32>
      %select_n3A_820 = arith.select %lt3A_816, %select_n3A_744, %select_n3A_815 : vector<8x64xi1>, vector<8x64xi32>
      %lt3A_821 = arith.cmpf olt, %select_n3A_819, %select_n3A_748 : vector<8x64xf32>
      %select_n3A_822 = arith.select %lt3A_821, %select_n3A_819, %select_n3A_748 : vector<8x64xi1>, vector<8x64xf32>
      %select_n3A_823 = arith.select %lt3A_821, %select_n3A_820, %select_n3A_749 : vector<8x64xi1>, vector<8x64xi32>
      %select_n3A_824 = arith.select %lt3A_821, %select_n3A_748, %select_n3A_819 : vector<8x64xi1>, vector<8x64xf32>
      %select_n3A_825 = arith.select %lt3A_821, %select_n3A_749, %select_n3A_820 : vector<8x64xi1>, vector<8x64xi32>
      %lt3A_826 = arith.cmpf olt, %select_n3A_824, %select_n3A_753 : vector<8x64xf32>
      %select_n3A_827 = arith.select %lt3A_826, %select_n3A_824, %select_n3A_753 : vector<8x64xi1>, vector<8x64xf32>
      %select_n3A_828 = arith.select %lt3A_826, %select_n3A_825, %select_n3A_754 : vector<8x64xi1>, vector<8x64xi32>
      %select_n3A_829 = arith.select %lt3A_826, %select_n3A_753, %select_n3A_824 : vector<8x64xi1>, vector<8x64xf32>
      %select_n3A_830 = arith.select %lt3A_826, %select_n3A_754, %select_n3A_825 : vector<8x64xi1>, vector<8x64xi32>
      %lt3A_831 = arith.cmpf olt, %select_n3A_829, %select_n3A_758 : vector<8x64xf32>
      %select_n3A_832 = arith.select %lt3A_831, %select_n3A_829, %select_n3A_758 : vector<8x64xi1>, vector<8x64xf32>
      %select_n3A_833 = arith.select %lt3A_831, %select_n3A_830, %select_n3A_759 : vector<8x64xi1>, vector<8x64xi32>
      %select_n3A_834 = arith.select %lt3A_831, %select_n3A_758, %select_n3A_829 : vector<8x64xi1>, vector<8x64xf32>
      %select_n3A_835 = arith.select %lt3A_831, %select_n3A_759, %select_n3A_830 : vector<8x64xi1>, vector<8x64xi32>
      %lt3A_836 = arith.cmpf olt, %select_n3A_834, %select_n3A_763 : vector<8x64xf32>
      %select_n3A_837 = arith.select %lt3A_836, %select_n3A_834, %select_n3A_763 : vector<8x64xi1>, vector<8x64xf32>
      %select_n3A_838 = arith.select %lt3A_836, %select_n3A_835, %select_n3A_764 : vector<8x64xi1>, vector<8x64xi32>
      %select_n3A_839 = arith.select %lt3A_836, %select_n3A_763, %select_n3A_834 : vector<8x64xi1>, vector<8x64xf32>
      %select_n3A_840 = arith.select %lt3A_836, %select_n3A_764, %select_n3A_835 : vector<8x64xi1>, vector<8x64xi32>
      %lt3A_841 = arith.cmpf olt, %select_n3A_839, %select_n3A_768 : vector<8x64xf32>
      %select_n3A_842 = arith.select %lt3A_841, %select_n3A_839, %select_n3A_768 : vector<8x64xi1>, vector<8x64xf32>
      %select_n3A_843 = arith.select %lt3A_841, %select_n3A_840, %select_n3A_769 : vector<8x64xi1>, vector<8x64xi32>
      %select_n3A_844 = arith.select %lt3A_841, %select_n3A_768, %select_n3A_839 : vector<8x64xi1>, vector<8x64xf32>
      %select_n3A_845 = arith.select %lt3A_841, %select_n3A_769, %select_n3A_840 : vector<8x64xi1>, vector<8x64xi32>
      %lt3A_846 = arith.cmpf olt, %select_n3A_844, %select_n3A_773 : vector<8x64xf32>
      %select_n3A_847 = arith.select %lt3A_846, %select_n3A_844, %select_n3A_773 : vector<8x64xi1>, vector<8x64xf32>
      %select_n3A_848 = arith.select %lt3A_846, %select_n3A_845, %select_n3A_774 : vector<8x64xi1>, vector<8x64xi32>
      %select_n3A_849 = arith.select %lt3A_846, %select_n3A_773, %select_n3A_844 : vector<8x64xi1>, vector<8x64xf32>
      %select_n3A_850 = arith.select %lt3A_846, %select_n3A_774, %select_n3A_845 : vector<8x64xi1>, vector<8x64xi32>
      %lt3A_851 = arith.cmpf olt, %select_n3A_849, %select_n3A_778 : vector<8x64xf32>
      %select_n3A_852 = arith.select %lt3A_851, %select_n3A_849, %select_n3A_778 : vector<8x64xi1>, vector<8x64xf32>
      %select_n3A_853 = arith.select %lt3A_851, %select_n3A_850, %select_n3A_779 : vector<8x64xi1>, vector<8x64xi32>
      %select_n3A_854 = arith.select %lt3A_851, %select_n3A_778, %select_n3A_849 : vector<8x64xi1>, vector<8x64xf32>
      %select_n3A_855 = arith.select %lt3A_851, %select_n3A_779, %select_n3A_850 : vector<8x64xi1>, vector<8x64xi32>
      %lt3A_856 = arith.cmpf olt, %select_n3A_854, %select_n3A_783 : vector<8x64xf32>
      %select_n3A_857 = arith.select %lt3A_856, %select_n3A_854, %select_n3A_783 : vector<8x64xi1>, vector<8x64xf32>
      %select_n3A_858 = arith.select %lt3A_856, %select_n3A_855, %select_n3A_784 : vector<8x64xi1>, vector<8x64xi32>
      %slice3A_859 = vector.extract_strided_slice %get3A_197 {offsets = [0, 0, 9], sizes = [8, 8, 64], strides = [1, 1, 1]} : vector<8x8x94xf32> to vector<8x8x64xf32>
      %sub3A_860 = arith.subf %get3A_6, %slice3A_859 : vector<8x8x64xf32>
      %mul3A_861 = arith.mulf %sub3A_860, %sub3A_860 : vector<8x8x64xf32>
      %reduce_sum3A_862 = arith.constant dense<0.000000e+00> : vector<8x64xf32>
      %reduce_sum3A_863 = vector.multi_reduction <add>, %mul3A_861, %reduce_sum3A_862 [0] : vector<8x8x64xf32> to vector<8x64xf32>
      %mul3A_864 = arith.constant 94 : i32
      %mul3A_865 = arith.muli %scan3A_164, %mul3A_864 : i32
      %add3A_866 = arith.constant 9 : i32
      %add3A_867 = arith.addi %mul3A_865, %add3A_866 : i32
      %add3A_868 = vector.broadcast %add3A_867 : i32 to vector<8x64xi32>
      %add3A_869 = arith.addi %add3A_17, %add3A_868 : vector<8x64xi32>
      %lt3A_870 = arith.cmpf olt, %reduce_sum3A_863, %select_n3A_797 : vector<8x64xf32>
      %select_n3A_871 = arith.select %lt3A_870, %reduce_sum3A_863, %select_n3A_797 : vector<8x64xi1>, vector<8x64xf32>
      %select_n3A_872 = arith.select %lt3A_870, %add3A_869, %select_n3A_798 : vector<8x64xi1>, vector<8x64xi32>
      %select_n3A_873 = arith.select %lt3A_870, %select_n3A_797, %reduce_sum3A_863 : vector<8x64xi1>, vector<8x64xf32>
      %select_n3A_874 = arith.select %lt3A_870, %select_n3A_798, %add3A_869 : vector<8x64xi1>, vector<8x64xi32>
      %lt3A_875 = arith.cmpf olt, %select_n3A_873, %select_n3A_802 : vector<8x64xf32>
      %select_n3A_876 = arith.select %lt3A_875, %select_n3A_873, %select_n3A_802 : vector<8x64xi1>, vector<8x64xf32>
      %select_n3A_877 = arith.select %lt3A_875, %select_n3A_874, %select_n3A_803 : vector<8x64xi1>, vector<8x64xi32>
      %select_n3A_878 = arith.select %lt3A_875, %select_n3A_802, %select_n3A_873 : vector<8x64xi1>, vector<8x64xf32>
      %select_n3A_879 = arith.select %lt3A_875, %select_n3A_803, %select_n3A_874 : vector<8x64xi1>, vector<8x64xi32>
      %lt3A_880 = arith.cmpf olt, %select_n3A_878, %select_n3A_807 : vector<8x64xf32>
      %select_n3A_881 = arith.select %lt3A_880, %select_n3A_878, %select_n3A_807 : vector<8x64xi1>, vector<8x64xf32>
      %select_n3A_882 = arith.select %lt3A_880, %select_n3A_879, %select_n3A_808 : vector<8x64xi1>, vector<8x64xi32>
      %select_n3A_883 = arith.select %lt3A_880, %select_n3A_807, %select_n3A_878 : vector<8x64xi1>, vector<8x64xf32>
      %select_n3A_884 = arith.select %lt3A_880, %select_n3A_808, %select_n3A_879 : vector<8x64xi1>, vector<8x64xi32>
      %lt3A_885 = arith.cmpf olt, %select_n3A_883, %select_n3A_812 : vector<8x64xf32>
      %select_n3A_886 = arith.select %lt3A_885, %select_n3A_883, %select_n3A_812 : vector<8x64xi1>, vector<8x64xf32>
      %select_n3A_887 = arith.select %lt3A_885, %select_n3A_884, %select_n3A_813 : vector<8x64xi1>, vector<8x64xi32>
      %select_n3A_888 = arith.select %lt3A_885, %select_n3A_812, %select_n3A_883 : vector<8x64xi1>, vector<8x64xf32>
      %select_n3A_889 = arith.select %lt3A_885, %select_n3A_813, %select_n3A_884 : vector<8x64xi1>, vector<8x64xi32>
      %lt3A_890 = arith.cmpf olt, %select_n3A_888, %select_n3A_817 : vector<8x64xf32>
      %select_n3A_891 = arith.select %lt3A_890, %select_n3A_888, %select_n3A_817 : vector<8x64xi1>, vector<8x64xf32>
      %select_n3A_892 = arith.select %lt3A_890, %select_n3A_889, %select_n3A_818 : vector<8x64xi1>, vector<8x64xi32>
      %select_n3A_893 = arith.select %lt3A_890, %select_n3A_817, %select_n3A_888 : vector<8x64xi1>, vector<8x64xf32>
      %select_n3A_894 = arith.select %lt3A_890, %select_n3A_818, %select_n3A_889 : vector<8x64xi1>, vector<8x64xi32>
      %lt3A_895 = arith.cmpf olt, %select_n3A_893, %select_n3A_822 : vector<8x64xf32>
      %select_n3A_896 = arith.select %lt3A_895, %select_n3A_893, %select_n3A_822 : vector<8x64xi1>, vector<8x64xf32>
      %select_n3A_897 = arith.select %lt3A_895, %select_n3A_894, %select_n3A_823 : vector<8x64xi1>, vector<8x64xi32>
      %select_n3A_898 = arith.select %lt3A_895, %select_n3A_822, %select_n3A_893 : vector<8x64xi1>, vector<8x64xf32>
      %select_n3A_899 = arith.select %lt3A_895, %select_n3A_823, %select_n3A_894 : vector<8x64xi1>, vector<8x64xi32>
      %lt3A_900 = arith.cmpf olt, %select_n3A_898, %select_n3A_827 : vector<8x64xf32>
      %select_n3A_901 = arith.select %lt3A_900, %select_n3A_898, %select_n3A_827 : vector<8x64xi1>, vector<8x64xf32>
      %select_n3A_902 = arith.select %lt3A_900, %select_n3A_899, %select_n3A_828 : vector<8x64xi1>, vector<8x64xi32>
      %select_n3A_903 = arith.select %lt3A_900, %select_n3A_827, %select_n3A_898 : vector<8x64xi1>, vector<8x64xf32>
      %select_n3A_904 = arith.select %lt3A_900, %select_n3A_828, %select_n3A_899 : vector<8x64xi1>, vector<8x64xi32>
      %lt3A_905 = arith.cmpf olt, %select_n3A_903, %select_n3A_832 : vector<8x64xf32>
      %select_n3A_906 = arith.select %lt3A_905, %select_n3A_903, %select_n3A_832 : vector<8x64xi1>, vector<8x64xf32>
      %select_n3A_907 = arith.select %lt3A_905, %select_n3A_904, %select_n3A_833 : vector<8x64xi1>, vector<8x64xi32>
      %select_n3A_908 = arith.select %lt3A_905, %select_n3A_832, %select_n3A_903 : vector<8x64xi1>, vector<8x64xf32>
      %select_n3A_909 = arith.select %lt3A_905, %select_n3A_833, %select_n3A_904 : vector<8x64xi1>, vector<8x64xi32>
      %lt3A_910 = arith.cmpf olt, %select_n3A_908, %select_n3A_837 : vector<8x64xf32>
      %select_n3A_911 = arith.select %lt3A_910, %select_n3A_908, %select_n3A_837 : vector<8x64xi1>, vector<8x64xf32>
      %select_n3A_912 = arith.select %lt3A_910, %select_n3A_909, %select_n3A_838 : vector<8x64xi1>, vector<8x64xi32>
      %select_n3A_913 = arith.select %lt3A_910, %select_n3A_837, %select_n3A_908 : vector<8x64xi1>, vector<8x64xf32>
      %select_n3A_914 = arith.select %lt3A_910, %select_n3A_838, %select_n3A_909 : vector<8x64xi1>, vector<8x64xi32>
      %lt3A_915 = arith.cmpf olt, %select_n3A_913, %select_n3A_842 : vector<8x64xf32>
      %select_n3A_916 = arith.select %lt3A_915, %select_n3A_913, %select_n3A_842 : vector<8x64xi1>, vector<8x64xf32>
      %select_n3A_917 = arith.select %lt3A_915, %select_n3A_914, %select_n3A_843 : vector<8x64xi1>, vector<8x64xi32>
      %select_n3A_918 = arith.select %lt3A_915, %select_n3A_842, %select_n3A_913 : vector<8x64xi1>, vector<8x64xf32>
      %select_n3A_919 = arith.select %lt3A_915, %select_n3A_843, %select_n3A_914 : vector<8x64xi1>, vector<8x64xi32>
      %lt3A_920 = arith.cmpf olt, %select_n3A_918, %select_n3A_847 : vector<8x64xf32>
      %select_n3A_921 = arith.select %lt3A_920, %select_n3A_918, %select_n3A_847 : vector<8x64xi1>, vector<8x64xf32>
      %select_n3A_922 = arith.select %lt3A_920, %select_n3A_919, %select_n3A_848 : vector<8x64xi1>, vector<8x64xi32>
      %select_n3A_923 = arith.select %lt3A_920, %select_n3A_847, %select_n3A_918 : vector<8x64xi1>, vector<8x64xf32>
      %select_n3A_924 = arith.select %lt3A_920, %select_n3A_848, %select_n3A_919 : vector<8x64xi1>, vector<8x64xi32>
      %lt3A_925 = arith.cmpf olt, %select_n3A_923, %select_n3A_852 : vector<8x64xf32>
      %select_n3A_926 = arith.select %lt3A_925, %select_n3A_923, %select_n3A_852 : vector<8x64xi1>, vector<8x64xf32>
      %select_n3A_927 = arith.select %lt3A_925, %select_n3A_924, %select_n3A_853 : vector<8x64xi1>, vector<8x64xi32>
      %select_n3A_928 = arith.select %lt3A_925, %select_n3A_852, %select_n3A_923 : vector<8x64xi1>, vector<8x64xf32>
      %select_n3A_929 = arith.select %lt3A_925, %select_n3A_853, %select_n3A_924 : vector<8x64xi1>, vector<8x64xi32>
      %lt3A_930 = arith.cmpf olt, %select_n3A_928, %select_n3A_857 : vector<8x64xf32>
      %select_n3A_931 = arith.select %lt3A_930, %select_n3A_928, %select_n3A_857 : vector<8x64xi1>, vector<8x64xf32>
      %select_n3A_932 = arith.select %lt3A_930, %select_n3A_929, %select_n3A_858 : vector<8x64xi1>, vector<8x64xi32>
      %slice3A_933 = vector.extract_strided_slice %get3A_197 {offsets = [0, 0, 10], sizes = [8, 8, 64], strides = [1, 1, 1]} : vector<8x8x94xf32> to vector<8x8x64xf32>
      %sub3A_934 = arith.subf %get3A_6, %slice3A_933 : vector<8x8x64xf32>
      %mul3A_935 = arith.mulf %sub3A_934, %sub3A_934 : vector<8x8x64xf32>
      %reduce_sum3A_936 = arith.constant dense<0.000000e+00> : vector<8x64xf32>
      %reduce_sum3A_937 = vector.multi_reduction <add>, %mul3A_935, %reduce_sum3A_936 [0] : vector<8x8x64xf32> to vector<8x64xf32>
      %mul3A_938 = arith.constant 94 : i32
      %mul3A_939 = arith.muli %scan3A_164, %mul3A_938 : i32
      %add3A_940 = arith.constant 10 : i32
      %add3A_941 = arith.addi %mul3A_939, %add3A_940 : i32
      %add3A_942 = vector.broadcast %add3A_941 : i32 to vector<8x64xi32>
      %add3A_943 = arith.addi %add3A_17, %add3A_942 : vector<8x64xi32>
      %lt3A_944 = arith.cmpf olt, %reduce_sum3A_937, %select_n3A_871 : vector<8x64xf32>
      %select_n3A_945 = arith.select %lt3A_944, %reduce_sum3A_937, %select_n3A_871 : vector<8x64xi1>, vector<8x64xf32>
      %select_n3A_946 = arith.select %lt3A_944, %add3A_943, %select_n3A_872 : vector<8x64xi1>, vector<8x64xi32>
      %select_n3A_947 = arith.select %lt3A_944, %select_n3A_871, %reduce_sum3A_937 : vector<8x64xi1>, vector<8x64xf32>
      %select_n3A_948 = arith.select %lt3A_944, %select_n3A_872, %add3A_943 : vector<8x64xi1>, vector<8x64xi32>
      %lt3A_949 = arith.cmpf olt, %select_n3A_947, %select_n3A_876 : vector<8x64xf32>
      %select_n3A_950 = arith.select %lt3A_949, %select_n3A_947, %select_n3A_876 : vector<8x64xi1>, vector<8x64xf32>
      %select_n3A_951 = arith.select %lt3A_949, %select_n3A_948, %select_n3A_877 : vector<8x64xi1>, vector<8x64xi32>
      %select_n3A_952 = arith.select %lt3A_949, %select_n3A_876, %select_n3A_947 : vector<8x64xi1>, vector<8x64xf32>
      %select_n3A_953 = arith.select %lt3A_949, %select_n3A_877, %select_n3A_948 : vector<8x64xi1>, vector<8x64xi32>
      %lt3A_954 = arith.cmpf olt, %select_n3A_952, %select_n3A_881 : vector<8x64xf32>
      %select_n3A_955 = arith.select %lt3A_954, %select_n3A_952, %select_n3A_881 : vector<8x64xi1>, vector<8x64xf32>
      %select_n3A_956 = arith.select %lt3A_954, %select_n3A_953, %select_n3A_882 : vector<8x64xi1>, vector<8x64xi32>
      %select_n3A_957 = arith.select %lt3A_954, %select_n3A_881, %select_n3A_952 : vector<8x64xi1>, vector<8x64xf32>
      %select_n3A_958 = arith.select %lt3A_954, %select_n3A_882, %select_n3A_953 : vector<8x64xi1>, vector<8x64xi32>
      %lt3A_959 = arith.cmpf olt, %select_n3A_957, %select_n3A_886 : vector<8x64xf32>
      %select_n3A_960 = arith.select %lt3A_959, %select_n3A_957, %select_n3A_886 : vector<8x64xi1>, vector<8x64xf32>
      %select_n3A_961 = arith.select %lt3A_959, %select_n3A_958, %select_n3A_887 : vector<8x64xi1>, vector<8x64xi32>
      %select_n3A_962 = arith.select %lt3A_959, %select_n3A_886, %select_n3A_957 : vector<8x64xi1>, vector<8x64xf32>
      %select_n3A_963 = arith.select %lt3A_959, %select_n3A_887, %select_n3A_958 : vector<8x64xi1>, vector<8x64xi32>
      %lt3A_964 = arith.cmpf olt, %select_n3A_962, %select_n3A_891 : vector<8x64xf32>
      %select_n3A_965 = arith.select %lt3A_964, %select_n3A_962, %select_n3A_891 : vector<8x64xi1>, vector<8x64xf32>
      %select_n3A_966 = arith.select %lt3A_964, %select_n3A_963, %select_n3A_892 : vector<8x64xi1>, vector<8x64xi32>
      %select_n3A_967 = arith.select %lt3A_964, %select_n3A_891, %select_n3A_962 : vector<8x64xi1>, vector<8x64xf32>
      %select_n3A_968 = arith.select %lt3A_964, %select_n3A_892, %select_n3A_963 : vector<8x64xi1>, vector<8x64xi32>
      %lt3A_969 = arith.cmpf olt, %select_n3A_967, %select_n3A_896 : vector<8x64xf32>
      %select_n3A_970 = arith.select %lt3A_969, %select_n3A_967, %select_n3A_896 : vector<8x64xi1>, vector<8x64xf32>
      %select_n3A_971 = arith.select %lt3A_969, %select_n3A_968, %select_n3A_897 : vector<8x64xi1>, vector<8x64xi32>
      %select_n3A_972 = arith.select %lt3A_969, %select_n3A_896, %select_n3A_967 : vector<8x64xi1>, vector<8x64xf32>
      %select_n3A_973 = arith.select %lt3A_969, %select_n3A_897, %select_n3A_968 : vector<8x64xi1>, vector<8x64xi32>
      %lt3A_974 = arith.cmpf olt, %select_n3A_972, %select_n3A_901 : vector<8x64xf32>
      %select_n3A_975 = arith.select %lt3A_974, %select_n3A_972, %select_n3A_901 : vector<8x64xi1>, vector<8x64xf32>
      %select_n3A_976 = arith.select %lt3A_974, %select_n3A_973, %select_n3A_902 : vector<8x64xi1>, vector<8x64xi32>
      %select_n3A_977 = arith.select %lt3A_974, %select_n3A_901, %select_n3A_972 : vector<8x64xi1>, vector<8x64xf32>
      %select_n3A_978 = arith.select %lt3A_974, %select_n3A_902, %select_n3A_973 : vector<8x64xi1>, vector<8x64xi32>
      %lt3A_979 = arith.cmpf olt, %select_n3A_977, %select_n3A_906 : vector<8x64xf32>
      %select_n3A_980 = arith.select %lt3A_979, %select_n3A_977, %select_n3A_906 : vector<8x64xi1>, vector<8x64xf32>
      %select_n3A_981 = arith.select %lt3A_979, %select_n3A_978, %select_n3A_907 : vector<8x64xi1>, vector<8x64xi32>
      %select_n3A_982 = arith.select %lt3A_979, %select_n3A_906, %select_n3A_977 : vector<8x64xi1>, vector<8x64xf32>
      %select_n3A_983 = arith.select %lt3A_979, %select_n3A_907, %select_n3A_978 : vector<8x64xi1>, vector<8x64xi32>
      %lt3A_984 = arith.cmpf olt, %select_n3A_982, %select_n3A_911 : vector<8x64xf32>
      %select_n3A_985 = arith.select %lt3A_984, %select_n3A_982, %select_n3A_911 : vector<8x64xi1>, vector<8x64xf32>
      %select_n3A_986 = arith.select %lt3A_984, %select_n3A_983, %select_n3A_912 : vector<8x64xi1>, vector<8x64xi32>
      %select_n3A_987 = arith.select %lt3A_984, %select_n3A_911, %select_n3A_982 : vector<8x64xi1>, vector<8x64xf32>
      %select_n3A_988 = arith.select %lt3A_984, %select_n3A_912, %select_n3A_983 : vector<8x64xi1>, vector<8x64xi32>
      %lt3A_989 = arith.cmpf olt, %select_n3A_987, %select_n3A_916 : vector<8x64xf32>
      %select_n3A_990 = arith.select %lt3A_989, %select_n3A_987, %select_n3A_916 : vector<8x64xi1>, vector<8x64xf32>
      %select_n3A_991 = arith.select %lt3A_989, %select_n3A_988, %select_n3A_917 : vector<8x64xi1>, vector<8x64xi32>
      %select_n3A_992 = arith.select %lt3A_989, %select_n3A_916, %select_n3A_987 : vector<8x64xi1>, vector<8x64xf32>
      %select_n3A_993 = arith.select %lt3A_989, %select_n3A_917, %select_n3A_988 : vector<8x64xi1>, vector<8x64xi32>
      %lt3A_994 = arith.cmpf olt, %select_n3A_992, %select_n3A_921 : vector<8x64xf32>
      %select_n3A_995 = arith.select %lt3A_994, %select_n3A_992, %select_n3A_921 : vector<8x64xi1>, vector<8x64xf32>
      %select_n3A_996 = arith.select %lt3A_994, %select_n3A_993, %select_n3A_922 : vector<8x64xi1>, vector<8x64xi32>
      %select_n3A_997 = arith.select %lt3A_994, %select_n3A_921, %select_n3A_992 : vector<8x64xi1>, vector<8x64xf32>
      %select_n3A_998 = arith.select %lt3A_994, %select_n3A_922, %select_n3A_993 : vector<8x64xi1>, vector<8x64xi32>
      %lt3A_999 = arith.cmpf olt, %select_n3A_997, %select_n3A_926 : vector<8x64xf32>
      %select_n3A_1000 = arith.select %lt3A_999, %select_n3A_997, %select_n3A_926 : vector<8x64xi1>, vector<8x64xf32>
      %select_n3A_1001 = arith.select %lt3A_999, %select_n3A_998, %select_n3A_927 : vector<8x64xi1>, vector<8x64xi32>
      %select_n3A_1002 = arith.select %lt3A_999, %select_n3A_926, %select_n3A_997 : vector<8x64xi1>, vector<8x64xf32>
      %select_n3A_1003 = arith.select %lt3A_999, %select_n3A_927, %select_n3A_998 : vector<8x64xi1>, vector<8x64xi32>
      %lt3A_1004 = arith.cmpf olt, %select_n3A_1002, %select_n3A_931 : vector<8x64xf32>
      %select_n3A_1005 = arith.select %lt3A_1004, %select_n3A_1002, %select_n3A_931 : vector<8x64xi1>, vector<8x64xf32>
      %select_n3A_1006 = arith.select %lt3A_1004, %select_n3A_1003, %select_n3A_932 : vector<8x64xi1>, vector<8x64xi32>
      %slice3A_1007 = vector.extract_strided_slice %get3A_197 {offsets = [0, 0, 11], sizes = [8, 8, 64], strides = [1, 1, 1]} : vector<8x8x94xf32> to vector<8x8x64xf32>
      %sub3A_1008 = arith.subf %get3A_6, %slice3A_1007 : vector<8x8x64xf32>
      %mul3A_1009 = arith.mulf %sub3A_1008, %sub3A_1008 : vector<8x8x64xf32>
      %reduce_sum3A_1010 = arith.constant dense<0.000000e+00> : vector<8x64xf32>
      %reduce_sum3A_1011 = vector.multi_reduction <add>, %mul3A_1009, %reduce_sum3A_1010 [0] : vector<8x8x64xf32> to vector<8x64xf32>
      %mul3A_1012 = arith.constant 94 : i32
      %mul3A_1013 = arith.muli %scan3A_164, %mul3A_1012 : i32
      %add3A_1014 = arith.constant 11 : i32
      %add3A_1015 = arith.addi %mul3A_1013, %add3A_1014 : i32
      %add3A_1016 = vector.broadcast %add3A_1015 : i32 to vector<8x64xi32>
      %add3A_1017 = arith.addi %add3A_17, %add3A_1016 : vector<8x64xi32>
      %lt3A_1018 = arith.cmpf olt, %reduce_sum3A_1011, %select_n3A_945 : vector<8x64xf32>
      %select_n3A_1019 = arith.select %lt3A_1018, %reduce_sum3A_1011, %select_n3A_945 : vector<8x64xi1>, vector<8x64xf32>
      %select_n3A_1020 = arith.select %lt3A_1018, %add3A_1017, %select_n3A_946 : vector<8x64xi1>, vector<8x64xi32>
      %select_n3A_1021 = arith.select %lt3A_1018, %select_n3A_945, %reduce_sum3A_1011 : vector<8x64xi1>, vector<8x64xf32>
      %select_n3A_1022 = arith.select %lt3A_1018, %select_n3A_946, %add3A_1017 : vector<8x64xi1>, vector<8x64xi32>
      %lt3A_1023 = arith.cmpf olt, %select_n3A_1021, %select_n3A_950 : vector<8x64xf32>
      %select_n3A_1024 = arith.select %lt3A_1023, %select_n3A_1021, %select_n3A_950 : vector<8x64xi1>, vector<8x64xf32>
      %select_n3A_1025 = arith.select %lt3A_1023, %select_n3A_1022, %select_n3A_951 : vector<8x64xi1>, vector<8x64xi32>
      %select_n3A_1026 = arith.select %lt3A_1023, %select_n3A_950, %select_n3A_1021 : vector<8x64xi1>, vector<8x64xf32>
      %select_n3A_1027 = arith.select %lt3A_1023, %select_n3A_951, %select_n3A_1022 : vector<8x64xi1>, vector<8x64xi32>
      %lt3A_1028 = arith.cmpf olt, %select_n3A_1026, %select_n3A_955 : vector<8x64xf32>
      %select_n3A_1029 = arith.select %lt3A_1028, %select_n3A_1026, %select_n3A_955 : vector<8x64xi1>, vector<8x64xf32>
      %select_n3A_1030 = arith.select %lt3A_1028, %select_n3A_1027, %select_n3A_956 : vector<8x64xi1>, vector<8x64xi32>
      %select_n3A_1031 = arith.select %lt3A_1028, %select_n3A_955, %select_n3A_1026 : vector<8x64xi1>, vector<8x64xf32>
      %select_n3A_1032 = arith.select %lt3A_1028, %select_n3A_956, %select_n3A_1027 : vector<8x64xi1>, vector<8x64xi32>
      %lt3A_1033 = arith.cmpf olt, %select_n3A_1031, %select_n3A_960 : vector<8x64xf32>
      %select_n3A_1034 = arith.select %lt3A_1033, %select_n3A_1031, %select_n3A_960 : vector<8x64xi1>, vector<8x64xf32>
      %select_n3A_1035 = arith.select %lt3A_1033, %select_n3A_1032, %select_n3A_961 : vector<8x64xi1>, vector<8x64xi32>
      %select_n3A_1036 = arith.select %lt3A_1033, %select_n3A_960, %select_n3A_1031 : vector<8x64xi1>, vector<8x64xf32>
      %select_n3A_1037 = arith.select %lt3A_1033, %select_n3A_961, %select_n3A_1032 : vector<8x64xi1>, vector<8x64xi32>
      %lt3A_1038 = arith.cmpf olt, %select_n3A_1036, %select_n3A_965 : vector<8x64xf32>
      %select_n3A_1039 = arith.select %lt3A_1038, %select_n3A_1036, %select_n3A_965 : vector<8x64xi1>, vector<8x64xf32>
      %select_n3A_1040 = arith.select %lt3A_1038, %select_n3A_1037, %select_n3A_966 : vector<8x64xi1>, vector<8x64xi32>
      %select_n3A_1041 = arith.select %lt3A_1038, %select_n3A_965, %select_n3A_1036 : vector<8x64xi1>, vector<8x64xf32>
      %select_n3A_1042 = arith.select %lt3A_1038, %select_n3A_966, %select_n3A_1037 : vector<8x64xi1>, vector<8x64xi32>
      %lt3A_1043 = arith.cmpf olt, %select_n3A_1041, %select_n3A_970 : vector<8x64xf32>
      %select_n3A_1044 = arith.select %lt3A_1043, %select_n3A_1041, %select_n3A_970 : vector<8x64xi1>, vector<8x64xf32>
      %select_n3A_1045 = arith.select %lt3A_1043, %select_n3A_1042, %select_n3A_971 : vector<8x64xi1>, vector<8x64xi32>
      %select_n3A_1046 = arith.select %lt3A_1043, %select_n3A_970, %select_n3A_1041 : vector<8x64xi1>, vector<8x64xf32>
      %select_n3A_1047 = arith.select %lt3A_1043, %select_n3A_971, %select_n3A_1042 : vector<8x64xi1>, vector<8x64xi32>
      %lt3A_1048 = arith.cmpf olt, %select_n3A_1046, %select_n3A_975 : vector<8x64xf32>
      %select_n3A_1049 = arith.select %lt3A_1048, %select_n3A_1046, %select_n3A_975 : vector<8x64xi1>, vector<8x64xf32>
      %select_n3A_1050 = arith.select %lt3A_1048, %select_n3A_1047, %select_n3A_976 : vector<8x64xi1>, vector<8x64xi32>
      %select_n3A_1051 = arith.select %lt3A_1048, %select_n3A_975, %select_n3A_1046 : vector<8x64xi1>, vector<8x64xf32>
      %select_n3A_1052 = arith.select %lt3A_1048, %select_n3A_976, %select_n3A_1047 : vector<8x64xi1>, vector<8x64xi32>
      %lt3A_1053 = arith.cmpf olt, %select_n3A_1051, %select_n3A_980 : vector<8x64xf32>
      %select_n3A_1054 = arith.select %lt3A_1053, %select_n3A_1051, %select_n3A_980 : vector<8x64xi1>, vector<8x64xf32>
      %select_n3A_1055 = arith.select %lt3A_1053, %select_n3A_1052, %select_n3A_981 : vector<8x64xi1>, vector<8x64xi32>
      %select_n3A_1056 = arith.select %lt3A_1053, %select_n3A_980, %select_n3A_1051 : vector<8x64xi1>, vector<8x64xf32>
      %select_n3A_1057 = arith.select %lt3A_1053, %select_n3A_981, %select_n3A_1052 : vector<8x64xi1>, vector<8x64xi32>
      %lt3A_1058 = arith.cmpf olt, %select_n3A_1056, %select_n3A_985 : vector<8x64xf32>
      %select_n3A_1059 = arith.select %lt3A_1058, %select_n3A_1056, %select_n3A_985 : vector<8x64xi1>, vector<8x64xf32>
      %select_n3A_1060 = arith.select %lt3A_1058, %select_n3A_1057, %select_n3A_986 : vector<8x64xi1>, vector<8x64xi32>
      %select_n3A_1061 = arith.select %lt3A_1058, %select_n3A_985, %select_n3A_1056 : vector<8x64xi1>, vector<8x64xf32>
      %select_n3A_1062 = arith.select %lt3A_1058, %select_n3A_986, %select_n3A_1057 : vector<8x64xi1>, vector<8x64xi32>
      %lt3A_1063 = arith.cmpf olt, %select_n3A_1061, %select_n3A_990 : vector<8x64xf32>
      %select_n3A_1064 = arith.select %lt3A_1063, %select_n3A_1061, %select_n3A_990 : vector<8x64xi1>, vector<8x64xf32>
      %select_n3A_1065 = arith.select %lt3A_1063, %select_n3A_1062, %select_n3A_991 : vector<8x64xi1>, vector<8x64xi32>
      %select_n3A_1066 = arith.select %lt3A_1063, %select_n3A_990, %select_n3A_1061 : vector<8x64xi1>, vector<8x64xf32>
      %select_n3A_1067 = arith.select %lt3A_1063, %select_n3A_991, %select_n3A_1062 : vector<8x64xi1>, vector<8x64xi32>
      %lt3A_1068 = arith.cmpf olt, %select_n3A_1066, %select_n3A_995 : vector<8x64xf32>
      %select_n3A_1069 = arith.select %lt3A_1068, %select_n3A_1066, %select_n3A_995 : vector<8x64xi1>, vector<8x64xf32>
      %select_n3A_1070 = arith.select %lt3A_1068, %select_n3A_1067, %select_n3A_996 : vector<8x64xi1>, vector<8x64xi32>
      %select_n3A_1071 = arith.select %lt3A_1068, %select_n3A_995, %select_n3A_1066 : vector<8x64xi1>, vector<8x64xf32>
      %select_n3A_1072 = arith.select %lt3A_1068, %select_n3A_996, %select_n3A_1067 : vector<8x64xi1>, vector<8x64xi32>
      %lt3A_1073 = arith.cmpf olt, %select_n3A_1071, %select_n3A_1000 : vector<8x64xf32>
      %select_n3A_1074 = arith.select %lt3A_1073, %select_n3A_1071, %select_n3A_1000 : vector<8x64xi1>, vector<8x64xf32>
      %select_n3A_1075 = arith.select %lt3A_1073, %select_n3A_1072, %select_n3A_1001 : vector<8x64xi1>, vector<8x64xi32>
      %select_n3A_1076 = arith.select %lt3A_1073, %select_n3A_1000, %select_n3A_1071 : vector<8x64xi1>, vector<8x64xf32>
      %select_n3A_1077 = arith.select %lt3A_1073, %select_n3A_1001, %select_n3A_1072 : vector<8x64xi1>, vector<8x64xi32>
      %lt3A_1078 = arith.cmpf olt, %select_n3A_1076, %select_n3A_1005 : vector<8x64xf32>
      %select_n3A_1079 = arith.select %lt3A_1078, %select_n3A_1076, %select_n3A_1005 : vector<8x64xi1>, vector<8x64xf32>
      %select_n3A_1080 = arith.select %lt3A_1078, %select_n3A_1077, %select_n3A_1006 : vector<8x64xi1>, vector<8x64xi32>
      %slice3A_1081 = vector.extract_strided_slice %get3A_197 {offsets = [0, 0, 12], sizes = [8, 8, 64], strides = [1, 1, 1]} : vector<8x8x94xf32> to vector<8x8x64xf32>
      %sub3A_1082 = arith.subf %get3A_6, %slice3A_1081 : vector<8x8x64xf32>
      %mul3A_1083 = arith.mulf %sub3A_1082, %sub3A_1082 : vector<8x8x64xf32>
      %reduce_sum3A_1084 = arith.constant dense<0.000000e+00> : vector<8x64xf32>
      %reduce_sum3A_1085 = vector.multi_reduction <add>, %mul3A_1083, %reduce_sum3A_1084 [0] : vector<8x8x64xf32> to vector<8x64xf32>
      %mul3A_1086 = arith.constant 94 : i32
      %mul3A_1087 = arith.muli %scan3A_164, %mul3A_1086 : i32
      %add3A_1088 = arith.constant 12 : i32
      %add3A_1089 = arith.addi %mul3A_1087, %add3A_1088 : i32
      %add3A_1090 = vector.broadcast %add3A_1089 : i32 to vector<8x64xi32>
      %add3A_1091 = arith.addi %add3A_17, %add3A_1090 : vector<8x64xi32>
      %lt3A_1092 = arith.cmpf olt, %reduce_sum3A_1085, %select_n3A_1019 : vector<8x64xf32>
      %select_n3A_1093 = arith.select %lt3A_1092, %reduce_sum3A_1085, %select_n3A_1019 : vector<8x64xi1>, vector<8x64xf32>
      %select_n3A_1094 = arith.select %lt3A_1092, %add3A_1091, %select_n3A_1020 : vector<8x64xi1>, vector<8x64xi32>
      %select_n3A_1095 = arith.select %lt3A_1092, %select_n3A_1019, %reduce_sum3A_1085 : vector<8x64xi1>, vector<8x64xf32>
      %select_n3A_1096 = arith.select %lt3A_1092, %select_n3A_1020, %add3A_1091 : vector<8x64xi1>, vector<8x64xi32>
      %lt3A_1097 = arith.cmpf olt, %select_n3A_1095, %select_n3A_1024 : vector<8x64xf32>
      %select_n3A_1098 = arith.select %lt3A_1097, %select_n3A_1095, %select_n3A_1024 : vector<8x64xi1>, vector<8x64xf32>
      %select_n3A_1099 = arith.select %lt3A_1097, %select_n3A_1096, %select_n3A_1025 : vector<8x64xi1>, vector<8x64xi32>
      %select_n3A_1100 = arith.select %lt3A_1097, %select_n3A_1024, %select_n3A_1095 : vector<8x64xi1>, vector<8x64xf32>
      %select_n3A_1101 = arith.select %lt3A_1097, %select_n3A_1025, %select_n3A_1096 : vector<8x64xi1>, vector<8x64xi32>
      %lt3A_1102 = arith.cmpf olt, %select_n3A_1100, %select_n3A_1029 : vector<8x64xf32>
      %select_n3A_1103 = arith.select %lt3A_1102, %select_n3A_1100, %select_n3A_1029 : vector<8x64xi1>, vector<8x64xf32>
      %select_n3A_1104 = arith.select %lt3A_1102, %select_n3A_1101, %select_n3A_1030 : vector<8x64xi1>, vector<8x64xi32>
      %select_n3A_1105 = arith.select %lt3A_1102, %select_n3A_1029, %select_n3A_1100 : vector<8x64xi1>, vector<8x64xf32>
      %select_n3A_1106 = arith.select %lt3A_1102, %select_n3A_1030, %select_n3A_1101 : vector<8x64xi1>, vector<8x64xi32>
      %lt3A_1107 = arith.cmpf olt, %select_n3A_1105, %select_n3A_1034 : vector<8x64xf32>
      %select_n3A_1108 = arith.select %lt3A_1107, %select_n3A_1105, %select_n3A_1034 : vector<8x64xi1>, vector<8x64xf32>
      %select_n3A_1109 = arith.select %lt3A_1107, %select_n3A_1106, %select_n3A_1035 : vector<8x64xi1>, vector<8x64xi32>
      %select_n3A_1110 = arith.select %lt3A_1107, %select_n3A_1034, %select_n3A_1105 : vector<8x64xi1>, vector<8x64xf32>
      %select_n3A_1111 = arith.select %lt3A_1107, %select_n3A_1035, %select_n3A_1106 : vector<8x64xi1>, vector<8x64xi32>
      %lt3A_1112 = arith.cmpf olt, %select_n3A_1110, %select_n3A_1039 : vector<8x64xf32>
      %select_n3A_1113 = arith.select %lt3A_1112, %select_n3A_1110, %select_n3A_1039 : vector<8x64xi1>, vector<8x64xf32>
      %select_n3A_1114 = arith.select %lt3A_1112, %select_n3A_1111, %select_n3A_1040 : vector<8x64xi1>, vector<8x64xi32>
      %select_n3A_1115 = arith.select %lt3A_1112, %select_n3A_1039, %select_n3A_1110 : vector<8x64xi1>, vector<8x64xf32>
      %select_n3A_1116 = arith.select %lt3A_1112, %select_n3A_1040, %select_n3A_1111 : vector<8x64xi1>, vector<8x64xi32>
      %lt3A_1117 = arith.cmpf olt, %select_n3A_1115, %select_n3A_1044 : vector<8x64xf32>
      %select_n3A_1118 = arith.select %lt3A_1117, %select_n3A_1115, %select_n3A_1044 : vector<8x64xi1>, vector<8x64xf32>
      %select_n3A_1119 = arith.select %lt3A_1117, %select_n3A_1116, %select_n3A_1045 : vector<8x64xi1>, vector<8x64xi32>
      %select_n3A_1120 = arith.select %lt3A_1117, %select_n3A_1044, %select_n3A_1115 : vector<8x64xi1>, vector<8x64xf32>
      %select_n3A_1121 = arith.select %lt3A_1117, %select_n3A_1045, %select_n3A_1116 : vector<8x64xi1>, vector<8x64xi32>
      %lt3A_1122 = arith.cmpf olt, %select_n3A_1120, %select_n3A_1049 : vector<8x64xf32>
      %select_n3A_1123 = arith.select %lt3A_1122, %select_n3A_1120, %select_n3A_1049 : vector<8x64xi1>, vector<8x64xf32>
      %select_n3A_1124 = arith.select %lt3A_1122, %select_n3A_1121, %select_n3A_1050 : vector<8x64xi1>, vector<8x64xi32>
      %select_n3A_1125 = arith.select %lt3A_1122, %select_n3A_1049, %select_n3A_1120 : vector<8x64xi1>, vector<8x64xf32>
      %select_n3A_1126 = arith.select %lt3A_1122, %select_n3A_1050, %select_n3A_1121 : vector<8x64xi1>, vector<8x64xi32>
      %lt3A_1127 = arith.cmpf olt, %select_n3A_1125, %select_n3A_1054 : vector<8x64xf32>
      %select_n3A_1128 = arith.select %lt3A_1127, %select_n3A_1125, %select_n3A_1054 : vector<8x64xi1>, vector<8x64xf32>
      %select_n3A_1129 = arith.select %lt3A_1127, %select_n3A_1126, %select_n3A_1055 : vector<8x64xi1>, vector<8x64xi32>
      %select_n3A_1130 = arith.select %lt3A_1127, %select_n3A_1054, %select_n3A_1125 : vector<8x64xi1>, vector<8x64xf32>
      %select_n3A_1131 = arith.select %lt3A_1127, %select_n3A_1055, %select_n3A_1126 : vector<8x64xi1>, vector<8x64xi32>
      %lt3A_1132 = arith.cmpf olt, %select_n3A_1130, %select_n3A_1059 : vector<8x64xf32>
      %select_n3A_1133 = arith.select %lt3A_1132, %select_n3A_1130, %select_n3A_1059 : vector<8x64xi1>, vector<8x64xf32>
      %select_n3A_1134 = arith.select %lt3A_1132, %select_n3A_1131, %select_n3A_1060 : vector<8x64xi1>, vector<8x64xi32>
      %select_n3A_1135 = arith.select %lt3A_1132, %select_n3A_1059, %select_n3A_1130 : vector<8x64xi1>, vector<8x64xf32>
      %select_n3A_1136 = arith.select %lt3A_1132, %select_n3A_1060, %select_n3A_1131 : vector<8x64xi1>, vector<8x64xi32>
      %lt3A_1137 = arith.cmpf olt, %select_n3A_1135, %select_n3A_1064 : vector<8x64xf32>
      %select_n3A_1138 = arith.select %lt3A_1137, %select_n3A_1135, %select_n3A_1064 : vector<8x64xi1>, vector<8x64xf32>
      %select_n3A_1139 = arith.select %lt3A_1137, %select_n3A_1136, %select_n3A_1065 : vector<8x64xi1>, vector<8x64xi32>
      %select_n3A_1140 = arith.select %lt3A_1137, %select_n3A_1064, %select_n3A_1135 : vector<8x64xi1>, vector<8x64xf32>
      %select_n3A_1141 = arith.select %lt3A_1137, %select_n3A_1065, %select_n3A_1136 : vector<8x64xi1>, vector<8x64xi32>
      %lt3A_1142 = arith.cmpf olt, %select_n3A_1140, %select_n3A_1069 : vector<8x64xf32>
      %select_n3A_1143 = arith.select %lt3A_1142, %select_n3A_1140, %select_n3A_1069 : vector<8x64xi1>, vector<8x64xf32>
      %select_n3A_1144 = arith.select %lt3A_1142, %select_n3A_1141, %select_n3A_1070 : vector<8x64xi1>, vector<8x64xi32>
      %select_n3A_1145 = arith.select %lt3A_1142, %select_n3A_1069, %select_n3A_1140 : vector<8x64xi1>, vector<8x64xf32>
      %select_n3A_1146 = arith.select %lt3A_1142, %select_n3A_1070, %select_n3A_1141 : vector<8x64xi1>, vector<8x64xi32>
      %lt3A_1147 = arith.cmpf olt, %select_n3A_1145, %select_n3A_1074 : vector<8x64xf32>
      %select_n3A_1148 = arith.select %lt3A_1147, %select_n3A_1145, %select_n3A_1074 : vector<8x64xi1>, vector<8x64xf32>
      %select_n3A_1149 = arith.select %lt3A_1147, %select_n3A_1146, %select_n3A_1075 : vector<8x64xi1>, vector<8x64xi32>
      %select_n3A_1150 = arith.select %lt3A_1147, %select_n3A_1074, %select_n3A_1145 : vector<8x64xi1>, vector<8x64xf32>
      %select_n3A_1151 = arith.select %lt3A_1147, %select_n3A_1075, %select_n3A_1146 : vector<8x64xi1>, vector<8x64xi32>
      %lt3A_1152 = arith.cmpf olt, %select_n3A_1150, %select_n3A_1079 : vector<8x64xf32>
      %select_n3A_1153 = arith.select %lt3A_1152, %select_n3A_1150, %select_n3A_1079 : vector<8x64xi1>, vector<8x64xf32>
      %select_n3A_1154 = arith.select %lt3A_1152, %select_n3A_1151, %select_n3A_1080 : vector<8x64xi1>, vector<8x64xi32>
      %slice3A_1155 = vector.extract_strided_slice %get3A_197 {offsets = [0, 0, 13], sizes = [8, 8, 64], strides = [1, 1, 1]} : vector<8x8x94xf32> to vector<8x8x64xf32>
      %sub3A_1156 = arith.subf %get3A_6, %slice3A_1155 : vector<8x8x64xf32>
      %mul3A_1157 = arith.mulf %sub3A_1156, %sub3A_1156 : vector<8x8x64xf32>
      %reduce_sum3A_1158 = arith.constant dense<0.000000e+00> : vector<8x64xf32>
      %reduce_sum3A_1159 = vector.multi_reduction <add>, %mul3A_1157, %reduce_sum3A_1158 [0] : vector<8x8x64xf32> to vector<8x64xf32>
      %mul3A_1160 = arith.constant 94 : i32
      %mul3A_1161 = arith.muli %scan3A_164, %mul3A_1160 : i32
      %add3A_1162 = arith.constant 13 : i32
      %add3A_1163 = arith.addi %mul3A_1161, %add3A_1162 : i32
      %add3A_1164 = vector.broadcast %add3A_1163 : i32 to vector<8x64xi32>
      %add3A_1165 = arith.addi %add3A_17, %add3A_1164 : vector<8x64xi32>
      %lt3A_1166 = arith.cmpf olt, %reduce_sum3A_1159, %select_n3A_1093 : vector<8x64xf32>
      %select_n3A_1167 = arith.select %lt3A_1166, %reduce_sum3A_1159, %select_n3A_1093 : vector<8x64xi1>, vector<8x64xf32>
      %select_n3A_1168 = arith.select %lt3A_1166, %add3A_1165, %select_n3A_1094 : vector<8x64xi1>, vector<8x64xi32>
      %select_n3A_1169 = arith.select %lt3A_1166, %select_n3A_1093, %reduce_sum3A_1159 : vector<8x64xi1>, vector<8x64xf32>
      %select_n3A_1170 = arith.select %lt3A_1166, %select_n3A_1094, %add3A_1165 : vector<8x64xi1>, vector<8x64xi32>
      %lt3A_1171 = arith.cmpf olt, %select_n3A_1169, %select_n3A_1098 : vector<8x64xf32>
      %select_n3A_1172 = arith.select %lt3A_1171, %select_n3A_1169, %select_n3A_1098 : vector<8x64xi1>, vector<8x64xf32>
      %select_n3A_1173 = arith.select %lt3A_1171, %select_n3A_1170, %select_n3A_1099 : vector<8x64xi1>, vector<8x64xi32>
      %select_n3A_1174 = arith.select %lt3A_1171, %select_n3A_1098, %select_n3A_1169 : vector<8x64xi1>, vector<8x64xf32>
      %select_n3A_1175 = arith.select %lt3A_1171, %select_n3A_1099, %select_n3A_1170 : vector<8x64xi1>, vector<8x64xi32>
      %lt3A_1176 = arith.cmpf olt, %select_n3A_1174, %select_n3A_1103 : vector<8x64xf32>
      %select_n3A_1177 = arith.select %lt3A_1176, %select_n3A_1174, %select_n3A_1103 : vector<8x64xi1>, vector<8x64xf32>
      %select_n3A_1178 = arith.select %lt3A_1176, %select_n3A_1175, %select_n3A_1104 : vector<8x64xi1>, vector<8x64xi32>
      %select_n3A_1179 = arith.select %lt3A_1176, %select_n3A_1103, %select_n3A_1174 : vector<8x64xi1>, vector<8x64xf32>
      %select_n3A_1180 = arith.select %lt3A_1176, %select_n3A_1104, %select_n3A_1175 : vector<8x64xi1>, vector<8x64xi32>
      %lt3A_1181 = arith.cmpf olt, %select_n3A_1179, %select_n3A_1108 : vector<8x64xf32>
      %select_n3A_1182 = arith.select %lt3A_1181, %select_n3A_1179, %select_n3A_1108 : vector<8x64xi1>, vector<8x64xf32>
      %select_n3A_1183 = arith.select %lt3A_1181, %select_n3A_1180, %select_n3A_1109 : vector<8x64xi1>, vector<8x64xi32>
      %select_n3A_1184 = arith.select %lt3A_1181, %select_n3A_1108, %select_n3A_1179 : vector<8x64xi1>, vector<8x64xf32>
      %select_n3A_1185 = arith.select %lt3A_1181, %select_n3A_1109, %select_n3A_1180 : vector<8x64xi1>, vector<8x64xi32>
      %lt3A_1186 = arith.cmpf olt, %select_n3A_1184, %select_n3A_1113 : vector<8x64xf32>
      %select_n3A_1187 = arith.select %lt3A_1186, %select_n3A_1184, %select_n3A_1113 : vector<8x64xi1>, vector<8x64xf32>
      %select_n3A_1188 = arith.select %lt3A_1186, %select_n3A_1185, %select_n3A_1114 : vector<8x64xi1>, vector<8x64xi32>
      %select_n3A_1189 = arith.select %lt3A_1186, %select_n3A_1113, %select_n3A_1184 : vector<8x64xi1>, vector<8x64xf32>
      %select_n3A_1190 = arith.select %lt3A_1186, %select_n3A_1114, %select_n3A_1185 : vector<8x64xi1>, vector<8x64xi32>
      %lt3A_1191 = arith.cmpf olt, %select_n3A_1189, %select_n3A_1118 : vector<8x64xf32>
      %select_n3A_1192 = arith.select %lt3A_1191, %select_n3A_1189, %select_n3A_1118 : vector<8x64xi1>, vector<8x64xf32>
      %select_n3A_1193 = arith.select %lt3A_1191, %select_n3A_1190, %select_n3A_1119 : vector<8x64xi1>, vector<8x64xi32>
      %select_n3A_1194 = arith.select %lt3A_1191, %select_n3A_1118, %select_n3A_1189 : vector<8x64xi1>, vector<8x64xf32>
      %select_n3A_1195 = arith.select %lt3A_1191, %select_n3A_1119, %select_n3A_1190 : vector<8x64xi1>, vector<8x64xi32>
      %lt3A_1196 = arith.cmpf olt, %select_n3A_1194, %select_n3A_1123 : vector<8x64xf32>
      %select_n3A_1197 = arith.select %lt3A_1196, %select_n3A_1194, %select_n3A_1123 : vector<8x64xi1>, vector<8x64xf32>
      %select_n3A_1198 = arith.select %lt3A_1196, %select_n3A_1195, %select_n3A_1124 : vector<8x64xi1>, vector<8x64xi32>
      %select_n3A_1199 = arith.select %lt3A_1196, %select_n3A_1123, %select_n3A_1194 : vector<8x64xi1>, vector<8x64xf32>
      %select_n3A_1200 = arith.select %lt3A_1196, %select_n3A_1124, %select_n3A_1195 : vector<8x64xi1>, vector<8x64xi32>
      %lt3A_1201 = arith.cmpf olt, %select_n3A_1199, %select_n3A_1128 : vector<8x64xf32>
      %select_n3A_1202 = arith.select %lt3A_1201, %select_n3A_1199, %select_n3A_1128 : vector<8x64xi1>, vector<8x64xf32>
      %select_n3A_1203 = arith.select %lt3A_1201, %select_n3A_1200, %select_n3A_1129 : vector<8x64xi1>, vector<8x64xi32>
      %select_n3A_1204 = arith.select %lt3A_1201, %select_n3A_1128, %select_n3A_1199 : vector<8x64xi1>, vector<8x64xf32>
      %select_n3A_1205 = arith.select %lt3A_1201, %select_n3A_1129, %select_n3A_1200 : vector<8x64xi1>, vector<8x64xi32>
      %lt3A_1206 = arith.cmpf olt, %select_n3A_1204, %select_n3A_1133 : vector<8x64xf32>
      %select_n3A_1207 = arith.select %lt3A_1206, %select_n3A_1204, %select_n3A_1133 : vector<8x64xi1>, vector<8x64xf32>
      %select_n3A_1208 = arith.select %lt3A_1206, %select_n3A_1205, %select_n3A_1134 : vector<8x64xi1>, vector<8x64xi32>
      %select_n3A_1209 = arith.select %lt3A_1206, %select_n3A_1133, %select_n3A_1204 : vector<8x64xi1>, vector<8x64xf32>
      %select_n3A_1210 = arith.select %lt3A_1206, %select_n3A_1134, %select_n3A_1205 : vector<8x64xi1>, vector<8x64xi32>
      %lt3A_1211 = arith.cmpf olt, %select_n3A_1209, %select_n3A_1138 : vector<8x64xf32>
      %select_n3A_1212 = arith.select %lt3A_1211, %select_n3A_1209, %select_n3A_1138 : vector<8x64xi1>, vector<8x64xf32>
      %select_n3A_1213 = arith.select %lt3A_1211, %select_n3A_1210, %select_n3A_1139 : vector<8x64xi1>, vector<8x64xi32>
      %select_n3A_1214 = arith.select %lt3A_1211, %select_n3A_1138, %select_n3A_1209 : vector<8x64xi1>, vector<8x64xf32>
      %select_n3A_1215 = arith.select %lt3A_1211, %select_n3A_1139, %select_n3A_1210 : vector<8x64xi1>, vector<8x64xi32>
      %lt3A_1216 = arith.cmpf olt, %select_n3A_1214, %select_n3A_1143 : vector<8x64xf32>
      %select_n3A_1217 = arith.select %lt3A_1216, %select_n3A_1214, %select_n3A_1143 : vector<8x64xi1>, vector<8x64xf32>
      %select_n3A_1218 = arith.select %lt3A_1216, %select_n3A_1215, %select_n3A_1144 : vector<8x64xi1>, vector<8x64xi32>
      %select_n3A_1219 = arith.select %lt3A_1216, %select_n3A_1143, %select_n3A_1214 : vector<8x64xi1>, vector<8x64xf32>
      %select_n3A_1220 = arith.select %lt3A_1216, %select_n3A_1144, %select_n3A_1215 : vector<8x64xi1>, vector<8x64xi32>
      %lt3A_1221 = arith.cmpf olt, %select_n3A_1219, %select_n3A_1148 : vector<8x64xf32>
      %select_n3A_1222 = arith.select %lt3A_1221, %select_n3A_1219, %select_n3A_1148 : vector<8x64xi1>, vector<8x64xf32>
      %select_n3A_1223 = arith.select %lt3A_1221, %select_n3A_1220, %select_n3A_1149 : vector<8x64xi1>, vector<8x64xi32>
      %select_n3A_1224 = arith.select %lt3A_1221, %select_n3A_1148, %select_n3A_1219 : vector<8x64xi1>, vector<8x64xf32>
      %select_n3A_1225 = arith.select %lt3A_1221, %select_n3A_1149, %select_n3A_1220 : vector<8x64xi1>, vector<8x64xi32>
      %lt3A_1226 = arith.cmpf olt, %select_n3A_1224, %select_n3A_1153 : vector<8x64xf32>
      %select_n3A_1227 = arith.select %lt3A_1226, %select_n3A_1224, %select_n3A_1153 : vector<8x64xi1>, vector<8x64xf32>
      %select_n3A_1228 = arith.select %lt3A_1226, %select_n3A_1225, %select_n3A_1154 : vector<8x64xi1>, vector<8x64xi32>
      %slice3A_1229 = vector.extract_strided_slice %get3A_197 {offsets = [0, 0, 14], sizes = [8, 8, 64], strides = [1, 1, 1]} : vector<8x8x94xf32> to vector<8x8x64xf32>
      %sub3A_1230 = arith.subf %get3A_6, %slice3A_1229 : vector<8x8x64xf32>
      %mul3A_1231 = arith.mulf %sub3A_1230, %sub3A_1230 : vector<8x8x64xf32>
      %reduce_sum3A_1232 = arith.constant dense<0.000000e+00> : vector<8x64xf32>
      %reduce_sum3A_1233 = vector.multi_reduction <add>, %mul3A_1231, %reduce_sum3A_1232 [0] : vector<8x8x64xf32> to vector<8x64xf32>
      %mul3A_1234 = arith.constant 94 : i32
      %mul3A_1235 = arith.muli %scan3A_164, %mul3A_1234 : i32
      %add3A_1236 = arith.constant 14 : i32
      %add3A_1237 = arith.addi %mul3A_1235, %add3A_1236 : i32
      %add3A_1238 = vector.broadcast %add3A_1237 : i32 to vector<8x64xi32>
      %add3A_1239 = arith.addi %add3A_17, %add3A_1238 : vector<8x64xi32>
      %lt3A_1240 = arith.cmpf olt, %reduce_sum3A_1233, %select_n3A_1167 : vector<8x64xf32>
      %select_n3A_1241 = arith.select %lt3A_1240, %reduce_sum3A_1233, %select_n3A_1167 : vector<8x64xi1>, vector<8x64xf32>
      %select_n3A_1242 = arith.select %lt3A_1240, %add3A_1239, %select_n3A_1168 : vector<8x64xi1>, vector<8x64xi32>
      %select_n3A_1243 = arith.select %lt3A_1240, %select_n3A_1167, %reduce_sum3A_1233 : vector<8x64xi1>, vector<8x64xf32>
      %select_n3A_1244 = arith.select %lt3A_1240, %select_n3A_1168, %add3A_1239 : vector<8x64xi1>, vector<8x64xi32>
      %lt3A_1245 = arith.cmpf olt, %select_n3A_1243, %select_n3A_1172 : vector<8x64xf32>
      %select_n3A_1246 = arith.select %lt3A_1245, %select_n3A_1243, %select_n3A_1172 : vector<8x64xi1>, vector<8x64xf32>
      %select_n3A_1247 = arith.select %lt3A_1245, %select_n3A_1244, %select_n3A_1173 : vector<8x64xi1>, vector<8x64xi32>
      %select_n3A_1248 = arith.select %lt3A_1245, %select_n3A_1172, %select_n3A_1243 : vector<8x64xi1>, vector<8x64xf32>
      %select_n3A_1249 = arith.select %lt3A_1245, %select_n3A_1173, %select_n3A_1244 : vector<8x64xi1>, vector<8x64xi32>
      %lt3A_1250 = arith.cmpf olt, %select_n3A_1248, %select_n3A_1177 : vector<8x64xf32>
      %select_n3A_1251 = arith.select %lt3A_1250, %select_n3A_1248, %select_n3A_1177 : vector<8x64xi1>, vector<8x64xf32>
      %select_n3A_1252 = arith.select %lt3A_1250, %select_n3A_1249, %select_n3A_1178 : vector<8x64xi1>, vector<8x64xi32>
      %select_n3A_1253 = arith.select %lt3A_1250, %select_n3A_1177, %select_n3A_1248 : vector<8x64xi1>, vector<8x64xf32>
      %select_n3A_1254 = arith.select %lt3A_1250, %select_n3A_1178, %select_n3A_1249 : vector<8x64xi1>, vector<8x64xi32>
      %lt3A_1255 = arith.cmpf olt, %select_n3A_1253, %select_n3A_1182 : vector<8x64xf32>
      %select_n3A_1256 = arith.select %lt3A_1255, %select_n3A_1253, %select_n3A_1182 : vector<8x64xi1>, vector<8x64xf32>
      %select_n3A_1257 = arith.select %lt3A_1255, %select_n3A_1254, %select_n3A_1183 : vector<8x64xi1>, vector<8x64xi32>
      %select_n3A_1258 = arith.select %lt3A_1255, %select_n3A_1182, %select_n3A_1253 : vector<8x64xi1>, vector<8x64xf32>
      %select_n3A_1259 = arith.select %lt3A_1255, %select_n3A_1183, %select_n3A_1254 : vector<8x64xi1>, vector<8x64xi32>
      %lt3A_1260 = arith.cmpf olt, %select_n3A_1258, %select_n3A_1187 : vector<8x64xf32>
      %select_n3A_1261 = arith.select %lt3A_1260, %select_n3A_1258, %select_n3A_1187 : vector<8x64xi1>, vector<8x64xf32>
      %select_n3A_1262 = arith.select %lt3A_1260, %select_n3A_1259, %select_n3A_1188 : vector<8x64xi1>, vector<8x64xi32>
      %select_n3A_1263 = arith.select %lt3A_1260, %select_n3A_1187, %select_n3A_1258 : vector<8x64xi1>, vector<8x64xf32>
      %select_n3A_1264 = arith.select %lt3A_1260, %select_n3A_1188, %select_n3A_1259 : vector<8x64xi1>, vector<8x64xi32>
      %lt3A_1265 = arith.cmpf olt, %select_n3A_1263, %select_n3A_1192 : vector<8x64xf32>
      %select_n3A_1266 = arith.select %lt3A_1265, %select_n3A_1263, %select_n3A_1192 : vector<8x64xi1>, vector<8x64xf32>
      %select_n3A_1267 = arith.select %lt3A_1265, %select_n3A_1264, %select_n3A_1193 : vector<8x64xi1>, vector<8x64xi32>
      %select_n3A_1268 = arith.select %lt3A_1265, %select_n3A_1192, %select_n3A_1263 : vector<8x64xi1>, vector<8x64xf32>
      %select_n3A_1269 = arith.select %lt3A_1265, %select_n3A_1193, %select_n3A_1264 : vector<8x64xi1>, vector<8x64xi32>
      %lt3A_1270 = arith.cmpf olt, %select_n3A_1268, %select_n3A_1197 : vector<8x64xf32>
      %select_n3A_1271 = arith.select %lt3A_1270, %select_n3A_1268, %select_n3A_1197 : vector<8x64xi1>, vector<8x64xf32>
      %select_n3A_1272 = arith.select %lt3A_1270, %select_n3A_1269, %select_n3A_1198 : vector<8x64xi1>, vector<8x64xi32>
      %select_n3A_1273 = arith.select %lt3A_1270, %select_n3A_1197, %select_n3A_1268 : vector<8x64xi1>, vector<8x64xf32>
      %select_n3A_1274 = arith.select %lt3A_1270, %select_n3A_1198, %select_n3A_1269 : vector<8x64xi1>, vector<8x64xi32>
      %lt3A_1275 = arith.cmpf olt, %select_n3A_1273, %select_n3A_1202 : vector<8x64xf32>
      %select_n3A_1276 = arith.select %lt3A_1275, %select_n3A_1273, %select_n3A_1202 : vector<8x64xi1>, vector<8x64xf32>
      %select_n3A_1277 = arith.select %lt3A_1275, %select_n3A_1274, %select_n3A_1203 : vector<8x64xi1>, vector<8x64xi32>
      %select_n3A_1278 = arith.select %lt3A_1275, %select_n3A_1202, %select_n3A_1273 : vector<8x64xi1>, vector<8x64xf32>
      %select_n3A_1279 = arith.select %lt3A_1275, %select_n3A_1203, %select_n3A_1274 : vector<8x64xi1>, vector<8x64xi32>
      %lt3A_1280 = arith.cmpf olt, %select_n3A_1278, %select_n3A_1207 : vector<8x64xf32>
      %select_n3A_1281 = arith.select %lt3A_1280, %select_n3A_1278, %select_n3A_1207 : vector<8x64xi1>, vector<8x64xf32>
      %select_n3A_1282 = arith.select %lt3A_1280, %select_n3A_1279, %select_n3A_1208 : vector<8x64xi1>, vector<8x64xi32>
      %select_n3A_1283 = arith.select %lt3A_1280, %select_n3A_1207, %select_n3A_1278 : vector<8x64xi1>, vector<8x64xf32>
      %select_n3A_1284 = arith.select %lt3A_1280, %select_n3A_1208, %select_n3A_1279 : vector<8x64xi1>, vector<8x64xi32>
      %lt3A_1285 = arith.cmpf olt, %select_n3A_1283, %select_n3A_1212 : vector<8x64xf32>
      %select_n3A_1286 = arith.select %lt3A_1285, %select_n3A_1283, %select_n3A_1212 : vector<8x64xi1>, vector<8x64xf32>
      %select_n3A_1287 = arith.select %lt3A_1285, %select_n3A_1284, %select_n3A_1213 : vector<8x64xi1>, vector<8x64xi32>
      %select_n3A_1288 = arith.select %lt3A_1285, %select_n3A_1212, %select_n3A_1283 : vector<8x64xi1>, vector<8x64xf32>
      %select_n3A_1289 = arith.select %lt3A_1285, %select_n3A_1213, %select_n3A_1284 : vector<8x64xi1>, vector<8x64xi32>
      %lt3A_1290 = arith.cmpf olt, %select_n3A_1288, %select_n3A_1217 : vector<8x64xf32>
      %select_n3A_1291 = arith.select %lt3A_1290, %select_n3A_1288, %select_n3A_1217 : vector<8x64xi1>, vector<8x64xf32>
      %select_n3A_1292 = arith.select %lt3A_1290, %select_n3A_1289, %select_n3A_1218 : vector<8x64xi1>, vector<8x64xi32>
      %select_n3A_1293 = arith.select %lt3A_1290, %select_n3A_1217, %select_n3A_1288 : vector<8x64xi1>, vector<8x64xf32>
      %select_n3A_1294 = arith.select %lt3A_1290, %select_n3A_1218, %select_n3A_1289 : vector<8x64xi1>, vector<8x64xi32>
      %lt3A_1295 = arith.cmpf olt, %select_n3A_1293, %select_n3A_1222 : vector<8x64xf32>
      %select_n3A_1296 = arith.select %lt3A_1295, %select_n3A_1293, %select_n3A_1222 : vector<8x64xi1>, vector<8x64xf32>
      %select_n3A_1297 = arith.select %lt3A_1295, %select_n3A_1294, %select_n3A_1223 : vector<8x64xi1>, vector<8x64xi32>
      %select_n3A_1298 = arith.select %lt3A_1295, %select_n3A_1222, %select_n3A_1293 : vector<8x64xi1>, vector<8x64xf32>
      %select_n3A_1299 = arith.select %lt3A_1295, %select_n3A_1223, %select_n3A_1294 : vector<8x64xi1>, vector<8x64xi32>
      %lt3A_1300 = arith.cmpf olt, %select_n3A_1298, %select_n3A_1227 : vector<8x64xf32>
      %select_n3A_1301 = arith.select %lt3A_1300, %select_n3A_1298, %select_n3A_1227 : vector<8x64xi1>, vector<8x64xf32>
      %select_n3A_1302 = arith.select %lt3A_1300, %select_n3A_1299, %select_n3A_1228 : vector<8x64xi1>, vector<8x64xi32>
      %slice3A_1303 = vector.extract_strided_slice %get3A_197 {offsets = [0, 0, 15], sizes = [8, 8, 64], strides = [1, 1, 1]} : vector<8x8x94xf32> to vector<8x8x64xf32>
      %sub3A_1304 = arith.subf %get3A_6, %slice3A_1303 : vector<8x8x64xf32>
      %mul3A_1305 = arith.mulf %sub3A_1304, %sub3A_1304 : vector<8x8x64xf32>
      %reduce_sum3A_1306 = arith.constant dense<0.000000e+00> : vector<8x64xf32>
      %reduce_sum3A_1307 = vector.multi_reduction <add>, %mul3A_1305, %reduce_sum3A_1306 [0] : vector<8x8x64xf32> to vector<8x64xf32>
      %eq3A = arith.constant 15 : i32
      %eq3A_1308 = arith.cmpi eq, %scan3A_164, %eq3A : i32
      %jit3A = arith.constant 3.000000e+38 : f32
      %broadcast_in_dim3A_1309 = vector.broadcast %jit3A : f32 to vector<8x64xf32>
      %select_n3A_1310 = arith.select %eq3A_1308, %broadcast_in_dim3A_1309, %reduce_sum3A_1307 : vector<8x64xf32>
      %mul3A_1311 = arith.constant 94 : i32
      %mul3A_1312 = arith.muli %scan3A_164, %mul3A_1311 : i32
      %add3A_1313 = arith.constant 15 : i32
      %add3A_1314 = arith.addi %mul3A_1312, %add3A_1313 : i32
      %add3A_1315 = vector.broadcast %add3A_1314 : i32 to vector<8x64xi32>
      %add3A_1316 = arith.addi %add3A_17, %add3A_1315 : vector<8x64xi32>
      %lt3A_1317 = arith.cmpf olt, %select_n3A_1310, %select_n3A_1241 : vector<8x64xf32>
      %select_n3A_1318 = arith.select %lt3A_1317, %select_n3A_1310, %select_n3A_1241 : vector<8x64xi1>, vector<8x64xf32>
      %select_n3A_1319 = arith.select %lt3A_1317, %add3A_1316, %select_n3A_1242 : vector<8x64xi1>, vector<8x64xi32>
      %select_n3A_1320 = arith.select %lt3A_1317, %select_n3A_1241, %select_n3A_1310 : vector<8x64xi1>, vector<8x64xf32>
      %select_n3A_1321 = arith.select %lt3A_1317, %select_n3A_1242, %add3A_1316 : vector<8x64xi1>, vector<8x64xi32>
      %lt3A_1322 = arith.cmpf olt, %select_n3A_1320, %select_n3A_1246 : vector<8x64xf32>
      %select_n3A_1323 = arith.select %lt3A_1322, %select_n3A_1320, %select_n3A_1246 : vector<8x64xi1>, vector<8x64xf32>
      %select_n3A_1324 = arith.select %lt3A_1322, %select_n3A_1321, %select_n3A_1247 : vector<8x64xi1>, vector<8x64xi32>
      %select_n3A_1325 = arith.select %lt3A_1322, %select_n3A_1246, %select_n3A_1320 : vector<8x64xi1>, vector<8x64xf32>
      %select_n3A_1326 = arith.select %lt3A_1322, %select_n3A_1247, %select_n3A_1321 : vector<8x64xi1>, vector<8x64xi32>
      %lt3A_1327 = arith.cmpf olt, %select_n3A_1325, %select_n3A_1251 : vector<8x64xf32>
      %select_n3A_1328 = arith.select %lt3A_1327, %select_n3A_1325, %select_n3A_1251 : vector<8x64xi1>, vector<8x64xf32>
      %select_n3A_1329 = arith.select %lt3A_1327, %select_n3A_1326, %select_n3A_1252 : vector<8x64xi1>, vector<8x64xi32>
      %select_n3A_1330 = arith.select %lt3A_1327, %select_n3A_1251, %select_n3A_1325 : vector<8x64xi1>, vector<8x64xf32>
      %select_n3A_1331 = arith.select %lt3A_1327, %select_n3A_1252, %select_n3A_1326 : vector<8x64xi1>, vector<8x64xi32>
      %lt3A_1332 = arith.cmpf olt, %select_n3A_1330, %select_n3A_1256 : vector<8x64xf32>
      %select_n3A_1333 = arith.select %lt3A_1332, %select_n3A_1330, %select_n3A_1256 : vector<8x64xi1>, vector<8x64xf32>
      %select_n3A_1334 = arith.select %lt3A_1332, %select_n3A_1331, %select_n3A_1257 : vector<8x64xi1>, vector<8x64xi32>
      %select_n3A_1335 = arith.select %lt3A_1332, %select_n3A_1256, %select_n3A_1330 : vector<8x64xi1>, vector<8x64xf32>
      %select_n3A_1336 = arith.select %lt3A_1332, %select_n3A_1257, %select_n3A_1331 : vector<8x64xi1>, vector<8x64xi32>
      %lt3A_1337 = arith.cmpf olt, %select_n3A_1335, %select_n3A_1261 : vector<8x64xf32>
      %select_n3A_1338 = arith.select %lt3A_1337, %select_n3A_1335, %select_n3A_1261 : vector<8x64xi1>, vector<8x64xf32>
      %select_n3A_1339 = arith.select %lt3A_1337, %select_n3A_1336, %select_n3A_1262 : vector<8x64xi1>, vector<8x64xi32>
      %select_n3A_1340 = arith.select %lt3A_1337, %select_n3A_1261, %select_n3A_1335 : vector<8x64xi1>, vector<8x64xf32>
      %select_n3A_1341 = arith.select %lt3A_1337, %select_n3A_1262, %select_n3A_1336 : vector<8x64xi1>, vector<8x64xi32>
      %lt3A_1342 = arith.cmpf olt, %select_n3A_1340, %select_n3A_1266 : vector<8x64xf32>
      %select_n3A_1343 = arith.select %lt3A_1342, %select_n3A_1340, %select_n3A_1266 : vector<8x64xi1>, vector<8x64xf32>
      %select_n3A_1344 = arith.select %lt3A_1342, %select_n3A_1341, %select_n3A_1267 : vector<8x64xi1>, vector<8x64xi32>
      %select_n3A_1345 = arith.select %lt3A_1342, %select_n3A_1266, %select_n3A_1340 : vector<8x64xi1>, vector<8x64xf32>
      %select_n3A_1346 = arith.select %lt3A_1342, %select_n3A_1267, %select_n3A_1341 : vector<8x64xi1>, vector<8x64xi32>
      %lt3A_1347 = arith.cmpf olt, %select_n3A_1345, %select_n3A_1271 : vector<8x64xf32>
      %select_n3A_1348 = arith.select %lt3A_1347, %select_n3A_1345, %select_n3A_1271 : vector<8x64xi1>, vector<8x64xf32>
      %select_n3A_1349 = arith.select %lt3A_1347, %select_n3A_1346, %select_n3A_1272 : vector<8x64xi1>, vector<8x64xi32>
      %select_n3A_1350 = arith.select %lt3A_1347, %select_n3A_1271, %select_n3A_1345 : vector<8x64xi1>, vector<8x64xf32>
      %select_n3A_1351 = arith.select %lt3A_1347, %select_n3A_1272, %select_n3A_1346 : vector<8x64xi1>, vector<8x64xi32>
      %lt3A_1352 = arith.cmpf olt, %select_n3A_1350, %select_n3A_1276 : vector<8x64xf32>
      %select_n3A_1353 = arith.select %lt3A_1352, %select_n3A_1350, %select_n3A_1276 : vector<8x64xi1>, vector<8x64xf32>
      %select_n3A_1354 = arith.select %lt3A_1352, %select_n3A_1351, %select_n3A_1277 : vector<8x64xi1>, vector<8x64xi32>
      %select_n3A_1355 = arith.select %lt3A_1352, %select_n3A_1276, %select_n3A_1350 : vector<8x64xi1>, vector<8x64xf32>
      %select_n3A_1356 = arith.select %lt3A_1352, %select_n3A_1277, %select_n3A_1351 : vector<8x64xi1>, vector<8x64xi32>
      %lt3A_1357 = arith.cmpf olt, %select_n3A_1355, %select_n3A_1281 : vector<8x64xf32>
      %select_n3A_1358 = arith.select %lt3A_1357, %select_n3A_1355, %select_n3A_1281 : vector<8x64xi1>, vector<8x64xf32>
      %select_n3A_1359 = arith.select %lt3A_1357, %select_n3A_1356, %select_n3A_1282 : vector<8x64xi1>, vector<8x64xi32>
      %select_n3A_1360 = arith.select %lt3A_1357, %select_n3A_1281, %select_n3A_1355 : vector<8x64xi1>, vector<8x64xf32>
      %select_n3A_1361 = arith.select %lt3A_1357, %select_n3A_1282, %select_n3A_1356 : vector<8x64xi1>, vector<8x64xi32>
      %lt3A_1362 = arith.cmpf olt, %select_n3A_1360, %select_n3A_1286 : vector<8x64xf32>
      %select_n3A_1363 = arith.select %lt3A_1362, %select_n3A_1360, %select_n3A_1286 : vector<8x64xi1>, vector<8x64xf32>
      %select_n3A_1364 = arith.select %lt3A_1362, %select_n3A_1361, %select_n3A_1287 : vector<8x64xi1>, vector<8x64xi32>
      %select_n3A_1365 = arith.select %lt3A_1362, %select_n3A_1286, %select_n3A_1360 : vector<8x64xi1>, vector<8x64xf32>
      %select_n3A_1366 = arith.select %lt3A_1362, %select_n3A_1287, %select_n3A_1361 : vector<8x64xi1>, vector<8x64xi32>
      %lt3A_1367 = arith.cmpf olt, %select_n3A_1365, %select_n3A_1291 : vector<8x64xf32>
      %select_n3A_1368 = arith.select %lt3A_1367, %select_n3A_1365, %select_n3A_1291 : vector<8x64xi1>, vector<8x64xf32>
      %select_n3A_1369 = arith.select %lt3A_1367, %select_n3A_1366, %select_n3A_1292 : vector<8x64xi1>, vector<8x64xi32>
      %select_n3A_1370 = arith.select %lt3A_1367, %select_n3A_1291, %select_n3A_1365 : vector<8x64xi1>, vector<8x64xf32>
      %select_n3A_1371 = arith.select %lt3A_1367, %select_n3A_1292, %select_n3A_1366 : vector<8x64xi1>, vector<8x64xi32>
      %lt3A_1372 = arith.cmpf olt, %select_n3A_1370, %select_n3A_1296 : vector<8x64xf32>
      %select_n3A_1373 = arith.select %lt3A_1372, %select_n3A_1370, %select_n3A_1296 : vector<8x64xi1>, vector<8x64xf32>
      %select_n3A_1374 = arith.select %lt3A_1372, %select_n3A_1371, %select_n3A_1297 : vector<8x64xi1>, vector<8x64xi32>
      %select_n3A_1375 = arith.select %lt3A_1372, %select_n3A_1296, %select_n3A_1370 : vector<8x64xi1>, vector<8x64xf32>
      %select_n3A_1376 = arith.select %lt3A_1372, %select_n3A_1297, %select_n3A_1371 : vector<8x64xi1>, vector<8x64xi32>
      %lt3A_1377 = arith.cmpf olt, %select_n3A_1375, %select_n3A_1301 : vector<8x64xf32>
      %select_n3A_1378 = arith.select %lt3A_1377, %select_n3A_1375, %select_n3A_1301 : vector<8x64xi1>, vector<8x64xf32>
      %select_n3A_1379 = arith.select %lt3A_1377, %select_n3A_1376, %select_n3A_1302 : vector<8x64xi1>, vector<8x64xi32>
      %slice3A_1380 = vector.extract_strided_slice %get3A_197 {offsets = [0, 0, 16], sizes = [8, 8, 64], strides = [1, 1, 1]} : vector<8x8x94xf32> to vector<8x8x64xf32>
      %sub3A_1381 = arith.subf %get3A_6, %slice3A_1380 : vector<8x8x64xf32>
      %mul3A_1382 = arith.mulf %sub3A_1381, %sub3A_1381 : vector<8x8x64xf32>
      %reduce_sum3A_1383 = arith.constant dense<0.000000e+00> : vector<8x64xf32>
      %reduce_sum3A_1384 = vector.multi_reduction <add>, %mul3A_1382, %reduce_sum3A_1383 [0] : vector<8x8x64xf32> to vector<8x64xf32>
      %mul3A_1385 = arith.constant 94 : i32
      %mul3A_1386 = arith.muli %scan3A_164, %mul3A_1385 : i32
      %add3A_1387 = arith.constant 16 : i32
      %add3A_1388 = arith.addi %mul3A_1386, %add3A_1387 : i32
      %add3A_1389 = vector.broadcast %add3A_1388 : i32 to vector<8x64xi32>
      %add3A_1390 = arith.addi %add3A_17, %add3A_1389 : vector<8x64xi32>
      %lt3A_1391 = arith.cmpf olt, %reduce_sum3A_1384, %select_n3A_1318 : vector<8x64xf32>
      %select_n3A_1392 = arith.select %lt3A_1391, %reduce_sum3A_1384, %select_n3A_1318 : vector<8x64xi1>, vector<8x64xf32>
      %select_n3A_1393 = arith.select %lt3A_1391, %add3A_1390, %select_n3A_1319 : vector<8x64xi1>, vector<8x64xi32>
      %select_n3A_1394 = arith.select %lt3A_1391, %select_n3A_1318, %reduce_sum3A_1384 : vector<8x64xi1>, vector<8x64xf32>
      %select_n3A_1395 = arith.select %lt3A_1391, %select_n3A_1319, %add3A_1390 : vector<8x64xi1>, vector<8x64xi32>
      %lt3A_1396 = arith.cmpf olt, %select_n3A_1394, %select_n3A_1323 : vector<8x64xf32>
      %select_n3A_1397 = arith.select %lt3A_1396, %select_n3A_1394, %select_n3A_1323 : vector<8x64xi1>, vector<8x64xf32>
      %select_n3A_1398 = arith.select %lt3A_1396, %select_n3A_1395, %select_n3A_1324 : vector<8x64xi1>, vector<8x64xi32>
      %select_n3A_1399 = arith.select %lt3A_1396, %select_n3A_1323, %select_n3A_1394 : vector<8x64xi1>, vector<8x64xf32>
      %select_n3A_1400 = arith.select %lt3A_1396, %select_n3A_1324, %select_n3A_1395 : vector<8x64xi1>, vector<8x64xi32>
      %lt3A_1401 = arith.cmpf olt, %select_n3A_1399, %select_n3A_1328 : vector<8x64xf32>
      %select_n3A_1402 = arith.select %lt3A_1401, %select_n3A_1399, %select_n3A_1328 : vector<8x64xi1>, vector<8x64xf32>
      %select_n3A_1403 = arith.select %lt3A_1401, %select_n3A_1400, %select_n3A_1329 : vector<8x64xi1>, vector<8x64xi32>
      %select_n3A_1404 = arith.select %lt3A_1401, %select_n3A_1328, %select_n3A_1399 : vector<8x64xi1>, vector<8x64xf32>
      %select_n3A_1405 = arith.select %lt3A_1401, %select_n3A_1329, %select_n3A_1400 : vector<8x64xi1>, vector<8x64xi32>
      %lt3A_1406 = arith.cmpf olt, %select_n3A_1404, %select_n3A_1333 : vector<8x64xf32>
      %select_n3A_1407 = arith.select %lt3A_1406, %select_n3A_1404, %select_n3A_1333 : vector<8x64xi1>, vector<8x64xf32>
      %select_n3A_1408 = arith.select %lt3A_1406, %select_n3A_1405, %select_n3A_1334 : vector<8x64xi1>, vector<8x64xi32>
      %select_n3A_1409 = arith.select %lt3A_1406, %select_n3A_1333, %select_n3A_1404 : vector<8x64xi1>, vector<8x64xf32>
      %select_n3A_1410 = arith.select %lt3A_1406, %select_n3A_1334, %select_n3A_1405 : vector<8x64xi1>, vector<8x64xi32>
      %lt3A_1411 = arith.cmpf olt, %select_n3A_1409, %select_n3A_1338 : vector<8x64xf32>
      %select_n3A_1412 = arith.select %lt3A_1411, %select_n3A_1409, %select_n3A_1338 : vector<8x64xi1>, vector<8x64xf32>
      %select_n3A_1413 = arith.select %lt3A_1411, %select_n3A_1410, %select_n3A_1339 : vector<8x64xi1>, vector<8x64xi32>
      %select_n3A_1414 = arith.select %lt3A_1411, %select_n3A_1338, %select_n3A_1409 : vector<8x64xi1>, vector<8x64xf32>
      %select_n3A_1415 = arith.select %lt3A_1411, %select_n3A_1339, %select_n3A_1410 : vector<8x64xi1>, vector<8x64xi32>
      %lt3A_1416 = arith.cmpf olt, %select_n3A_1414, %select_n3A_1343 : vector<8x64xf32>
      %select_n3A_1417 = arith.select %lt3A_1416, %select_n3A_1414, %select_n3A_1343 : vector<8x64xi1>, vector<8x64xf32>
      %select_n3A_1418 = arith.select %lt3A_1416, %select_n3A_1415, %select_n3A_1344 : vector<8x64xi1>, vector<8x64xi32>
      %select_n3A_1419 = arith.select %lt3A_1416, %select_n3A_1343, %select_n3A_1414 : vector<8x64xi1>, vector<8x64xf32>
      %select_n3A_1420 = arith.select %lt3A_1416, %select_n3A_1344, %select_n3A_1415 : vector<8x64xi1>, vector<8x64xi32>
      %lt3A_1421 = arith.cmpf olt, %select_n3A_1419, %select_n3A_1348 : vector<8x64xf32>
      %select_n3A_1422 = arith.select %lt3A_1421, %select_n3A_1419, %select_n3A_1348 : vector<8x64xi1>, vector<8x64xf32>
      %select_n3A_1423 = arith.select %lt3A_1421, %select_n3A_1420, %select_n3A_1349 : vector<8x64xi1>, vector<8x64xi32>
      %select_n3A_1424 = arith.select %lt3A_1421, %select_n3A_1348, %select_n3A_1419 : vector<8x64xi1>, vector<8x64xf32>
      %select_n3A_1425 = arith.select %lt3A_1421, %select_n3A_1349, %select_n3A_1420 : vector<8x64xi1>, vector<8x64xi32>
      %lt3A_1426 = arith.cmpf olt, %select_n3A_1424, %select_n3A_1353 : vector<8x64xf32>
      %select_n3A_1427 = arith.select %lt3A_1426, %select_n3A_1424, %select_n3A_1353 : vector<8x64xi1>, vector<8x64xf32>
      %select_n3A_1428 = arith.select %lt3A_1426, %select_n3A_1425, %select_n3A_1354 : vector<8x64xi1>, vector<8x64xi32>
      %select_n3A_1429 = arith.select %lt3A_1426, %select_n3A_1353, %select_n3A_1424 : vector<8x64xi1>, vector<8x64xf32>
      %select_n3A_1430 = arith.select %lt3A_1426, %select_n3A_1354, %select_n3A_1425 : vector<8x64xi1>, vector<8x64xi32>
      %lt3A_1431 = arith.cmpf olt, %select_n3A_1429, %select_n3A_1358 : vector<8x64xf32>
      %select_n3A_1432 = arith.select %lt3A_1431, %select_n3A_1429, %select_n3A_1358 : vector<8x64xi1>, vector<8x64xf32>
      %select_n3A_1433 = arith.select %lt3A_1431, %select_n3A_1430, %select_n3A_1359 : vector<8x64xi1>, vector<8x64xi32>
      %select_n3A_1434 = arith.select %lt3A_1431, %select_n3A_1358, %select_n3A_1429 : vector<8x64xi1>, vector<8x64xf32>
      %select_n3A_1435 = arith.select %lt3A_1431, %select_n3A_1359, %select_n3A_1430 : vector<8x64xi1>, vector<8x64xi32>
      %lt3A_1436 = arith.cmpf olt, %select_n3A_1434, %select_n3A_1363 : vector<8x64xf32>
      %select_n3A_1437 = arith.select %lt3A_1436, %select_n3A_1434, %select_n3A_1363 : vector<8x64xi1>, vector<8x64xf32>
      %select_n3A_1438 = arith.select %lt3A_1436, %select_n3A_1435, %select_n3A_1364 : vector<8x64xi1>, vector<8x64xi32>
      %select_n3A_1439 = arith.select %lt3A_1436, %select_n3A_1363, %select_n3A_1434 : vector<8x64xi1>, vector<8x64xf32>
      %select_n3A_1440 = arith.select %lt3A_1436, %select_n3A_1364, %select_n3A_1435 : vector<8x64xi1>, vector<8x64xi32>
      %lt3A_1441 = arith.cmpf olt, %select_n3A_1439, %select_n3A_1368 : vector<8x64xf32>
      %select_n3A_1442 = arith.select %lt3A_1441, %select_n3A_1439, %select_n3A_1368 : vector<8x64xi1>, vector<8x64xf32>
      %select_n3A_1443 = arith.select %lt3A_1441, %select_n3A_1440, %select_n3A_1369 : vector<8x64xi1>, vector<8x64xi32>
      %select_n3A_1444 = arith.select %lt3A_1441, %select_n3A_1368, %select_n3A_1439 : vector<8x64xi1>, vector<8x64xf32>
      %select_n3A_1445 = arith.select %lt3A_1441, %select_n3A_1369, %select_n3A_1440 : vector<8x64xi1>, vector<8x64xi32>
      %lt3A_1446 = arith.cmpf olt, %select_n3A_1444, %select_n3A_1373 : vector<8x64xf32>
      %select_n3A_1447 = arith.select %lt3A_1446, %select_n3A_1444, %select_n3A_1373 : vector<8x64xi1>, vector<8x64xf32>
      %select_n3A_1448 = arith.select %lt3A_1446, %select_n3A_1445, %select_n3A_1374 : vector<8x64xi1>, vector<8x64xi32>
      %select_n3A_1449 = arith.select %lt3A_1446, %select_n3A_1373, %select_n3A_1444 : vector<8x64xi1>, vector<8x64xf32>
      %select_n3A_1450 = arith.select %lt3A_1446, %select_n3A_1374, %select_n3A_1445 : vector<8x64xi1>, vector<8x64xi32>
      %lt3A_1451 = arith.cmpf olt, %select_n3A_1449, %select_n3A_1378 : vector<8x64xf32>
      %select_n3A_1452 = arith.select %lt3A_1451, %select_n3A_1449, %select_n3A_1378 : vector<8x64xi1>, vector<8x64xf32>
      %select_n3A_1453 = arith.select %lt3A_1451, %select_n3A_1450, %select_n3A_1379 : vector<8x64xi1>, vector<8x64xi32>
      %slice3A_1454 = vector.extract_strided_slice %get3A_197 {offsets = [0, 0, 17], sizes = [8, 8, 64], strides = [1, 1, 1]} : vector<8x8x94xf32> to vector<8x8x64xf32>
      %sub3A_1455 = arith.subf %get3A_6, %slice3A_1454 : vector<8x8x64xf32>
      %mul3A_1456 = arith.mulf %sub3A_1455, %sub3A_1455 : vector<8x8x64xf32>
      %reduce_sum3A_1457 = arith.constant dense<0.000000e+00> : vector<8x64xf32>
      %reduce_sum3A_1458 = vector.multi_reduction <add>, %mul3A_1456, %reduce_sum3A_1457 [0] : vector<8x8x64xf32> to vector<8x64xf32>
      %mul3A_1459 = arith.constant 94 : i32
      %mul3A_1460 = arith.muli %scan3A_164, %mul3A_1459 : i32
      %add3A_1461 = arith.constant 17 : i32
      %add3A_1462 = arith.addi %mul3A_1460, %add3A_1461 : i32
      %add3A_1463 = vector.broadcast %add3A_1462 : i32 to vector<8x64xi32>
      %add3A_1464 = arith.addi %add3A_17, %add3A_1463 : vector<8x64xi32>
      %lt3A_1465 = arith.cmpf olt, %reduce_sum3A_1458, %select_n3A_1392 : vector<8x64xf32>
      %select_n3A_1466 = arith.select %lt3A_1465, %reduce_sum3A_1458, %select_n3A_1392 : vector<8x64xi1>, vector<8x64xf32>
      %select_n3A_1467 = arith.select %lt3A_1465, %add3A_1464, %select_n3A_1393 : vector<8x64xi1>, vector<8x64xi32>
      %select_n3A_1468 = arith.select %lt3A_1465, %select_n3A_1392, %reduce_sum3A_1458 : vector<8x64xi1>, vector<8x64xf32>
      %select_n3A_1469 = arith.select %lt3A_1465, %select_n3A_1393, %add3A_1464 : vector<8x64xi1>, vector<8x64xi32>
      %lt3A_1470 = arith.cmpf olt, %select_n3A_1468, %select_n3A_1397 : vector<8x64xf32>
      %select_n3A_1471 = arith.select %lt3A_1470, %select_n3A_1468, %select_n3A_1397 : vector<8x64xi1>, vector<8x64xf32>
      %select_n3A_1472 = arith.select %lt3A_1470, %select_n3A_1469, %select_n3A_1398 : vector<8x64xi1>, vector<8x64xi32>
      %select_n3A_1473 = arith.select %lt3A_1470, %select_n3A_1397, %select_n3A_1468 : vector<8x64xi1>, vector<8x64xf32>
      %select_n3A_1474 = arith.select %lt3A_1470, %select_n3A_1398, %select_n3A_1469 : vector<8x64xi1>, vector<8x64xi32>
      %lt3A_1475 = arith.cmpf olt, %select_n3A_1473, %select_n3A_1402 : vector<8x64xf32>
      %select_n3A_1476 = arith.select %lt3A_1475, %select_n3A_1473, %select_n3A_1402 : vector<8x64xi1>, vector<8x64xf32>
      %select_n3A_1477 = arith.select %lt3A_1475, %select_n3A_1474, %select_n3A_1403 : vector<8x64xi1>, vector<8x64xi32>
      %select_n3A_1478 = arith.select %lt3A_1475, %select_n3A_1402, %select_n3A_1473 : vector<8x64xi1>, vector<8x64xf32>
      %select_n3A_1479 = arith.select %lt3A_1475, %select_n3A_1403, %select_n3A_1474 : vector<8x64xi1>, vector<8x64xi32>
      %lt3A_1480 = arith.cmpf olt, %select_n3A_1478, %select_n3A_1407 : vector<8x64xf32>
      %select_n3A_1481 = arith.select %lt3A_1480, %select_n3A_1478, %select_n3A_1407 : vector<8x64xi1>, vector<8x64xf32>
      %select_n3A_1482 = arith.select %lt3A_1480, %select_n3A_1479, %select_n3A_1408 : vector<8x64xi1>, vector<8x64xi32>
      %select_n3A_1483 = arith.select %lt3A_1480, %select_n3A_1407, %select_n3A_1478 : vector<8x64xi1>, vector<8x64xf32>
      %select_n3A_1484 = arith.select %lt3A_1480, %select_n3A_1408, %select_n3A_1479 : vector<8x64xi1>, vector<8x64xi32>
      %lt3A_1485 = arith.cmpf olt, %select_n3A_1483, %select_n3A_1412 : vector<8x64xf32>
      %select_n3A_1486 = arith.select %lt3A_1485, %select_n3A_1483, %select_n3A_1412 : vector<8x64xi1>, vector<8x64xf32>
      %select_n3A_1487 = arith.select %lt3A_1485, %select_n3A_1484, %select_n3A_1413 : vector<8x64xi1>, vector<8x64xi32>
      %select_n3A_1488 = arith.select %lt3A_1485, %select_n3A_1412, %select_n3A_1483 : vector<8x64xi1>, vector<8x64xf32>
      %select_n3A_1489 = arith.select %lt3A_1485, %select_n3A_1413, %select_n3A_1484 : vector<8x64xi1>, vector<8x64xi32>
      %lt3A_1490 = arith.cmpf olt, %select_n3A_1488, %select_n3A_1417 : vector<8x64xf32>
      %select_n3A_1491 = arith.select %lt3A_1490, %select_n3A_1488, %select_n3A_1417 : vector<8x64xi1>, vector<8x64xf32>
      %select_n3A_1492 = arith.select %lt3A_1490, %select_n3A_1489, %select_n3A_1418 : vector<8x64xi1>, vector<8x64xi32>
      %select_n3A_1493 = arith.select %lt3A_1490, %select_n3A_1417, %select_n3A_1488 : vector<8x64xi1>, vector<8x64xf32>
      %select_n3A_1494 = arith.select %lt3A_1490, %select_n3A_1418, %select_n3A_1489 : vector<8x64xi1>, vector<8x64xi32>
      %lt3A_1495 = arith.cmpf olt, %select_n3A_1493, %select_n3A_1422 : vector<8x64xf32>
      %select_n3A_1496 = arith.select %lt3A_1495, %select_n3A_1493, %select_n3A_1422 : vector<8x64xi1>, vector<8x64xf32>
      %select_n3A_1497 = arith.select %lt3A_1495, %select_n3A_1494, %select_n3A_1423 : vector<8x64xi1>, vector<8x64xi32>
      %select_n3A_1498 = arith.select %lt3A_1495, %select_n3A_1422, %select_n3A_1493 : vector<8x64xi1>, vector<8x64xf32>
      %select_n3A_1499 = arith.select %lt3A_1495, %select_n3A_1423, %select_n3A_1494 : vector<8x64xi1>, vector<8x64xi32>
      %lt3A_1500 = arith.cmpf olt, %select_n3A_1498, %select_n3A_1427 : vector<8x64xf32>
      %select_n3A_1501 = arith.select %lt3A_1500, %select_n3A_1498, %select_n3A_1427 : vector<8x64xi1>, vector<8x64xf32>
      %select_n3A_1502 = arith.select %lt3A_1500, %select_n3A_1499, %select_n3A_1428 : vector<8x64xi1>, vector<8x64xi32>
      %select_n3A_1503 = arith.select %lt3A_1500, %select_n3A_1427, %select_n3A_1498 : vector<8x64xi1>, vector<8x64xf32>
      %select_n3A_1504 = arith.select %lt3A_1500, %select_n3A_1428, %select_n3A_1499 : vector<8x64xi1>, vector<8x64xi32>
      %lt3A_1505 = arith.cmpf olt, %select_n3A_1503, %select_n3A_1432 : vector<8x64xf32>
      %select_n3A_1506 = arith.select %lt3A_1505, %select_n3A_1503, %select_n3A_1432 : vector<8x64xi1>, vector<8x64xf32>
      %select_n3A_1507 = arith.select %lt3A_1505, %select_n3A_1504, %select_n3A_1433 : vector<8x64xi1>, vector<8x64xi32>
      %select_n3A_1508 = arith.select %lt3A_1505, %select_n3A_1432, %select_n3A_1503 : vector<8x64xi1>, vector<8x64xf32>
      %select_n3A_1509 = arith.select %lt3A_1505, %select_n3A_1433, %select_n3A_1504 : vector<8x64xi1>, vector<8x64xi32>
      %lt3A_1510 = arith.cmpf olt, %select_n3A_1508, %select_n3A_1437 : vector<8x64xf32>
      %select_n3A_1511 = arith.select %lt3A_1510, %select_n3A_1508, %select_n3A_1437 : vector<8x64xi1>, vector<8x64xf32>
      %select_n3A_1512 = arith.select %lt3A_1510, %select_n3A_1509, %select_n3A_1438 : vector<8x64xi1>, vector<8x64xi32>
      %select_n3A_1513 = arith.select %lt3A_1510, %select_n3A_1437, %select_n3A_1508 : vector<8x64xi1>, vector<8x64xf32>
      %select_n3A_1514 = arith.select %lt3A_1510, %select_n3A_1438, %select_n3A_1509 : vector<8x64xi1>, vector<8x64xi32>
      %lt3A_1515 = arith.cmpf olt, %select_n3A_1513, %select_n3A_1442 : vector<8x64xf32>
      %select_n3A_1516 = arith.select %lt3A_1515, %select_n3A_1513, %select_n3A_1442 : vector<8x64xi1>, vector<8x64xf32>
      %select_n3A_1517 = arith.select %lt3A_1515, %select_n3A_1514, %select_n3A_1443 : vector<8x64xi1>, vector<8x64xi32>
      %select_n3A_1518 = arith.select %lt3A_1515, %select_n3A_1442, %select_n3A_1513 : vector<8x64xi1>, vector<8x64xf32>
      %select_n3A_1519 = arith.select %lt3A_1515, %select_n3A_1443, %select_n3A_1514 : vector<8x64xi1>, vector<8x64xi32>
      %lt3A_1520 = arith.cmpf olt, %select_n3A_1518, %select_n3A_1447 : vector<8x64xf32>
      %select_n3A_1521 = arith.select %lt3A_1520, %select_n3A_1518, %select_n3A_1447 : vector<8x64xi1>, vector<8x64xf32>
      %select_n3A_1522 = arith.select %lt3A_1520, %select_n3A_1519, %select_n3A_1448 : vector<8x64xi1>, vector<8x64xi32>
      %select_n3A_1523 = arith.select %lt3A_1520, %select_n3A_1447, %select_n3A_1518 : vector<8x64xi1>, vector<8x64xf32>
      %select_n3A_1524 = arith.select %lt3A_1520, %select_n3A_1448, %select_n3A_1519 : vector<8x64xi1>, vector<8x64xi32>
      %lt3A_1525 = arith.cmpf olt, %select_n3A_1523, %select_n3A_1452 : vector<8x64xf32>
      %select_n3A_1526 = arith.select %lt3A_1525, %select_n3A_1523, %select_n3A_1452 : vector<8x64xi1>, vector<8x64xf32>
      %select_n3A_1527 = arith.select %lt3A_1525, %select_n3A_1524, %select_n3A_1453 : vector<8x64xi1>, vector<8x64xi32>
      %slice3A_1528 = vector.extract_strided_slice %get3A_197 {offsets = [0, 0, 18], sizes = [8, 8, 64], strides = [1, 1, 1]} : vector<8x8x94xf32> to vector<8x8x64xf32>
      %sub3A_1529 = arith.subf %get3A_6, %slice3A_1528 : vector<8x8x64xf32>
      %mul3A_1530 = arith.mulf %sub3A_1529, %sub3A_1529 : vector<8x8x64xf32>
      %reduce_sum3A_1531 = arith.constant dense<0.000000e+00> : vector<8x64xf32>
      %reduce_sum3A_1532 = vector.multi_reduction <add>, %mul3A_1530, %reduce_sum3A_1531 [0] : vector<8x8x64xf32> to vector<8x64xf32>
      %mul3A_1533 = arith.constant 94 : i32
      %mul3A_1534 = arith.muli %scan3A_164, %mul3A_1533 : i32
      %add3A_1535 = arith.constant 18 : i32
      %add3A_1536 = arith.addi %mul3A_1534, %add3A_1535 : i32
      %add3A_1537 = vector.broadcast %add3A_1536 : i32 to vector<8x64xi32>
      %add3A_1538 = arith.addi %add3A_17, %add3A_1537 : vector<8x64xi32>
      %lt3A_1539 = arith.cmpf olt, %reduce_sum3A_1532, %select_n3A_1466 : vector<8x64xf32>
      %select_n3A_1540 = arith.select %lt3A_1539, %reduce_sum3A_1532, %select_n3A_1466 : vector<8x64xi1>, vector<8x64xf32>
      %select_n3A_1541 = arith.select %lt3A_1539, %add3A_1538, %select_n3A_1467 : vector<8x64xi1>, vector<8x64xi32>
      %select_n3A_1542 = arith.select %lt3A_1539, %select_n3A_1466, %reduce_sum3A_1532 : vector<8x64xi1>, vector<8x64xf32>
      %select_n3A_1543 = arith.select %lt3A_1539, %select_n3A_1467, %add3A_1538 : vector<8x64xi1>, vector<8x64xi32>
      %lt3A_1544 = arith.cmpf olt, %select_n3A_1542, %select_n3A_1471 : vector<8x64xf32>
      %select_n3A_1545 = arith.select %lt3A_1544, %select_n3A_1542, %select_n3A_1471 : vector<8x64xi1>, vector<8x64xf32>
      %select_n3A_1546 = arith.select %lt3A_1544, %select_n3A_1543, %select_n3A_1472 : vector<8x64xi1>, vector<8x64xi32>
      %select_n3A_1547 = arith.select %lt3A_1544, %select_n3A_1471, %select_n3A_1542 : vector<8x64xi1>, vector<8x64xf32>
      %select_n3A_1548 = arith.select %lt3A_1544, %select_n3A_1472, %select_n3A_1543 : vector<8x64xi1>, vector<8x64xi32>
      %lt3A_1549 = arith.cmpf olt, %select_n3A_1547, %select_n3A_1476 : vector<8x64xf32>
      %select_n3A_1550 = arith.select %lt3A_1549, %select_n3A_1547, %select_n3A_1476 : vector<8x64xi1>, vector<8x64xf32>
      %select_n3A_1551 = arith.select %lt3A_1549, %select_n3A_1548, %select_n3A_1477 : vector<8x64xi1>, vector<8x64xi32>
      %select_n3A_1552 = arith.select %lt3A_1549, %select_n3A_1476, %select_n3A_1547 : vector<8x64xi1>, vector<8x64xf32>
      %select_n3A_1553 = arith.select %lt3A_1549, %select_n3A_1477, %select_n3A_1548 : vector<8x64xi1>, vector<8x64xi32>
      %lt3A_1554 = arith.cmpf olt, %select_n3A_1552, %select_n3A_1481 : vector<8x64xf32>
      %select_n3A_1555 = arith.select %lt3A_1554, %select_n3A_1552, %select_n3A_1481 : vector<8x64xi1>, vector<8x64xf32>
      %select_n3A_1556 = arith.select %lt3A_1554, %select_n3A_1553, %select_n3A_1482 : vector<8x64xi1>, vector<8x64xi32>
      %select_n3A_1557 = arith.select %lt3A_1554, %select_n3A_1481, %select_n3A_1552 : vector<8x64xi1>, vector<8x64xf32>
      %select_n3A_1558 = arith.select %lt3A_1554, %select_n3A_1482, %select_n3A_1553 : vector<8x64xi1>, vector<8x64xi32>
      %lt3A_1559 = arith.cmpf olt, %select_n3A_1557, %select_n3A_1486 : vector<8x64xf32>
      %select_n3A_1560 = arith.select %lt3A_1559, %select_n3A_1557, %select_n3A_1486 : vector<8x64xi1>, vector<8x64xf32>
      %select_n3A_1561 = arith.select %lt3A_1559, %select_n3A_1558, %select_n3A_1487 : vector<8x64xi1>, vector<8x64xi32>
      %select_n3A_1562 = arith.select %lt3A_1559, %select_n3A_1486, %select_n3A_1557 : vector<8x64xi1>, vector<8x64xf32>
      %select_n3A_1563 = arith.select %lt3A_1559, %select_n3A_1487, %select_n3A_1558 : vector<8x64xi1>, vector<8x64xi32>
      %lt3A_1564 = arith.cmpf olt, %select_n3A_1562, %select_n3A_1491 : vector<8x64xf32>
      %select_n3A_1565 = arith.select %lt3A_1564, %select_n3A_1562, %select_n3A_1491 : vector<8x64xi1>, vector<8x64xf32>
      %select_n3A_1566 = arith.select %lt3A_1564, %select_n3A_1563, %select_n3A_1492 : vector<8x64xi1>, vector<8x64xi32>
      %select_n3A_1567 = arith.select %lt3A_1564, %select_n3A_1491, %select_n3A_1562 : vector<8x64xi1>, vector<8x64xf32>
      %select_n3A_1568 = arith.select %lt3A_1564, %select_n3A_1492, %select_n3A_1563 : vector<8x64xi1>, vector<8x64xi32>
      %lt3A_1569 = arith.cmpf olt, %select_n3A_1567, %select_n3A_1496 : vector<8x64xf32>
      %select_n3A_1570 = arith.select %lt3A_1569, %select_n3A_1567, %select_n3A_1496 : vector<8x64xi1>, vector<8x64xf32>
      %select_n3A_1571 = arith.select %lt3A_1569, %select_n3A_1568, %select_n3A_1497 : vector<8x64xi1>, vector<8x64xi32>
      %select_n3A_1572 = arith.select %lt3A_1569, %select_n3A_1496, %select_n3A_1567 : vector<8x64xi1>, vector<8x64xf32>
      %select_n3A_1573 = arith.select %lt3A_1569, %select_n3A_1497, %select_n3A_1568 : vector<8x64xi1>, vector<8x64xi32>
      %lt3A_1574 = arith.cmpf olt, %select_n3A_1572, %select_n3A_1501 : vector<8x64xf32>
      %select_n3A_1575 = arith.select %lt3A_1574, %select_n3A_1572, %select_n3A_1501 : vector<8x64xi1>, vector<8x64xf32>
      %select_n3A_1576 = arith.select %lt3A_1574, %select_n3A_1573, %select_n3A_1502 : vector<8x64xi1>, vector<8x64xi32>
      %select_n3A_1577 = arith.select %lt3A_1574, %select_n3A_1501, %select_n3A_1572 : vector<8x64xi1>, vector<8x64xf32>
      %select_n3A_1578 = arith.select %lt3A_1574, %select_n3A_1502, %select_n3A_1573 : vector<8x64xi1>, vector<8x64xi32>
      %lt3A_1579 = arith.cmpf olt, %select_n3A_1577, %select_n3A_1506 : vector<8x64xf32>
      %select_n3A_1580 = arith.select %lt3A_1579, %select_n3A_1577, %select_n3A_1506 : vector<8x64xi1>, vector<8x64xf32>
      %select_n3A_1581 = arith.select %lt3A_1579, %select_n3A_1578, %select_n3A_1507 : vector<8x64xi1>, vector<8x64xi32>
      %select_n3A_1582 = arith.select %lt3A_1579, %select_n3A_1506, %select_n3A_1577 : vector<8x64xi1>, vector<8x64xf32>
      %select_n3A_1583 = arith.select %lt3A_1579, %select_n3A_1507, %select_n3A_1578 : vector<8x64xi1>, vector<8x64xi32>
      %lt3A_1584 = arith.cmpf olt, %select_n3A_1582, %select_n3A_1511 : vector<8x64xf32>
      %select_n3A_1585 = arith.select %lt3A_1584, %select_n3A_1582, %select_n3A_1511 : vector<8x64xi1>, vector<8x64xf32>
      %select_n3A_1586 = arith.select %lt3A_1584, %select_n3A_1583, %select_n3A_1512 : vector<8x64xi1>, vector<8x64xi32>
      %select_n3A_1587 = arith.select %lt3A_1584, %select_n3A_1511, %select_n3A_1582 : vector<8x64xi1>, vector<8x64xf32>
      %select_n3A_1588 = arith.select %lt3A_1584, %select_n3A_1512, %select_n3A_1583 : vector<8x64xi1>, vector<8x64xi32>
      %lt3A_1589 = arith.cmpf olt, %select_n3A_1587, %select_n3A_1516 : vector<8x64xf32>
      %select_n3A_1590 = arith.select %lt3A_1589, %select_n3A_1587, %select_n3A_1516 : vector<8x64xi1>, vector<8x64xf32>
      %select_n3A_1591 = arith.select %lt3A_1589, %select_n3A_1588, %select_n3A_1517 : vector<8x64xi1>, vector<8x64xi32>
      %select_n3A_1592 = arith.select %lt3A_1589, %select_n3A_1516, %select_n3A_1587 : vector<8x64xi1>, vector<8x64xf32>
      %select_n3A_1593 = arith.select %lt3A_1589, %select_n3A_1517, %select_n3A_1588 : vector<8x64xi1>, vector<8x64xi32>
      %lt3A_1594 = arith.cmpf olt, %select_n3A_1592, %select_n3A_1521 : vector<8x64xf32>
      %select_n3A_1595 = arith.select %lt3A_1594, %select_n3A_1592, %select_n3A_1521 : vector<8x64xi1>, vector<8x64xf32>
      %select_n3A_1596 = arith.select %lt3A_1594, %select_n3A_1593, %select_n3A_1522 : vector<8x64xi1>, vector<8x64xi32>
      %select_n3A_1597 = arith.select %lt3A_1594, %select_n3A_1521, %select_n3A_1592 : vector<8x64xi1>, vector<8x64xf32>
      %select_n3A_1598 = arith.select %lt3A_1594, %select_n3A_1522, %select_n3A_1593 : vector<8x64xi1>, vector<8x64xi32>
      %lt3A_1599 = arith.cmpf olt, %select_n3A_1597, %select_n3A_1526 : vector<8x64xf32>
      %select_n3A_1600 = arith.select %lt3A_1599, %select_n3A_1597, %select_n3A_1526 : vector<8x64xi1>, vector<8x64xf32>
      %select_n3A_1601 = arith.select %lt3A_1599, %select_n3A_1598, %select_n3A_1527 : vector<8x64xi1>, vector<8x64xi32>
      %slice3A_1602 = vector.extract_strided_slice %get3A_197 {offsets = [0, 0, 19], sizes = [8, 8, 64], strides = [1, 1, 1]} : vector<8x8x94xf32> to vector<8x8x64xf32>
      %sub3A_1603 = arith.subf %get3A_6, %slice3A_1602 : vector<8x8x64xf32>
      %mul3A_1604 = arith.mulf %sub3A_1603, %sub3A_1603 : vector<8x8x64xf32>
      %reduce_sum3A_1605 = arith.constant dense<0.000000e+00> : vector<8x64xf32>
      %reduce_sum3A_1606 = vector.multi_reduction <add>, %mul3A_1604, %reduce_sum3A_1605 [0] : vector<8x8x64xf32> to vector<8x64xf32>
      %mul3A_1607 = arith.constant 94 : i32
      %mul3A_1608 = arith.muli %scan3A_164, %mul3A_1607 : i32
      %add3A_1609 = arith.constant 19 : i32
      %add3A_1610 = arith.addi %mul3A_1608, %add3A_1609 : i32
      %add3A_1611 = vector.broadcast %add3A_1610 : i32 to vector<8x64xi32>
      %add3A_1612 = arith.addi %add3A_17, %add3A_1611 : vector<8x64xi32>
      %lt3A_1613 = arith.cmpf olt, %reduce_sum3A_1606, %select_n3A_1540 : vector<8x64xf32>
      %select_n3A_1614 = arith.select %lt3A_1613, %reduce_sum3A_1606, %select_n3A_1540 : vector<8x64xi1>, vector<8x64xf32>
      %select_n3A_1615 = arith.select %lt3A_1613, %add3A_1612, %select_n3A_1541 : vector<8x64xi1>, vector<8x64xi32>
      %select_n3A_1616 = arith.select %lt3A_1613, %select_n3A_1540, %reduce_sum3A_1606 : vector<8x64xi1>, vector<8x64xf32>
      %select_n3A_1617 = arith.select %lt3A_1613, %select_n3A_1541, %add3A_1612 : vector<8x64xi1>, vector<8x64xi32>
      %lt3A_1618 = arith.cmpf olt, %select_n3A_1616, %select_n3A_1545 : vector<8x64xf32>
      %select_n3A_1619 = arith.select %lt3A_1618, %select_n3A_1616, %select_n3A_1545 : vector<8x64xi1>, vector<8x64xf32>
      %select_n3A_1620 = arith.select %lt3A_1618, %select_n3A_1617, %select_n3A_1546 : vector<8x64xi1>, vector<8x64xi32>
      %select_n3A_1621 = arith.select %lt3A_1618, %select_n3A_1545, %select_n3A_1616 : vector<8x64xi1>, vector<8x64xf32>
      %select_n3A_1622 = arith.select %lt3A_1618, %select_n3A_1546, %select_n3A_1617 : vector<8x64xi1>, vector<8x64xi32>
      %lt3A_1623 = arith.cmpf olt, %select_n3A_1621, %select_n3A_1550 : vector<8x64xf32>
      %select_n3A_1624 = arith.select %lt3A_1623, %select_n3A_1621, %select_n3A_1550 : vector<8x64xi1>, vector<8x64xf32>
      %select_n3A_1625 = arith.select %lt3A_1623, %select_n3A_1622, %select_n3A_1551 : vector<8x64xi1>, vector<8x64xi32>
      %select_n3A_1626 = arith.select %lt3A_1623, %select_n3A_1550, %select_n3A_1621 : vector<8x64xi1>, vector<8x64xf32>
      %select_n3A_1627 = arith.select %lt3A_1623, %select_n3A_1551, %select_n3A_1622 : vector<8x64xi1>, vector<8x64xi32>
      %lt3A_1628 = arith.cmpf olt, %select_n3A_1626, %select_n3A_1555 : vector<8x64xf32>
      %select_n3A_1629 = arith.select %lt3A_1628, %select_n3A_1626, %select_n3A_1555 : vector<8x64xi1>, vector<8x64xf32>
      %select_n3A_1630 = arith.select %lt3A_1628, %select_n3A_1627, %select_n3A_1556 : vector<8x64xi1>, vector<8x64xi32>
      %select_n3A_1631 = arith.select %lt3A_1628, %select_n3A_1555, %select_n3A_1626 : vector<8x64xi1>, vector<8x64xf32>
      %select_n3A_1632 = arith.select %lt3A_1628, %select_n3A_1556, %select_n3A_1627 : vector<8x64xi1>, vector<8x64xi32>
      %lt3A_1633 = arith.cmpf olt, %select_n3A_1631, %select_n3A_1560 : vector<8x64xf32>
      %select_n3A_1634 = arith.select %lt3A_1633, %select_n3A_1631, %select_n3A_1560 : vector<8x64xi1>, vector<8x64xf32>
      %select_n3A_1635 = arith.select %lt3A_1633, %select_n3A_1632, %select_n3A_1561 : vector<8x64xi1>, vector<8x64xi32>
      %select_n3A_1636 = arith.select %lt3A_1633, %select_n3A_1560, %select_n3A_1631 : vector<8x64xi1>, vector<8x64xf32>
      %select_n3A_1637 = arith.select %lt3A_1633, %select_n3A_1561, %select_n3A_1632 : vector<8x64xi1>, vector<8x64xi32>
      %lt3A_1638 = arith.cmpf olt, %select_n3A_1636, %select_n3A_1565 : vector<8x64xf32>
      %select_n3A_1639 = arith.select %lt3A_1638, %select_n3A_1636, %select_n3A_1565 : vector<8x64xi1>, vector<8x64xf32>
      %select_n3A_1640 = arith.select %lt3A_1638, %select_n3A_1637, %select_n3A_1566 : vector<8x64xi1>, vector<8x64xi32>
      %select_n3A_1641 = arith.select %lt3A_1638, %select_n3A_1565, %select_n3A_1636 : vector<8x64xi1>, vector<8x64xf32>
      %select_n3A_1642 = arith.select %lt3A_1638, %select_n3A_1566, %select_n3A_1637 : vector<8x64xi1>, vector<8x64xi32>
      %lt3A_1643 = arith.cmpf olt, %select_n3A_1641, %select_n3A_1570 : vector<8x64xf32>
      %select_n3A_1644 = arith.select %lt3A_1643, %select_n3A_1641, %select_n3A_1570 : vector<8x64xi1>, vector<8x64xf32>
      %select_n3A_1645 = arith.select %lt3A_1643, %select_n3A_1642, %select_n3A_1571 : vector<8x64xi1>, vector<8x64xi32>
      %select_n3A_1646 = arith.select %lt3A_1643, %select_n3A_1570, %select_n3A_1641 : vector<8x64xi1>, vector<8x64xf32>
      %select_n3A_1647 = arith.select %lt3A_1643, %select_n3A_1571, %select_n3A_1642 : vector<8x64xi1>, vector<8x64xi32>
      %lt3A_1648 = arith.cmpf olt, %select_n3A_1646, %select_n3A_1575 : vector<8x64xf32>
      %select_n3A_1649 = arith.select %lt3A_1648, %select_n3A_1646, %select_n3A_1575 : vector<8x64xi1>, vector<8x64xf32>
      %select_n3A_1650 = arith.select %lt3A_1648, %select_n3A_1647, %select_n3A_1576 : vector<8x64xi1>, vector<8x64xi32>
      %select_n3A_1651 = arith.select %lt3A_1648, %select_n3A_1575, %select_n3A_1646 : vector<8x64xi1>, vector<8x64xf32>
      %select_n3A_1652 = arith.select %lt3A_1648, %select_n3A_1576, %select_n3A_1647 : vector<8x64xi1>, vector<8x64xi32>
      %lt3A_1653 = arith.cmpf olt, %select_n3A_1651, %select_n3A_1580 : vector<8x64xf32>
      %select_n3A_1654 = arith.select %lt3A_1653, %select_n3A_1651, %select_n3A_1580 : vector<8x64xi1>, vector<8x64xf32>
      %select_n3A_1655 = arith.select %lt3A_1653, %select_n3A_1652, %select_n3A_1581 : vector<8x64xi1>, vector<8x64xi32>
      %select_n3A_1656 = arith.select %lt3A_1653, %select_n3A_1580, %select_n3A_1651 : vector<8x64xi1>, vector<8x64xf32>
      %select_n3A_1657 = arith.select %lt3A_1653, %select_n3A_1581, %select_n3A_1652 : vector<8x64xi1>, vector<8x64xi32>
      %lt3A_1658 = arith.cmpf olt, %select_n3A_1656, %select_n3A_1585 : vector<8x64xf32>
      %select_n3A_1659 = arith.select %lt3A_1658, %select_n3A_1656, %select_n3A_1585 : vector<8x64xi1>, vector<8x64xf32>
      %select_n3A_1660 = arith.select %lt3A_1658, %select_n3A_1657, %select_n3A_1586 : vector<8x64xi1>, vector<8x64xi32>
      %select_n3A_1661 = arith.select %lt3A_1658, %select_n3A_1585, %select_n3A_1656 : vector<8x64xi1>, vector<8x64xf32>
      %select_n3A_1662 = arith.select %lt3A_1658, %select_n3A_1586, %select_n3A_1657 : vector<8x64xi1>, vector<8x64xi32>
      %lt3A_1663 = arith.cmpf olt, %select_n3A_1661, %select_n3A_1590 : vector<8x64xf32>
      %select_n3A_1664 = arith.select %lt3A_1663, %select_n3A_1661, %select_n3A_1590 : vector<8x64xi1>, vector<8x64xf32>
      %select_n3A_1665 = arith.select %lt3A_1663, %select_n3A_1662, %select_n3A_1591 : vector<8x64xi1>, vector<8x64xi32>
      %select_n3A_1666 = arith.select %lt3A_1663, %select_n3A_1590, %select_n3A_1661 : vector<8x64xi1>, vector<8x64xf32>
      %select_n3A_1667 = arith.select %lt3A_1663, %select_n3A_1591, %select_n3A_1662 : vector<8x64xi1>, vector<8x64xi32>
      %lt3A_1668 = arith.cmpf olt, %select_n3A_1666, %select_n3A_1595 : vector<8x64xf32>
      %select_n3A_1669 = arith.select %lt3A_1668, %select_n3A_1666, %select_n3A_1595 : vector<8x64xi1>, vector<8x64xf32>
      %select_n3A_1670 = arith.select %lt3A_1668, %select_n3A_1667, %select_n3A_1596 : vector<8x64xi1>, vector<8x64xi32>
      %select_n3A_1671 = arith.select %lt3A_1668, %select_n3A_1595, %select_n3A_1666 : vector<8x64xi1>, vector<8x64xf32>
      %select_n3A_1672 = arith.select %lt3A_1668, %select_n3A_1596, %select_n3A_1667 : vector<8x64xi1>, vector<8x64xi32>
      %lt3A_1673 = arith.cmpf olt, %select_n3A_1671, %select_n3A_1600 : vector<8x64xf32>
      %select_n3A_1674 = arith.select %lt3A_1673, %select_n3A_1671, %select_n3A_1600 : vector<8x64xi1>, vector<8x64xf32>
      %select_n3A_1675 = arith.select %lt3A_1673, %select_n3A_1672, %select_n3A_1601 : vector<8x64xi1>, vector<8x64xi32>
      %slice3A_1676 = vector.extract_strided_slice %get3A_197 {offsets = [0, 0, 20], sizes = [8, 8, 64], strides = [1, 1, 1]} : vector<8x8x94xf32> to vector<8x8x64xf32>
      %sub3A_1677 = arith.subf %get3A_6, %slice3A_1676 : vector<8x8x64xf32>
      %mul3A_1678 = arith.mulf %sub3A_1677, %sub3A_1677 : vector<8x8x64xf32>
      %reduce_sum3A_1679 = arith.constant dense<0.000000e+00> : vector<8x64xf32>
      %reduce_sum3A_1680 = vector.multi_reduction <add>, %mul3A_1678, %reduce_sum3A_1679 [0] : vector<8x8x64xf32> to vector<8x64xf32>
      %mul3A_1681 = arith.constant 94 : i32
      %mul3A_1682 = arith.muli %scan3A_164, %mul3A_1681 : i32
      %add3A_1683 = arith.constant 20 : i32
      %add3A_1684 = arith.addi %mul3A_1682, %add3A_1683 : i32
      %add3A_1685 = vector.broadcast %add3A_1684 : i32 to vector<8x64xi32>
      %add3A_1686 = arith.addi %add3A_17, %add3A_1685 : vector<8x64xi32>
      %lt3A_1687 = arith.cmpf olt, %reduce_sum3A_1680, %select_n3A_1614 : vector<8x64xf32>
      %select_n3A_1688 = arith.select %lt3A_1687, %reduce_sum3A_1680, %select_n3A_1614 : vector<8x64xi1>, vector<8x64xf32>
      %select_n3A_1689 = arith.select %lt3A_1687, %add3A_1686, %select_n3A_1615 : vector<8x64xi1>, vector<8x64xi32>
      %select_n3A_1690 = arith.select %lt3A_1687, %select_n3A_1614, %reduce_sum3A_1680 : vector<8x64xi1>, vector<8x64xf32>
      %select_n3A_1691 = arith.select %lt3A_1687, %select_n3A_1615, %add3A_1686 : vector<8x64xi1>, vector<8x64xi32>
      %lt3A_1692 = arith.cmpf olt, %select_n3A_1690, %select_n3A_1619 : vector<8x64xf32>
      %select_n3A_1693 = arith.select %lt3A_1692, %select_n3A_1690, %select_n3A_1619 : vector<8x64xi1>, vector<8x64xf32>
      %select_n3A_1694 = arith.select %lt3A_1692, %select_n3A_1691, %select_n3A_1620 : vector<8x64xi1>, vector<8x64xi32>
      %select_n3A_1695 = arith.select %lt3A_1692, %select_n3A_1619, %select_n3A_1690 : vector<8x64xi1>, vector<8x64xf32>
      %select_n3A_1696 = arith.select %lt3A_1692, %select_n3A_1620, %select_n3A_1691 : vector<8x64xi1>, vector<8x64xi32>
      %lt3A_1697 = arith.cmpf olt, %select_n3A_1695, %select_n3A_1624 : vector<8x64xf32>
      %select_n3A_1698 = arith.select %lt3A_1697, %select_n3A_1695, %select_n3A_1624 : vector<8x64xi1>, vector<8x64xf32>
      %select_n3A_1699 = arith.select %lt3A_1697, %select_n3A_1696, %select_n3A_1625 : vector<8x64xi1>, vector<8x64xi32>
      %select_n3A_1700 = arith.select %lt3A_1697, %select_n3A_1624, %select_n3A_1695 : vector<8x64xi1>, vector<8x64xf32>
      %select_n3A_1701 = arith.select %lt3A_1697, %select_n3A_1625, %select_n3A_1696 : vector<8x64xi1>, vector<8x64xi32>
      %lt3A_1702 = arith.cmpf olt, %select_n3A_1700, %select_n3A_1629 : vector<8x64xf32>
      %select_n3A_1703 = arith.select %lt3A_1702, %select_n3A_1700, %select_n3A_1629 : vector<8x64xi1>, vector<8x64xf32>
      %select_n3A_1704 = arith.select %lt3A_1702, %select_n3A_1701, %select_n3A_1630 : vector<8x64xi1>, vector<8x64xi32>
      %select_n3A_1705 = arith.select %lt3A_1702, %select_n3A_1629, %select_n3A_1700 : vector<8x64xi1>, vector<8x64xf32>
      %select_n3A_1706 = arith.select %lt3A_1702, %select_n3A_1630, %select_n3A_1701 : vector<8x64xi1>, vector<8x64xi32>
      %lt3A_1707 = arith.cmpf olt, %select_n3A_1705, %select_n3A_1634 : vector<8x64xf32>
      %select_n3A_1708 = arith.select %lt3A_1707, %select_n3A_1705, %select_n3A_1634 : vector<8x64xi1>, vector<8x64xf32>
      %select_n3A_1709 = arith.select %lt3A_1707, %select_n3A_1706, %select_n3A_1635 : vector<8x64xi1>, vector<8x64xi32>
      %select_n3A_1710 = arith.select %lt3A_1707, %select_n3A_1634, %select_n3A_1705 : vector<8x64xi1>, vector<8x64xf32>
      %select_n3A_1711 = arith.select %lt3A_1707, %select_n3A_1635, %select_n3A_1706 : vector<8x64xi1>, vector<8x64xi32>
      %lt3A_1712 = arith.cmpf olt, %select_n3A_1710, %select_n3A_1639 : vector<8x64xf32>
      %select_n3A_1713 = arith.select %lt3A_1712, %select_n3A_1710, %select_n3A_1639 : vector<8x64xi1>, vector<8x64xf32>
      %select_n3A_1714 = arith.select %lt3A_1712, %select_n3A_1711, %select_n3A_1640 : vector<8x64xi1>, vector<8x64xi32>
      %select_n3A_1715 = arith.select %lt3A_1712, %select_n3A_1639, %select_n3A_1710 : vector<8x64xi1>, vector<8x64xf32>
      %select_n3A_1716 = arith.select %lt3A_1712, %select_n3A_1640, %select_n3A_1711 : vector<8x64xi1>, vector<8x64xi32>
      %lt3A_1717 = arith.cmpf olt, %select_n3A_1715, %select_n3A_1644 : vector<8x64xf32>
      %select_n3A_1718 = arith.select %lt3A_1717, %select_n3A_1715, %select_n3A_1644 : vector<8x64xi1>, vector<8x64xf32>
      %select_n3A_1719 = arith.select %lt3A_1717, %select_n3A_1716, %select_n3A_1645 : vector<8x64xi1>, vector<8x64xi32>
      %select_n3A_1720 = arith.select %lt3A_1717, %select_n3A_1644, %select_n3A_1715 : vector<8x64xi1>, vector<8x64xf32>
      %select_n3A_1721 = arith.select %lt3A_1717, %select_n3A_1645, %select_n3A_1716 : vector<8x64xi1>, vector<8x64xi32>
      %lt3A_1722 = arith.cmpf olt, %select_n3A_1720, %select_n3A_1649 : vector<8x64xf32>
      %select_n3A_1723 = arith.select %lt3A_1722, %select_n3A_1720, %select_n3A_1649 : vector<8x64xi1>, vector<8x64xf32>
      %select_n3A_1724 = arith.select %lt3A_1722, %select_n3A_1721, %select_n3A_1650 : vector<8x64xi1>, vector<8x64xi32>
      %select_n3A_1725 = arith.select %lt3A_1722, %select_n3A_1649, %select_n3A_1720 : vector<8x64xi1>, vector<8x64xf32>
      %select_n3A_1726 = arith.select %lt3A_1722, %select_n3A_1650, %select_n3A_1721 : vector<8x64xi1>, vector<8x64xi32>
      %lt3A_1727 = arith.cmpf olt, %select_n3A_1725, %select_n3A_1654 : vector<8x64xf32>
      %select_n3A_1728 = arith.select %lt3A_1727, %select_n3A_1725, %select_n3A_1654 : vector<8x64xi1>, vector<8x64xf32>
      %select_n3A_1729 = arith.select %lt3A_1727, %select_n3A_1726, %select_n3A_1655 : vector<8x64xi1>, vector<8x64xi32>
      %select_n3A_1730 = arith.select %lt3A_1727, %select_n3A_1654, %select_n3A_1725 : vector<8x64xi1>, vector<8x64xf32>
      %select_n3A_1731 = arith.select %lt3A_1727, %select_n3A_1655, %select_n3A_1726 : vector<8x64xi1>, vector<8x64xi32>
      %lt3A_1732 = arith.cmpf olt, %select_n3A_1730, %select_n3A_1659 : vector<8x64xf32>
      %select_n3A_1733 = arith.select %lt3A_1732, %select_n3A_1730, %select_n3A_1659 : vector<8x64xi1>, vector<8x64xf32>
      %select_n3A_1734 = arith.select %lt3A_1732, %select_n3A_1731, %select_n3A_1660 : vector<8x64xi1>, vector<8x64xi32>
      %select_n3A_1735 = arith.select %lt3A_1732, %select_n3A_1659, %select_n3A_1730 : vector<8x64xi1>, vector<8x64xf32>
      %select_n3A_1736 = arith.select %lt3A_1732, %select_n3A_1660, %select_n3A_1731 : vector<8x64xi1>, vector<8x64xi32>
      %lt3A_1737 = arith.cmpf olt, %select_n3A_1735, %select_n3A_1664 : vector<8x64xf32>
      %select_n3A_1738 = arith.select %lt3A_1737, %select_n3A_1735, %select_n3A_1664 : vector<8x64xi1>, vector<8x64xf32>
      %select_n3A_1739 = arith.select %lt3A_1737, %select_n3A_1736, %select_n3A_1665 : vector<8x64xi1>, vector<8x64xi32>
      %select_n3A_1740 = arith.select %lt3A_1737, %select_n3A_1664, %select_n3A_1735 : vector<8x64xi1>, vector<8x64xf32>
      %select_n3A_1741 = arith.select %lt3A_1737, %select_n3A_1665, %select_n3A_1736 : vector<8x64xi1>, vector<8x64xi32>
      %lt3A_1742 = arith.cmpf olt, %select_n3A_1740, %select_n3A_1669 : vector<8x64xf32>
      %select_n3A_1743 = arith.select %lt3A_1742, %select_n3A_1740, %select_n3A_1669 : vector<8x64xi1>, vector<8x64xf32>
      %select_n3A_1744 = arith.select %lt3A_1742, %select_n3A_1741, %select_n3A_1670 : vector<8x64xi1>, vector<8x64xi32>
      %select_n3A_1745 = arith.select %lt3A_1742, %select_n3A_1669, %select_n3A_1740 : vector<8x64xi1>, vector<8x64xf32>
      %select_n3A_1746 = arith.select %lt3A_1742, %select_n3A_1670, %select_n3A_1741 : vector<8x64xi1>, vector<8x64xi32>
      %lt3A_1747 = arith.cmpf olt, %select_n3A_1745, %select_n3A_1674 : vector<8x64xf32>
      %select_n3A_1748 = arith.select %lt3A_1747, %select_n3A_1745, %select_n3A_1674 : vector<8x64xi1>, vector<8x64xf32>
      %select_n3A_1749 = arith.select %lt3A_1747, %select_n3A_1746, %select_n3A_1675 : vector<8x64xi1>, vector<8x64xi32>
      %slice3A_1750 = vector.extract_strided_slice %get3A_197 {offsets = [0, 0, 21], sizes = [8, 8, 64], strides = [1, 1, 1]} : vector<8x8x94xf32> to vector<8x8x64xf32>
      %sub3A_1751 = arith.subf %get3A_6, %slice3A_1750 : vector<8x8x64xf32>
      %mul3A_1752 = arith.mulf %sub3A_1751, %sub3A_1751 : vector<8x8x64xf32>
      %reduce_sum3A_1753 = arith.constant dense<0.000000e+00> : vector<8x64xf32>
      %reduce_sum3A_1754 = vector.multi_reduction <add>, %mul3A_1752, %reduce_sum3A_1753 [0] : vector<8x8x64xf32> to vector<8x64xf32>
      %mul3A_1755 = arith.constant 94 : i32
      %mul3A_1756 = arith.muli %scan3A_164, %mul3A_1755 : i32
      %add3A_1757 = arith.constant 21 : i32
      %add3A_1758 = arith.addi %mul3A_1756, %add3A_1757 : i32
      %add3A_1759 = vector.broadcast %add3A_1758 : i32 to vector<8x64xi32>
      %add3A_1760 = arith.addi %add3A_17, %add3A_1759 : vector<8x64xi32>
      %lt3A_1761 = arith.cmpf olt, %reduce_sum3A_1754, %select_n3A_1688 : vector<8x64xf32>
      %select_n3A_1762 = arith.select %lt3A_1761, %reduce_sum3A_1754, %select_n3A_1688 : vector<8x64xi1>, vector<8x64xf32>
      %select_n3A_1763 = arith.select %lt3A_1761, %add3A_1760, %select_n3A_1689 : vector<8x64xi1>, vector<8x64xi32>
      %select_n3A_1764 = arith.select %lt3A_1761, %select_n3A_1688, %reduce_sum3A_1754 : vector<8x64xi1>, vector<8x64xf32>
      %select_n3A_1765 = arith.select %lt3A_1761, %select_n3A_1689, %add3A_1760 : vector<8x64xi1>, vector<8x64xi32>
      %lt3A_1766 = arith.cmpf olt, %select_n3A_1764, %select_n3A_1693 : vector<8x64xf32>
      %select_n3A_1767 = arith.select %lt3A_1766, %select_n3A_1764, %select_n3A_1693 : vector<8x64xi1>, vector<8x64xf32>
      %select_n3A_1768 = arith.select %lt3A_1766, %select_n3A_1765, %select_n3A_1694 : vector<8x64xi1>, vector<8x64xi32>
      %select_n3A_1769 = arith.select %lt3A_1766, %select_n3A_1693, %select_n3A_1764 : vector<8x64xi1>, vector<8x64xf32>
      %select_n3A_1770 = arith.select %lt3A_1766, %select_n3A_1694, %select_n3A_1765 : vector<8x64xi1>, vector<8x64xi32>
      %lt3A_1771 = arith.cmpf olt, %select_n3A_1769, %select_n3A_1698 : vector<8x64xf32>
      %select_n3A_1772 = arith.select %lt3A_1771, %select_n3A_1769, %select_n3A_1698 : vector<8x64xi1>, vector<8x64xf32>
      %select_n3A_1773 = arith.select %lt3A_1771, %select_n3A_1770, %select_n3A_1699 : vector<8x64xi1>, vector<8x64xi32>
      %select_n3A_1774 = arith.select %lt3A_1771, %select_n3A_1698, %select_n3A_1769 : vector<8x64xi1>, vector<8x64xf32>
      %select_n3A_1775 = arith.select %lt3A_1771, %select_n3A_1699, %select_n3A_1770 : vector<8x64xi1>, vector<8x64xi32>
      %lt3A_1776 = arith.cmpf olt, %select_n3A_1774, %select_n3A_1703 : vector<8x64xf32>
      %select_n3A_1777 = arith.select %lt3A_1776, %select_n3A_1774, %select_n3A_1703 : vector<8x64xi1>, vector<8x64xf32>
      %select_n3A_1778 = arith.select %lt3A_1776, %select_n3A_1775, %select_n3A_1704 : vector<8x64xi1>, vector<8x64xi32>
      %select_n3A_1779 = arith.select %lt3A_1776, %select_n3A_1703, %select_n3A_1774 : vector<8x64xi1>, vector<8x64xf32>
      %select_n3A_1780 = arith.select %lt3A_1776, %select_n3A_1704, %select_n3A_1775 : vector<8x64xi1>, vector<8x64xi32>
      %lt3A_1781 = arith.cmpf olt, %select_n3A_1779, %select_n3A_1708 : vector<8x64xf32>
      %select_n3A_1782 = arith.select %lt3A_1781, %select_n3A_1779, %select_n3A_1708 : vector<8x64xi1>, vector<8x64xf32>
      %select_n3A_1783 = arith.select %lt3A_1781, %select_n3A_1780, %select_n3A_1709 : vector<8x64xi1>, vector<8x64xi32>
      %select_n3A_1784 = arith.select %lt3A_1781, %select_n3A_1708, %select_n3A_1779 : vector<8x64xi1>, vector<8x64xf32>
      %select_n3A_1785 = arith.select %lt3A_1781, %select_n3A_1709, %select_n3A_1780 : vector<8x64xi1>, vector<8x64xi32>
      %lt3A_1786 = arith.cmpf olt, %select_n3A_1784, %select_n3A_1713 : vector<8x64xf32>
      %select_n3A_1787 = arith.select %lt3A_1786, %select_n3A_1784, %select_n3A_1713 : vector<8x64xi1>, vector<8x64xf32>
      %select_n3A_1788 = arith.select %lt3A_1786, %select_n3A_1785, %select_n3A_1714 : vector<8x64xi1>, vector<8x64xi32>
      %select_n3A_1789 = arith.select %lt3A_1786, %select_n3A_1713, %select_n3A_1784 : vector<8x64xi1>, vector<8x64xf32>
      %select_n3A_1790 = arith.select %lt3A_1786, %select_n3A_1714, %select_n3A_1785 : vector<8x64xi1>, vector<8x64xi32>
      %lt3A_1791 = arith.cmpf olt, %select_n3A_1789, %select_n3A_1718 : vector<8x64xf32>
      %select_n3A_1792 = arith.select %lt3A_1791, %select_n3A_1789, %select_n3A_1718 : vector<8x64xi1>, vector<8x64xf32>
      %select_n3A_1793 = arith.select %lt3A_1791, %select_n3A_1790, %select_n3A_1719 : vector<8x64xi1>, vector<8x64xi32>
      %select_n3A_1794 = arith.select %lt3A_1791, %select_n3A_1718, %select_n3A_1789 : vector<8x64xi1>, vector<8x64xf32>
      %select_n3A_1795 = arith.select %lt3A_1791, %select_n3A_1719, %select_n3A_1790 : vector<8x64xi1>, vector<8x64xi32>
      %lt3A_1796 = arith.cmpf olt, %select_n3A_1794, %select_n3A_1723 : vector<8x64xf32>
      %select_n3A_1797 = arith.select %lt3A_1796, %select_n3A_1794, %select_n3A_1723 : vector<8x64xi1>, vector<8x64xf32>
      %select_n3A_1798 = arith.select %lt3A_1796, %select_n3A_1795, %select_n3A_1724 : vector<8x64xi1>, vector<8x64xi32>
      %select_n3A_1799 = arith.select %lt3A_1796, %select_n3A_1723, %select_n3A_1794 : vector<8x64xi1>, vector<8x64xf32>
      %select_n3A_1800 = arith.select %lt3A_1796, %select_n3A_1724, %select_n3A_1795 : vector<8x64xi1>, vector<8x64xi32>
      %lt3A_1801 = arith.cmpf olt, %select_n3A_1799, %select_n3A_1728 : vector<8x64xf32>
      %select_n3A_1802 = arith.select %lt3A_1801, %select_n3A_1799, %select_n3A_1728 : vector<8x64xi1>, vector<8x64xf32>
      %select_n3A_1803 = arith.select %lt3A_1801, %select_n3A_1800, %select_n3A_1729 : vector<8x64xi1>, vector<8x64xi32>
      %select_n3A_1804 = arith.select %lt3A_1801, %select_n3A_1728, %select_n3A_1799 : vector<8x64xi1>, vector<8x64xf32>
      %select_n3A_1805 = arith.select %lt3A_1801, %select_n3A_1729, %select_n3A_1800 : vector<8x64xi1>, vector<8x64xi32>
      %lt3A_1806 = arith.cmpf olt, %select_n3A_1804, %select_n3A_1733 : vector<8x64xf32>
      %select_n3A_1807 = arith.select %lt3A_1806, %select_n3A_1804, %select_n3A_1733 : vector<8x64xi1>, vector<8x64xf32>
      %select_n3A_1808 = arith.select %lt3A_1806, %select_n3A_1805, %select_n3A_1734 : vector<8x64xi1>, vector<8x64xi32>
      %select_n3A_1809 = arith.select %lt3A_1806, %select_n3A_1733, %select_n3A_1804 : vector<8x64xi1>, vector<8x64xf32>
      %select_n3A_1810 = arith.select %lt3A_1806, %select_n3A_1734, %select_n3A_1805 : vector<8x64xi1>, vector<8x64xi32>
      %lt3A_1811 = arith.cmpf olt, %select_n3A_1809, %select_n3A_1738 : vector<8x64xf32>
      %select_n3A_1812 = arith.select %lt3A_1811, %select_n3A_1809, %select_n3A_1738 : vector<8x64xi1>, vector<8x64xf32>
      %select_n3A_1813 = arith.select %lt3A_1811, %select_n3A_1810, %select_n3A_1739 : vector<8x64xi1>, vector<8x64xi32>
      %select_n3A_1814 = arith.select %lt3A_1811, %select_n3A_1738, %select_n3A_1809 : vector<8x64xi1>, vector<8x64xf32>
      %select_n3A_1815 = arith.select %lt3A_1811, %select_n3A_1739, %select_n3A_1810 : vector<8x64xi1>, vector<8x64xi32>
      %lt3A_1816 = arith.cmpf olt, %select_n3A_1814, %select_n3A_1743 : vector<8x64xf32>
      %select_n3A_1817 = arith.select %lt3A_1816, %select_n3A_1814, %select_n3A_1743 : vector<8x64xi1>, vector<8x64xf32>
      %select_n3A_1818 = arith.select %lt3A_1816, %select_n3A_1815, %select_n3A_1744 : vector<8x64xi1>, vector<8x64xi32>
      %select_n3A_1819 = arith.select %lt3A_1816, %select_n3A_1743, %select_n3A_1814 : vector<8x64xi1>, vector<8x64xf32>
      %select_n3A_1820 = arith.select %lt3A_1816, %select_n3A_1744, %select_n3A_1815 : vector<8x64xi1>, vector<8x64xi32>
      %lt3A_1821 = arith.cmpf olt, %select_n3A_1819, %select_n3A_1748 : vector<8x64xf32>
      %select_n3A_1822 = arith.select %lt3A_1821, %select_n3A_1819, %select_n3A_1748 : vector<8x64xi1>, vector<8x64xf32>
      %select_n3A_1823 = arith.select %lt3A_1821, %select_n3A_1820, %select_n3A_1749 : vector<8x64xi1>, vector<8x64xi32>
      %slice3A_1824 = vector.extract_strided_slice %get3A_197 {offsets = [0, 0, 22], sizes = [8, 8, 64], strides = [1, 1, 1]} : vector<8x8x94xf32> to vector<8x8x64xf32>
      %sub3A_1825 = arith.subf %get3A_6, %slice3A_1824 : vector<8x8x64xf32>
      %mul3A_1826 = arith.mulf %sub3A_1825, %sub3A_1825 : vector<8x8x64xf32>
      %reduce_sum3A_1827 = arith.constant dense<0.000000e+00> : vector<8x64xf32>
      %reduce_sum3A_1828 = vector.multi_reduction <add>, %mul3A_1826, %reduce_sum3A_1827 [0] : vector<8x8x64xf32> to vector<8x64xf32>
      %mul3A_1829 = arith.constant 94 : i32
      %mul3A_1830 = arith.muli %scan3A_164, %mul3A_1829 : i32
      %add3A_1831 = arith.constant 22 : i32
      %add3A_1832 = arith.addi %mul3A_1830, %add3A_1831 : i32
      %add3A_1833 = vector.broadcast %add3A_1832 : i32 to vector<8x64xi32>
      %add3A_1834 = arith.addi %add3A_17, %add3A_1833 : vector<8x64xi32>
      %lt3A_1835 = arith.cmpf olt, %reduce_sum3A_1828, %select_n3A_1762 : vector<8x64xf32>
      %select_n3A_1836 = arith.select %lt3A_1835, %reduce_sum3A_1828, %select_n3A_1762 : vector<8x64xi1>, vector<8x64xf32>
      %select_n3A_1837 = arith.select %lt3A_1835, %add3A_1834, %select_n3A_1763 : vector<8x64xi1>, vector<8x64xi32>
      %select_n3A_1838 = arith.select %lt3A_1835, %select_n3A_1762, %reduce_sum3A_1828 : vector<8x64xi1>, vector<8x64xf32>
      %select_n3A_1839 = arith.select %lt3A_1835, %select_n3A_1763, %add3A_1834 : vector<8x64xi1>, vector<8x64xi32>
      %lt3A_1840 = arith.cmpf olt, %select_n3A_1838, %select_n3A_1767 : vector<8x64xf32>
      %select_n3A_1841 = arith.select %lt3A_1840, %select_n3A_1838, %select_n3A_1767 : vector<8x64xi1>, vector<8x64xf32>
      %select_n3A_1842 = arith.select %lt3A_1840, %select_n3A_1839, %select_n3A_1768 : vector<8x64xi1>, vector<8x64xi32>
      %select_n3A_1843 = arith.select %lt3A_1840, %select_n3A_1767, %select_n3A_1838 : vector<8x64xi1>, vector<8x64xf32>
      %select_n3A_1844 = arith.select %lt3A_1840, %select_n3A_1768, %select_n3A_1839 : vector<8x64xi1>, vector<8x64xi32>
      %lt3A_1845 = arith.cmpf olt, %select_n3A_1843, %select_n3A_1772 : vector<8x64xf32>
      %select_n3A_1846 = arith.select %lt3A_1845, %select_n3A_1843, %select_n3A_1772 : vector<8x64xi1>, vector<8x64xf32>
      %select_n3A_1847 = arith.select %lt3A_1845, %select_n3A_1844, %select_n3A_1773 : vector<8x64xi1>, vector<8x64xi32>
      %select_n3A_1848 = arith.select %lt3A_1845, %select_n3A_1772, %select_n3A_1843 : vector<8x64xi1>, vector<8x64xf32>
      %select_n3A_1849 = arith.select %lt3A_1845, %select_n3A_1773, %select_n3A_1844 : vector<8x64xi1>, vector<8x64xi32>
      %lt3A_1850 = arith.cmpf olt, %select_n3A_1848, %select_n3A_1777 : vector<8x64xf32>
      %select_n3A_1851 = arith.select %lt3A_1850, %select_n3A_1848, %select_n3A_1777 : vector<8x64xi1>, vector<8x64xf32>
      %select_n3A_1852 = arith.select %lt3A_1850, %select_n3A_1849, %select_n3A_1778 : vector<8x64xi1>, vector<8x64xi32>
      %select_n3A_1853 = arith.select %lt3A_1850, %select_n3A_1777, %select_n3A_1848 : vector<8x64xi1>, vector<8x64xf32>
      %select_n3A_1854 = arith.select %lt3A_1850, %select_n3A_1778, %select_n3A_1849 : vector<8x64xi1>, vector<8x64xi32>
      %lt3A_1855 = arith.cmpf olt, %select_n3A_1853, %select_n3A_1782 : vector<8x64xf32>
      %select_n3A_1856 = arith.select %lt3A_1855, %select_n3A_1853, %select_n3A_1782 : vector<8x64xi1>, vector<8x64xf32>
      %select_n3A_1857 = arith.select %lt3A_1855, %select_n3A_1854, %select_n3A_1783 : vector<8x64xi1>, vector<8x64xi32>
      %select_n3A_1858 = arith.select %lt3A_1855, %select_n3A_1782, %select_n3A_1853 : vector<8x64xi1>, vector<8x64xf32>
      %select_n3A_1859 = arith.select %lt3A_1855, %select_n3A_1783, %select_n3A_1854 : vector<8x64xi1>, vector<8x64xi32>
      %lt3A_1860 = arith.cmpf olt, %select_n3A_1858, %select_n3A_1787 : vector<8x64xf32>
      %select_n3A_1861 = arith.select %lt3A_1860, %select_n3A_1858, %select_n3A_1787 : vector<8x64xi1>, vector<8x64xf32>
      %select_n3A_1862 = arith.select %lt3A_1860, %select_n3A_1859, %select_n3A_1788 : vector<8x64xi1>, vector<8x64xi32>
      %select_n3A_1863 = arith.select %lt3A_1860, %select_n3A_1787, %select_n3A_1858 : vector<8x64xi1>, vector<8x64xf32>
      %select_n3A_1864 = arith.select %lt3A_1860, %select_n3A_1788, %select_n3A_1859 : vector<8x64xi1>, vector<8x64xi32>
      %lt3A_1865 = arith.cmpf olt, %select_n3A_1863, %select_n3A_1792 : vector<8x64xf32>
      %select_n3A_1866 = arith.select %lt3A_1865, %select_n3A_1863, %select_n3A_1792 : vector<8x64xi1>, vector<8x64xf32>
      %select_n3A_1867 = arith.select %lt3A_1865, %select_n3A_1864, %select_n3A_1793 : vector<8x64xi1>, vector<8x64xi32>
      %select_n3A_1868 = arith.select %lt3A_1865, %select_n3A_1792, %select_n3A_1863 : vector<8x64xi1>, vector<8x64xf32>
      %select_n3A_1869 = arith.select %lt3A_1865, %select_n3A_1793, %select_n3A_1864 : vector<8x64xi1>, vector<8x64xi32>
      %lt3A_1870 = arith.cmpf olt, %select_n3A_1868, %select_n3A_1797 : vector<8x64xf32>
      %select_n3A_1871 = arith.select %lt3A_1870, %select_n3A_1868, %select_n3A_1797 : vector<8x64xi1>, vector<8x64xf32>
      %select_n3A_1872 = arith.select %lt3A_1870, %select_n3A_1869, %select_n3A_1798 : vector<8x64xi1>, vector<8x64xi32>
      %select_n3A_1873 = arith.select %lt3A_1870, %select_n3A_1797, %select_n3A_1868 : vector<8x64xi1>, vector<8x64xf32>
      %select_n3A_1874 = arith.select %lt3A_1870, %select_n3A_1798, %select_n3A_1869 : vector<8x64xi1>, vector<8x64xi32>
      %lt3A_1875 = arith.cmpf olt, %select_n3A_1873, %select_n3A_1802 : vector<8x64xf32>
      %select_n3A_1876 = arith.select %lt3A_1875, %select_n3A_1873, %select_n3A_1802 : vector<8x64xi1>, vector<8x64xf32>
      %select_n3A_1877 = arith.select %lt3A_1875, %select_n3A_1874, %select_n3A_1803 : vector<8x64xi1>, vector<8x64xi32>
      %select_n3A_1878 = arith.select %lt3A_1875, %select_n3A_1802, %select_n3A_1873 : vector<8x64xi1>, vector<8x64xf32>
      %select_n3A_1879 = arith.select %lt3A_1875, %select_n3A_1803, %select_n3A_1874 : vector<8x64xi1>, vector<8x64xi32>
      %lt3A_1880 = arith.cmpf olt, %select_n3A_1878, %select_n3A_1807 : vector<8x64xf32>
      %select_n3A_1881 = arith.select %lt3A_1880, %select_n3A_1878, %select_n3A_1807 : vector<8x64xi1>, vector<8x64xf32>
      %select_n3A_1882 = arith.select %lt3A_1880, %select_n3A_1879, %select_n3A_1808 : vector<8x64xi1>, vector<8x64xi32>
      %select_n3A_1883 = arith.select %lt3A_1880, %select_n3A_1807, %select_n3A_1878 : vector<8x64xi1>, vector<8x64xf32>
      %select_n3A_1884 = arith.select %lt3A_1880, %select_n3A_1808, %select_n3A_1879 : vector<8x64xi1>, vector<8x64xi32>
      %lt3A_1885 = arith.cmpf olt, %select_n3A_1883, %select_n3A_1812 : vector<8x64xf32>
      %select_n3A_1886 = arith.select %lt3A_1885, %select_n3A_1883, %select_n3A_1812 : vector<8x64xi1>, vector<8x64xf32>
      %select_n3A_1887 = arith.select %lt3A_1885, %select_n3A_1884, %select_n3A_1813 : vector<8x64xi1>, vector<8x64xi32>
      %select_n3A_1888 = arith.select %lt3A_1885, %select_n3A_1812, %select_n3A_1883 : vector<8x64xi1>, vector<8x64xf32>
      %select_n3A_1889 = arith.select %lt3A_1885, %select_n3A_1813, %select_n3A_1884 : vector<8x64xi1>, vector<8x64xi32>
      %lt3A_1890 = arith.cmpf olt, %select_n3A_1888, %select_n3A_1817 : vector<8x64xf32>
      %select_n3A_1891 = arith.select %lt3A_1890, %select_n3A_1888, %select_n3A_1817 : vector<8x64xi1>, vector<8x64xf32>
      %select_n3A_1892 = arith.select %lt3A_1890, %select_n3A_1889, %select_n3A_1818 : vector<8x64xi1>, vector<8x64xi32>
      %select_n3A_1893 = arith.select %lt3A_1890, %select_n3A_1817, %select_n3A_1888 : vector<8x64xi1>, vector<8x64xf32>
      %select_n3A_1894 = arith.select %lt3A_1890, %select_n3A_1818, %select_n3A_1889 : vector<8x64xi1>, vector<8x64xi32>
      %lt3A_1895 = arith.cmpf olt, %select_n3A_1893, %select_n3A_1822 : vector<8x64xf32>
      %select_n3A_1896 = arith.select %lt3A_1895, %select_n3A_1893, %select_n3A_1822 : vector<8x64xi1>, vector<8x64xf32>
      %select_n3A_1897 = arith.select %lt3A_1895, %select_n3A_1894, %select_n3A_1823 : vector<8x64xi1>, vector<8x64xi32>
      %slice3A_1898 = vector.extract_strided_slice %get3A_197 {offsets = [0, 0, 23], sizes = [8, 8, 64], strides = [1, 1, 1]} : vector<8x8x94xf32> to vector<8x8x64xf32>
      %sub3A_1899 = arith.subf %get3A_6, %slice3A_1898 : vector<8x8x64xf32>
      %mul3A_1900 = arith.mulf %sub3A_1899, %sub3A_1899 : vector<8x8x64xf32>
      %reduce_sum3A_1901 = arith.constant dense<0.000000e+00> : vector<8x64xf32>
      %reduce_sum3A_1902 = vector.multi_reduction <add>, %mul3A_1900, %reduce_sum3A_1901 [0] : vector<8x8x64xf32> to vector<8x64xf32>
      %mul3A_1903 = arith.constant 94 : i32
      %mul3A_1904 = arith.muli %scan3A_164, %mul3A_1903 : i32
      %add3A_1905 = arith.constant 23 : i32
      %add3A_1906 = arith.addi %mul3A_1904, %add3A_1905 : i32
      %add3A_1907 = vector.broadcast %add3A_1906 : i32 to vector<8x64xi32>
      %add3A_1908 = arith.addi %add3A_17, %add3A_1907 : vector<8x64xi32>
      %lt3A_1909 = arith.cmpf olt, %reduce_sum3A_1902, %select_n3A_1836 : vector<8x64xf32>
      %select_n3A_1910 = arith.select %lt3A_1909, %reduce_sum3A_1902, %select_n3A_1836 : vector<8x64xi1>, vector<8x64xf32>
      %select_n3A_1911 = arith.select %lt3A_1909, %add3A_1908, %select_n3A_1837 : vector<8x64xi1>, vector<8x64xi32>
      %select_n3A_1912 = arith.select %lt3A_1909, %select_n3A_1836, %reduce_sum3A_1902 : vector<8x64xi1>, vector<8x64xf32>
      %select_n3A_1913 = arith.select %lt3A_1909, %select_n3A_1837, %add3A_1908 : vector<8x64xi1>, vector<8x64xi32>
      %lt3A_1914 = arith.cmpf olt, %select_n3A_1912, %select_n3A_1841 : vector<8x64xf32>
      %select_n3A_1915 = arith.select %lt3A_1914, %select_n3A_1912, %select_n3A_1841 : vector<8x64xi1>, vector<8x64xf32>
      %select_n3A_1916 = arith.select %lt3A_1914, %select_n3A_1913, %select_n3A_1842 : vector<8x64xi1>, vector<8x64xi32>
      %select_n3A_1917 = arith.select %lt3A_1914, %select_n3A_1841, %select_n3A_1912 : vector<8x64xi1>, vector<8x64xf32>
      %select_n3A_1918 = arith.select %lt3A_1914, %select_n3A_1842, %select_n3A_1913 : vector<8x64xi1>, vector<8x64xi32>
      %lt3A_1919 = arith.cmpf olt, %select_n3A_1917, %select_n3A_1846 : vector<8x64xf32>
      %select_n3A_1920 = arith.select %lt3A_1919, %select_n3A_1917, %select_n3A_1846 : vector<8x64xi1>, vector<8x64xf32>
      %select_n3A_1921 = arith.select %lt3A_1919, %select_n3A_1918, %select_n3A_1847 : vector<8x64xi1>, vector<8x64xi32>
      %select_n3A_1922 = arith.select %lt3A_1919, %select_n3A_1846, %select_n3A_1917 : vector<8x64xi1>, vector<8x64xf32>
      %select_n3A_1923 = arith.select %lt3A_1919, %select_n3A_1847, %select_n3A_1918 : vector<8x64xi1>, vector<8x64xi32>
      %lt3A_1924 = arith.cmpf olt, %select_n3A_1922, %select_n3A_1851 : vector<8x64xf32>
      %select_n3A_1925 = arith.select %lt3A_1924, %select_n3A_1922, %select_n3A_1851 : vector<8x64xi1>, vector<8x64xf32>
      %select_n3A_1926 = arith.select %lt3A_1924, %select_n3A_1923, %select_n3A_1852 : vector<8x64xi1>, vector<8x64xi32>
      %select_n3A_1927 = arith.select %lt3A_1924, %select_n3A_1851, %select_n3A_1922 : vector<8x64xi1>, vector<8x64xf32>
      %select_n3A_1928 = arith.select %lt3A_1924, %select_n3A_1852, %select_n3A_1923 : vector<8x64xi1>, vector<8x64xi32>
      %lt3A_1929 = arith.cmpf olt, %select_n3A_1927, %select_n3A_1856 : vector<8x64xf32>
      %select_n3A_1930 = arith.select %lt3A_1929, %select_n3A_1927, %select_n3A_1856 : vector<8x64xi1>, vector<8x64xf32>
      %select_n3A_1931 = arith.select %lt3A_1929, %select_n3A_1928, %select_n3A_1857 : vector<8x64xi1>, vector<8x64xi32>
      %select_n3A_1932 = arith.select %lt3A_1929, %select_n3A_1856, %select_n3A_1927 : vector<8x64xi1>, vector<8x64xf32>
      %select_n3A_1933 = arith.select %lt3A_1929, %select_n3A_1857, %select_n3A_1928 : vector<8x64xi1>, vector<8x64xi32>
      %lt3A_1934 = arith.cmpf olt, %select_n3A_1932, %select_n3A_1861 : vector<8x64xf32>
      %select_n3A_1935 = arith.select %lt3A_1934, %select_n3A_1932, %select_n3A_1861 : vector<8x64xi1>, vector<8x64xf32>
      %select_n3A_1936 = arith.select %lt3A_1934, %select_n3A_1933, %select_n3A_1862 : vector<8x64xi1>, vector<8x64xi32>
      %select_n3A_1937 = arith.select %lt3A_1934, %select_n3A_1861, %select_n3A_1932 : vector<8x64xi1>, vector<8x64xf32>
      %select_n3A_1938 = arith.select %lt3A_1934, %select_n3A_1862, %select_n3A_1933 : vector<8x64xi1>, vector<8x64xi32>
      %lt3A_1939 = arith.cmpf olt, %select_n3A_1937, %select_n3A_1866 : vector<8x64xf32>
      %select_n3A_1940 = arith.select %lt3A_1939, %select_n3A_1937, %select_n3A_1866 : vector<8x64xi1>, vector<8x64xf32>
      %select_n3A_1941 = arith.select %lt3A_1939, %select_n3A_1938, %select_n3A_1867 : vector<8x64xi1>, vector<8x64xi32>
      %select_n3A_1942 = arith.select %lt3A_1939, %select_n3A_1866, %select_n3A_1937 : vector<8x64xi1>, vector<8x64xf32>
      %select_n3A_1943 = arith.select %lt3A_1939, %select_n3A_1867, %select_n3A_1938 : vector<8x64xi1>, vector<8x64xi32>
      %lt3A_1944 = arith.cmpf olt, %select_n3A_1942, %select_n3A_1871 : vector<8x64xf32>
      %select_n3A_1945 = arith.select %lt3A_1944, %select_n3A_1942, %select_n3A_1871 : vector<8x64xi1>, vector<8x64xf32>
      %select_n3A_1946 = arith.select %lt3A_1944, %select_n3A_1943, %select_n3A_1872 : vector<8x64xi1>, vector<8x64xi32>
      %select_n3A_1947 = arith.select %lt3A_1944, %select_n3A_1871, %select_n3A_1942 : vector<8x64xi1>, vector<8x64xf32>
      %select_n3A_1948 = arith.select %lt3A_1944, %select_n3A_1872, %select_n3A_1943 : vector<8x64xi1>, vector<8x64xi32>
      %lt3A_1949 = arith.cmpf olt, %select_n3A_1947, %select_n3A_1876 : vector<8x64xf32>
      %select_n3A_1950 = arith.select %lt3A_1949, %select_n3A_1947, %select_n3A_1876 : vector<8x64xi1>, vector<8x64xf32>
      %select_n3A_1951 = arith.select %lt3A_1949, %select_n3A_1948, %select_n3A_1877 : vector<8x64xi1>, vector<8x64xi32>
      %select_n3A_1952 = arith.select %lt3A_1949, %select_n3A_1876, %select_n3A_1947 : vector<8x64xi1>, vector<8x64xf32>
      %select_n3A_1953 = arith.select %lt3A_1949, %select_n3A_1877, %select_n3A_1948 : vector<8x64xi1>, vector<8x64xi32>
      %lt3A_1954 = arith.cmpf olt, %select_n3A_1952, %select_n3A_1881 : vector<8x64xf32>
      %select_n3A_1955 = arith.select %lt3A_1954, %select_n3A_1952, %select_n3A_1881 : vector<8x64xi1>, vector<8x64xf32>
      %select_n3A_1956 = arith.select %lt3A_1954, %select_n3A_1953, %select_n3A_1882 : vector<8x64xi1>, vector<8x64xi32>
      %select_n3A_1957 = arith.select %lt3A_1954, %select_n3A_1881, %select_n3A_1952 : vector<8x64xi1>, vector<8x64xf32>
      %select_n3A_1958 = arith.select %lt3A_1954, %select_n3A_1882, %select_n3A_1953 : vector<8x64xi1>, vector<8x64xi32>
      %lt3A_1959 = arith.cmpf olt, %select_n3A_1957, %select_n3A_1886 : vector<8x64xf32>
      %select_n3A_1960 = arith.select %lt3A_1959, %select_n3A_1957, %select_n3A_1886 : vector<8x64xi1>, vector<8x64xf32>
      %select_n3A_1961 = arith.select %lt3A_1959, %select_n3A_1958, %select_n3A_1887 : vector<8x64xi1>, vector<8x64xi32>
      %select_n3A_1962 = arith.select %lt3A_1959, %select_n3A_1886, %select_n3A_1957 : vector<8x64xi1>, vector<8x64xf32>
      %select_n3A_1963 = arith.select %lt3A_1959, %select_n3A_1887, %select_n3A_1958 : vector<8x64xi1>, vector<8x64xi32>
      %lt3A_1964 = arith.cmpf olt, %select_n3A_1962, %select_n3A_1891 : vector<8x64xf32>
      %select_n3A_1965 = arith.select %lt3A_1964, %select_n3A_1962, %select_n3A_1891 : vector<8x64xi1>, vector<8x64xf32>
      %select_n3A_1966 = arith.select %lt3A_1964, %select_n3A_1963, %select_n3A_1892 : vector<8x64xi1>, vector<8x64xi32>
      %select_n3A_1967 = arith.select %lt3A_1964, %select_n3A_1891, %select_n3A_1962 : vector<8x64xi1>, vector<8x64xf32>
      %select_n3A_1968 = arith.select %lt3A_1964, %select_n3A_1892, %select_n3A_1963 : vector<8x64xi1>, vector<8x64xi32>
      %lt3A_1969 = arith.cmpf olt, %select_n3A_1967, %select_n3A_1896 : vector<8x64xf32>
      %select_n3A_1970 = arith.select %lt3A_1969, %select_n3A_1967, %select_n3A_1896 : vector<8x64xi1>, vector<8x64xf32>
      %select_n3A_1971 = arith.select %lt3A_1969, %select_n3A_1968, %select_n3A_1897 : vector<8x64xi1>, vector<8x64xi32>
      %slice3A_1972 = vector.extract_strided_slice %get3A_197 {offsets = [0, 0, 24], sizes = [8, 8, 64], strides = [1, 1, 1]} : vector<8x8x94xf32> to vector<8x8x64xf32>
      %sub3A_1973 = arith.subf %get3A_6, %slice3A_1972 : vector<8x8x64xf32>
      %mul3A_1974 = arith.mulf %sub3A_1973, %sub3A_1973 : vector<8x8x64xf32>
      %reduce_sum3A_1975 = arith.constant dense<0.000000e+00> : vector<8x64xf32>
      %reduce_sum3A_1976 = vector.multi_reduction <add>, %mul3A_1974, %reduce_sum3A_1975 [0] : vector<8x8x64xf32> to vector<8x64xf32>
      %mul3A_1977 = arith.constant 94 : i32
      %mul3A_1978 = arith.muli %scan3A_164, %mul3A_1977 : i32
      %add3A_1979 = arith.constant 24 : i32
      %add3A_1980 = arith.addi %mul3A_1978, %add3A_1979 : i32
      %add3A_1981 = vector.broadcast %add3A_1980 : i32 to vector<8x64xi32>
      %add3A_1982 = arith.addi %add3A_17, %add3A_1981 : vector<8x64xi32>
      %lt3A_1983 = arith.cmpf olt, %reduce_sum3A_1976, %select_n3A_1910 : vector<8x64xf32>
      %select_n3A_1984 = arith.select %lt3A_1983, %reduce_sum3A_1976, %select_n3A_1910 : vector<8x64xi1>, vector<8x64xf32>
      %select_n3A_1985 = arith.select %lt3A_1983, %add3A_1982, %select_n3A_1911 : vector<8x64xi1>, vector<8x64xi32>
      %select_n3A_1986 = arith.select %lt3A_1983, %select_n3A_1910, %reduce_sum3A_1976 : vector<8x64xi1>, vector<8x64xf32>
      %select_n3A_1987 = arith.select %lt3A_1983, %select_n3A_1911, %add3A_1982 : vector<8x64xi1>, vector<8x64xi32>
      %lt3A_1988 = arith.cmpf olt, %select_n3A_1986, %select_n3A_1915 : vector<8x64xf32>
      %select_n3A_1989 = arith.select %lt3A_1988, %select_n3A_1986, %select_n3A_1915 : vector<8x64xi1>, vector<8x64xf32>
      %select_n3A_1990 = arith.select %lt3A_1988, %select_n3A_1987, %select_n3A_1916 : vector<8x64xi1>, vector<8x64xi32>
      %select_n3A_1991 = arith.select %lt3A_1988, %select_n3A_1915, %select_n3A_1986 : vector<8x64xi1>, vector<8x64xf32>
      %select_n3A_1992 = arith.select %lt3A_1988, %select_n3A_1916, %select_n3A_1987 : vector<8x64xi1>, vector<8x64xi32>
      %lt3A_1993 = arith.cmpf olt, %select_n3A_1991, %select_n3A_1920 : vector<8x64xf32>
      %select_n3A_1994 = arith.select %lt3A_1993, %select_n3A_1991, %select_n3A_1920 : vector<8x64xi1>, vector<8x64xf32>
      %select_n3A_1995 = arith.select %lt3A_1993, %select_n3A_1992, %select_n3A_1921 : vector<8x64xi1>, vector<8x64xi32>
      %select_n3A_1996 = arith.select %lt3A_1993, %select_n3A_1920, %select_n3A_1991 : vector<8x64xi1>, vector<8x64xf32>
      %select_n3A_1997 = arith.select %lt3A_1993, %select_n3A_1921, %select_n3A_1992 : vector<8x64xi1>, vector<8x64xi32>
      %lt3A_1998 = arith.cmpf olt, %select_n3A_1996, %select_n3A_1925 : vector<8x64xf32>
      %select_n3A_1999 = arith.select %lt3A_1998, %select_n3A_1996, %select_n3A_1925 : vector<8x64xi1>, vector<8x64xf32>
      %select_n3A_2000 = arith.select %lt3A_1998, %select_n3A_1997, %select_n3A_1926 : vector<8x64xi1>, vector<8x64xi32>
      %select_n3A_2001 = arith.select %lt3A_1998, %select_n3A_1925, %select_n3A_1996 : vector<8x64xi1>, vector<8x64xf32>
      %select_n3A_2002 = arith.select %lt3A_1998, %select_n3A_1926, %select_n3A_1997 : vector<8x64xi1>, vector<8x64xi32>
      %lt3A_2003 = arith.cmpf olt, %select_n3A_2001, %select_n3A_1930 : vector<8x64xf32>
      %select_n3A_2004 = arith.select %lt3A_2003, %select_n3A_2001, %select_n3A_1930 : vector<8x64xi1>, vector<8x64xf32>
      %select_n3A_2005 = arith.select %lt3A_2003, %select_n3A_2002, %select_n3A_1931 : vector<8x64xi1>, vector<8x64xi32>
      %select_n3A_2006 = arith.select %lt3A_2003, %select_n3A_1930, %select_n3A_2001 : vector<8x64xi1>, vector<8x64xf32>
      %select_n3A_2007 = arith.select %lt3A_2003, %select_n3A_1931, %select_n3A_2002 : vector<8x64xi1>, vector<8x64xi32>
      %lt3A_2008 = arith.cmpf olt, %select_n3A_2006, %select_n3A_1935 : vector<8x64xf32>
      %select_n3A_2009 = arith.select %lt3A_2008, %select_n3A_2006, %select_n3A_1935 : vector<8x64xi1>, vector<8x64xf32>
      %select_n3A_2010 = arith.select %lt3A_2008, %select_n3A_2007, %select_n3A_1936 : vector<8x64xi1>, vector<8x64xi32>
      %select_n3A_2011 = arith.select %lt3A_2008, %select_n3A_1935, %select_n3A_2006 : vector<8x64xi1>, vector<8x64xf32>
      %select_n3A_2012 = arith.select %lt3A_2008, %select_n3A_1936, %select_n3A_2007 : vector<8x64xi1>, vector<8x64xi32>
      %lt3A_2013 = arith.cmpf olt, %select_n3A_2011, %select_n3A_1940 : vector<8x64xf32>
      %select_n3A_2014 = arith.select %lt3A_2013, %select_n3A_2011, %select_n3A_1940 : vector<8x64xi1>, vector<8x64xf32>
      %select_n3A_2015 = arith.select %lt3A_2013, %select_n3A_2012, %select_n3A_1941 : vector<8x64xi1>, vector<8x64xi32>
      %select_n3A_2016 = arith.select %lt3A_2013, %select_n3A_1940, %select_n3A_2011 : vector<8x64xi1>, vector<8x64xf32>
      %select_n3A_2017 = arith.select %lt3A_2013, %select_n3A_1941, %select_n3A_2012 : vector<8x64xi1>, vector<8x64xi32>
      %lt3A_2018 = arith.cmpf olt, %select_n3A_2016, %select_n3A_1945 : vector<8x64xf32>
      %select_n3A_2019 = arith.select %lt3A_2018, %select_n3A_2016, %select_n3A_1945 : vector<8x64xi1>, vector<8x64xf32>
      %select_n3A_2020 = arith.select %lt3A_2018, %select_n3A_2017, %select_n3A_1946 : vector<8x64xi1>, vector<8x64xi32>
      %select_n3A_2021 = arith.select %lt3A_2018, %select_n3A_1945, %select_n3A_2016 : vector<8x64xi1>, vector<8x64xf32>
      %select_n3A_2022 = arith.select %lt3A_2018, %select_n3A_1946, %select_n3A_2017 : vector<8x64xi1>, vector<8x64xi32>
      %lt3A_2023 = arith.cmpf olt, %select_n3A_2021, %select_n3A_1950 : vector<8x64xf32>
      %select_n3A_2024 = arith.select %lt3A_2023, %select_n3A_2021, %select_n3A_1950 : vector<8x64xi1>, vector<8x64xf32>
      %select_n3A_2025 = arith.select %lt3A_2023, %select_n3A_2022, %select_n3A_1951 : vector<8x64xi1>, vector<8x64xi32>
      %select_n3A_2026 = arith.select %lt3A_2023, %select_n3A_1950, %select_n3A_2021 : vector<8x64xi1>, vector<8x64xf32>
      %select_n3A_2027 = arith.select %lt3A_2023, %select_n3A_1951, %select_n3A_2022 : vector<8x64xi1>, vector<8x64xi32>
      %lt3A_2028 = arith.cmpf olt, %select_n3A_2026, %select_n3A_1955 : vector<8x64xf32>
      %select_n3A_2029 = arith.select %lt3A_2028, %select_n3A_2026, %select_n3A_1955 : vector<8x64xi1>, vector<8x64xf32>
      %select_n3A_2030 = arith.select %lt3A_2028, %select_n3A_2027, %select_n3A_1956 : vector<8x64xi1>, vector<8x64xi32>
      %select_n3A_2031 = arith.select %lt3A_2028, %select_n3A_1955, %select_n3A_2026 : vector<8x64xi1>, vector<8x64xf32>
      %select_n3A_2032 = arith.select %lt3A_2028, %select_n3A_1956, %select_n3A_2027 : vector<8x64xi1>, vector<8x64xi32>
      %lt3A_2033 = arith.cmpf olt, %select_n3A_2031, %select_n3A_1960 : vector<8x64xf32>
      %select_n3A_2034 = arith.select %lt3A_2033, %select_n3A_2031, %select_n3A_1960 : vector<8x64xi1>, vector<8x64xf32>
      %select_n3A_2035 = arith.select %lt3A_2033, %select_n3A_2032, %select_n3A_1961 : vector<8x64xi1>, vector<8x64xi32>
      %select_n3A_2036 = arith.select %lt3A_2033, %select_n3A_1960, %select_n3A_2031 : vector<8x64xi1>, vector<8x64xf32>
      %select_n3A_2037 = arith.select %lt3A_2033, %select_n3A_1961, %select_n3A_2032 : vector<8x64xi1>, vector<8x64xi32>
      %lt3A_2038 = arith.cmpf olt, %select_n3A_2036, %select_n3A_1965 : vector<8x64xf32>
      %select_n3A_2039 = arith.select %lt3A_2038, %select_n3A_2036, %select_n3A_1965 : vector<8x64xi1>, vector<8x64xf32>
      %select_n3A_2040 = arith.select %lt3A_2038, %select_n3A_2037, %select_n3A_1966 : vector<8x64xi1>, vector<8x64xi32>
      %select_n3A_2041 = arith.select %lt3A_2038, %select_n3A_1965, %select_n3A_2036 : vector<8x64xi1>, vector<8x64xf32>
      %select_n3A_2042 = arith.select %lt3A_2038, %select_n3A_1966, %select_n3A_2037 : vector<8x64xi1>, vector<8x64xi32>
      %lt3A_2043 = arith.cmpf olt, %select_n3A_2041, %select_n3A_1970 : vector<8x64xf32>
      %select_n3A_2044 = arith.select %lt3A_2043, %select_n3A_2041, %select_n3A_1970 : vector<8x64xi1>, vector<8x64xf32>
      %select_n3A_2045 = arith.select %lt3A_2043, %select_n3A_2042, %select_n3A_1971 : vector<8x64xi1>, vector<8x64xi32>
      %slice3A_2046 = vector.extract_strided_slice %get3A_197 {offsets = [0, 0, 25], sizes = [8, 8, 64], strides = [1, 1, 1]} : vector<8x8x94xf32> to vector<8x8x64xf32>
      %sub3A_2047 = arith.subf %get3A_6, %slice3A_2046 : vector<8x8x64xf32>
      %mul3A_2048 = arith.mulf %sub3A_2047, %sub3A_2047 : vector<8x8x64xf32>
      %reduce_sum3A_2049 = arith.constant dense<0.000000e+00> : vector<8x64xf32>
      %reduce_sum3A_2050 = vector.multi_reduction <add>, %mul3A_2048, %reduce_sum3A_2049 [0] : vector<8x8x64xf32> to vector<8x64xf32>
      %mul3A_2051 = arith.constant 94 : i32
      %mul3A_2052 = arith.muli %scan3A_164, %mul3A_2051 : i32
      %add3A_2053 = arith.constant 25 : i32
      %add3A_2054 = arith.addi %mul3A_2052, %add3A_2053 : i32
      %add3A_2055 = vector.broadcast %add3A_2054 : i32 to vector<8x64xi32>
      %add3A_2056 = arith.addi %add3A_17, %add3A_2055 : vector<8x64xi32>
      %lt3A_2057 = arith.cmpf olt, %reduce_sum3A_2050, %select_n3A_1984 : vector<8x64xf32>
      %select_n3A_2058 = arith.select %lt3A_2057, %reduce_sum3A_2050, %select_n3A_1984 : vector<8x64xi1>, vector<8x64xf32>
      %select_n3A_2059 = arith.select %lt3A_2057, %add3A_2056, %select_n3A_1985 : vector<8x64xi1>, vector<8x64xi32>
      %select_n3A_2060 = arith.select %lt3A_2057, %select_n3A_1984, %reduce_sum3A_2050 : vector<8x64xi1>, vector<8x64xf32>
      %select_n3A_2061 = arith.select %lt3A_2057, %select_n3A_1985, %add3A_2056 : vector<8x64xi1>, vector<8x64xi32>
      %lt3A_2062 = arith.cmpf olt, %select_n3A_2060, %select_n3A_1989 : vector<8x64xf32>
      %select_n3A_2063 = arith.select %lt3A_2062, %select_n3A_2060, %select_n3A_1989 : vector<8x64xi1>, vector<8x64xf32>
      %select_n3A_2064 = arith.select %lt3A_2062, %select_n3A_2061, %select_n3A_1990 : vector<8x64xi1>, vector<8x64xi32>
      %select_n3A_2065 = arith.select %lt3A_2062, %select_n3A_1989, %select_n3A_2060 : vector<8x64xi1>, vector<8x64xf32>
      %select_n3A_2066 = arith.select %lt3A_2062, %select_n3A_1990, %select_n3A_2061 : vector<8x64xi1>, vector<8x64xi32>
      %lt3A_2067 = arith.cmpf olt, %select_n3A_2065, %select_n3A_1994 : vector<8x64xf32>
      %select_n3A_2068 = arith.select %lt3A_2067, %select_n3A_2065, %select_n3A_1994 : vector<8x64xi1>, vector<8x64xf32>
      %select_n3A_2069 = arith.select %lt3A_2067, %select_n3A_2066, %select_n3A_1995 : vector<8x64xi1>, vector<8x64xi32>
      %select_n3A_2070 = arith.select %lt3A_2067, %select_n3A_1994, %select_n3A_2065 : vector<8x64xi1>, vector<8x64xf32>
      %select_n3A_2071 = arith.select %lt3A_2067, %select_n3A_1995, %select_n3A_2066 : vector<8x64xi1>, vector<8x64xi32>
      %lt3A_2072 = arith.cmpf olt, %select_n3A_2070, %select_n3A_1999 : vector<8x64xf32>
      %select_n3A_2073 = arith.select %lt3A_2072, %select_n3A_2070, %select_n3A_1999 : vector<8x64xi1>, vector<8x64xf32>
      %select_n3A_2074 = arith.select %lt3A_2072, %select_n3A_2071, %select_n3A_2000 : vector<8x64xi1>, vector<8x64xi32>
      %select_n3A_2075 = arith.select %lt3A_2072, %select_n3A_1999, %select_n3A_2070 : vector<8x64xi1>, vector<8x64xf32>
      %select_n3A_2076 = arith.select %lt3A_2072, %select_n3A_2000, %select_n3A_2071 : vector<8x64xi1>, vector<8x64xi32>
      %lt3A_2077 = arith.cmpf olt, %select_n3A_2075, %select_n3A_2004 : vector<8x64xf32>
      %select_n3A_2078 = arith.select %lt3A_2077, %select_n3A_2075, %select_n3A_2004 : vector<8x64xi1>, vector<8x64xf32>
      %select_n3A_2079 = arith.select %lt3A_2077, %select_n3A_2076, %select_n3A_2005 : vector<8x64xi1>, vector<8x64xi32>
      %select_n3A_2080 = arith.select %lt3A_2077, %select_n3A_2004, %select_n3A_2075 : vector<8x64xi1>, vector<8x64xf32>
      %select_n3A_2081 = arith.select %lt3A_2077, %select_n3A_2005, %select_n3A_2076 : vector<8x64xi1>, vector<8x64xi32>
      %lt3A_2082 = arith.cmpf olt, %select_n3A_2080, %select_n3A_2009 : vector<8x64xf32>
      %select_n3A_2083 = arith.select %lt3A_2082, %select_n3A_2080, %select_n3A_2009 : vector<8x64xi1>, vector<8x64xf32>
      %select_n3A_2084 = arith.select %lt3A_2082, %select_n3A_2081, %select_n3A_2010 : vector<8x64xi1>, vector<8x64xi32>
      %select_n3A_2085 = arith.select %lt3A_2082, %select_n3A_2009, %select_n3A_2080 : vector<8x64xi1>, vector<8x64xf32>
      %select_n3A_2086 = arith.select %lt3A_2082, %select_n3A_2010, %select_n3A_2081 : vector<8x64xi1>, vector<8x64xi32>
      %lt3A_2087 = arith.cmpf olt, %select_n3A_2085, %select_n3A_2014 : vector<8x64xf32>
      %select_n3A_2088 = arith.select %lt3A_2087, %select_n3A_2085, %select_n3A_2014 : vector<8x64xi1>, vector<8x64xf32>
      %select_n3A_2089 = arith.select %lt3A_2087, %select_n3A_2086, %select_n3A_2015 : vector<8x64xi1>, vector<8x64xi32>
      %select_n3A_2090 = arith.select %lt3A_2087, %select_n3A_2014, %select_n3A_2085 : vector<8x64xi1>, vector<8x64xf32>
      %select_n3A_2091 = arith.select %lt3A_2087, %select_n3A_2015, %select_n3A_2086 : vector<8x64xi1>, vector<8x64xi32>
      %lt3A_2092 = arith.cmpf olt, %select_n3A_2090, %select_n3A_2019 : vector<8x64xf32>
      %select_n3A_2093 = arith.select %lt3A_2092, %select_n3A_2090, %select_n3A_2019 : vector<8x64xi1>, vector<8x64xf32>
      %select_n3A_2094 = arith.select %lt3A_2092, %select_n3A_2091, %select_n3A_2020 : vector<8x64xi1>, vector<8x64xi32>
      %select_n3A_2095 = arith.select %lt3A_2092, %select_n3A_2019, %select_n3A_2090 : vector<8x64xi1>, vector<8x64xf32>
      %select_n3A_2096 = arith.select %lt3A_2092, %select_n3A_2020, %select_n3A_2091 : vector<8x64xi1>, vector<8x64xi32>
      %lt3A_2097 = arith.cmpf olt, %select_n3A_2095, %select_n3A_2024 : vector<8x64xf32>
      %select_n3A_2098 = arith.select %lt3A_2097, %select_n3A_2095, %select_n3A_2024 : vector<8x64xi1>, vector<8x64xf32>
      %select_n3A_2099 = arith.select %lt3A_2097, %select_n3A_2096, %select_n3A_2025 : vector<8x64xi1>, vector<8x64xi32>
      %select_n3A_2100 = arith.select %lt3A_2097, %select_n3A_2024, %select_n3A_2095 : vector<8x64xi1>, vector<8x64xf32>
      %select_n3A_2101 = arith.select %lt3A_2097, %select_n3A_2025, %select_n3A_2096 : vector<8x64xi1>, vector<8x64xi32>
      %lt3A_2102 = arith.cmpf olt, %select_n3A_2100, %select_n3A_2029 : vector<8x64xf32>
      %select_n3A_2103 = arith.select %lt3A_2102, %select_n3A_2100, %select_n3A_2029 : vector<8x64xi1>, vector<8x64xf32>
      %select_n3A_2104 = arith.select %lt3A_2102, %select_n3A_2101, %select_n3A_2030 : vector<8x64xi1>, vector<8x64xi32>
      %select_n3A_2105 = arith.select %lt3A_2102, %select_n3A_2029, %select_n3A_2100 : vector<8x64xi1>, vector<8x64xf32>
      %select_n3A_2106 = arith.select %lt3A_2102, %select_n3A_2030, %select_n3A_2101 : vector<8x64xi1>, vector<8x64xi32>
      %lt3A_2107 = arith.cmpf olt, %select_n3A_2105, %select_n3A_2034 : vector<8x64xf32>
      %select_n3A_2108 = arith.select %lt3A_2107, %select_n3A_2105, %select_n3A_2034 : vector<8x64xi1>, vector<8x64xf32>
      %select_n3A_2109 = arith.select %lt3A_2107, %select_n3A_2106, %select_n3A_2035 : vector<8x64xi1>, vector<8x64xi32>
      %select_n3A_2110 = arith.select %lt3A_2107, %select_n3A_2034, %select_n3A_2105 : vector<8x64xi1>, vector<8x64xf32>
      %select_n3A_2111 = arith.select %lt3A_2107, %select_n3A_2035, %select_n3A_2106 : vector<8x64xi1>, vector<8x64xi32>
      %lt3A_2112 = arith.cmpf olt, %select_n3A_2110, %select_n3A_2039 : vector<8x64xf32>
      %select_n3A_2113 = arith.select %lt3A_2112, %select_n3A_2110, %select_n3A_2039 : vector<8x64xi1>, vector<8x64xf32>
      %select_n3A_2114 = arith.select %lt3A_2112, %select_n3A_2111, %select_n3A_2040 : vector<8x64xi1>, vector<8x64xi32>
      %select_n3A_2115 = arith.select %lt3A_2112, %select_n3A_2039, %select_n3A_2110 : vector<8x64xi1>, vector<8x64xf32>
      %select_n3A_2116 = arith.select %lt3A_2112, %select_n3A_2040, %select_n3A_2111 : vector<8x64xi1>, vector<8x64xi32>
      %lt3A_2117 = arith.cmpf olt, %select_n3A_2115, %select_n3A_2044 : vector<8x64xf32>
      %select_n3A_2118 = arith.select %lt3A_2117, %select_n3A_2115, %select_n3A_2044 : vector<8x64xi1>, vector<8x64xf32>
      %select_n3A_2119 = arith.select %lt3A_2117, %select_n3A_2116, %select_n3A_2045 : vector<8x64xi1>, vector<8x64xi32>
      %slice3A_2120 = vector.extract_strided_slice %get3A_197 {offsets = [0, 0, 26], sizes = [8, 8, 64], strides = [1, 1, 1]} : vector<8x8x94xf32> to vector<8x8x64xf32>
      %sub3A_2121 = arith.subf %get3A_6, %slice3A_2120 : vector<8x8x64xf32>
      %mul3A_2122 = arith.mulf %sub3A_2121, %sub3A_2121 : vector<8x8x64xf32>
      %reduce_sum3A_2123 = arith.constant dense<0.000000e+00> : vector<8x64xf32>
      %reduce_sum3A_2124 = vector.multi_reduction <add>, %mul3A_2122, %reduce_sum3A_2123 [0] : vector<8x8x64xf32> to vector<8x64xf32>
      %mul3A_2125 = arith.constant 94 : i32
      %mul3A_2126 = arith.muli %scan3A_164, %mul3A_2125 : i32
      %add3A_2127 = arith.constant 26 : i32
      %add3A_2128 = arith.addi %mul3A_2126, %add3A_2127 : i32
      %add3A_2129 = vector.broadcast %add3A_2128 : i32 to vector<8x64xi32>
      %add3A_2130 = arith.addi %add3A_17, %add3A_2129 : vector<8x64xi32>
      %lt3A_2131 = arith.cmpf olt, %reduce_sum3A_2124, %select_n3A_2058 : vector<8x64xf32>
      %select_n3A_2132 = arith.select %lt3A_2131, %reduce_sum3A_2124, %select_n3A_2058 : vector<8x64xi1>, vector<8x64xf32>
      %select_n3A_2133 = arith.select %lt3A_2131, %add3A_2130, %select_n3A_2059 : vector<8x64xi1>, vector<8x64xi32>
      %select_n3A_2134 = arith.select %lt3A_2131, %select_n3A_2058, %reduce_sum3A_2124 : vector<8x64xi1>, vector<8x64xf32>
      %select_n3A_2135 = arith.select %lt3A_2131, %select_n3A_2059, %add3A_2130 : vector<8x64xi1>, vector<8x64xi32>
      %lt3A_2136 = arith.cmpf olt, %select_n3A_2134, %select_n3A_2063 : vector<8x64xf32>
      %select_n3A_2137 = arith.select %lt3A_2136, %select_n3A_2134, %select_n3A_2063 : vector<8x64xi1>, vector<8x64xf32>
      %select_n3A_2138 = arith.select %lt3A_2136, %select_n3A_2135, %select_n3A_2064 : vector<8x64xi1>, vector<8x64xi32>
      %select_n3A_2139 = arith.select %lt3A_2136, %select_n3A_2063, %select_n3A_2134 : vector<8x64xi1>, vector<8x64xf32>
      %select_n3A_2140 = arith.select %lt3A_2136, %select_n3A_2064, %select_n3A_2135 : vector<8x64xi1>, vector<8x64xi32>
      %lt3A_2141 = arith.cmpf olt, %select_n3A_2139, %select_n3A_2068 : vector<8x64xf32>
      %select_n3A_2142 = arith.select %lt3A_2141, %select_n3A_2139, %select_n3A_2068 : vector<8x64xi1>, vector<8x64xf32>
      %select_n3A_2143 = arith.select %lt3A_2141, %select_n3A_2140, %select_n3A_2069 : vector<8x64xi1>, vector<8x64xi32>
      %select_n3A_2144 = arith.select %lt3A_2141, %select_n3A_2068, %select_n3A_2139 : vector<8x64xi1>, vector<8x64xf32>
      %select_n3A_2145 = arith.select %lt3A_2141, %select_n3A_2069, %select_n3A_2140 : vector<8x64xi1>, vector<8x64xi32>
      %lt3A_2146 = arith.cmpf olt, %select_n3A_2144, %select_n3A_2073 : vector<8x64xf32>
      %select_n3A_2147 = arith.select %lt3A_2146, %select_n3A_2144, %select_n3A_2073 : vector<8x64xi1>, vector<8x64xf32>
      %select_n3A_2148 = arith.select %lt3A_2146, %select_n3A_2145, %select_n3A_2074 : vector<8x64xi1>, vector<8x64xi32>
      %select_n3A_2149 = arith.select %lt3A_2146, %select_n3A_2073, %select_n3A_2144 : vector<8x64xi1>, vector<8x64xf32>
      %select_n3A_2150 = arith.select %lt3A_2146, %select_n3A_2074, %select_n3A_2145 : vector<8x64xi1>, vector<8x64xi32>
      %lt3A_2151 = arith.cmpf olt, %select_n3A_2149, %select_n3A_2078 : vector<8x64xf32>
      %select_n3A_2152 = arith.select %lt3A_2151, %select_n3A_2149, %select_n3A_2078 : vector<8x64xi1>, vector<8x64xf32>
      %select_n3A_2153 = arith.select %lt3A_2151, %select_n3A_2150, %select_n3A_2079 : vector<8x64xi1>, vector<8x64xi32>
      %select_n3A_2154 = arith.select %lt3A_2151, %select_n3A_2078, %select_n3A_2149 : vector<8x64xi1>, vector<8x64xf32>
      %select_n3A_2155 = arith.select %lt3A_2151, %select_n3A_2079, %select_n3A_2150 : vector<8x64xi1>, vector<8x64xi32>
      %lt3A_2156 = arith.cmpf olt, %select_n3A_2154, %select_n3A_2083 : vector<8x64xf32>
      %select_n3A_2157 = arith.select %lt3A_2156, %select_n3A_2154, %select_n3A_2083 : vector<8x64xi1>, vector<8x64xf32>
      %select_n3A_2158 = arith.select %lt3A_2156, %select_n3A_2155, %select_n3A_2084 : vector<8x64xi1>, vector<8x64xi32>
      %select_n3A_2159 = arith.select %lt3A_2156, %select_n3A_2083, %select_n3A_2154 : vector<8x64xi1>, vector<8x64xf32>
      %select_n3A_2160 = arith.select %lt3A_2156, %select_n3A_2084, %select_n3A_2155 : vector<8x64xi1>, vector<8x64xi32>
      %lt3A_2161 = arith.cmpf olt, %select_n3A_2159, %select_n3A_2088 : vector<8x64xf32>
      %select_n3A_2162 = arith.select %lt3A_2161, %select_n3A_2159, %select_n3A_2088 : vector<8x64xi1>, vector<8x64xf32>
      %select_n3A_2163 = arith.select %lt3A_2161, %select_n3A_2160, %select_n3A_2089 : vector<8x64xi1>, vector<8x64xi32>
      %select_n3A_2164 = arith.select %lt3A_2161, %select_n3A_2088, %select_n3A_2159 : vector<8x64xi1>, vector<8x64xf32>
      %select_n3A_2165 = arith.select %lt3A_2161, %select_n3A_2089, %select_n3A_2160 : vector<8x64xi1>, vector<8x64xi32>
      %lt3A_2166 = arith.cmpf olt, %select_n3A_2164, %select_n3A_2093 : vector<8x64xf32>
      %select_n3A_2167 = arith.select %lt3A_2166, %select_n3A_2164, %select_n3A_2093 : vector<8x64xi1>, vector<8x64xf32>
      %select_n3A_2168 = arith.select %lt3A_2166, %select_n3A_2165, %select_n3A_2094 : vector<8x64xi1>, vector<8x64xi32>
      %select_n3A_2169 = arith.select %lt3A_2166, %select_n3A_2093, %select_n3A_2164 : vector<8x64xi1>, vector<8x64xf32>
      %select_n3A_2170 = arith.select %lt3A_2166, %select_n3A_2094, %select_n3A_2165 : vector<8x64xi1>, vector<8x64xi32>
      %lt3A_2171 = arith.cmpf olt, %select_n3A_2169, %select_n3A_2098 : vector<8x64xf32>
      %select_n3A_2172 = arith.select %lt3A_2171, %select_n3A_2169, %select_n3A_2098 : vector<8x64xi1>, vector<8x64xf32>
      %select_n3A_2173 = arith.select %lt3A_2171, %select_n3A_2170, %select_n3A_2099 : vector<8x64xi1>, vector<8x64xi32>
      %select_n3A_2174 = arith.select %lt3A_2171, %select_n3A_2098, %select_n3A_2169 : vector<8x64xi1>, vector<8x64xf32>
      %select_n3A_2175 = arith.select %lt3A_2171, %select_n3A_2099, %select_n3A_2170 : vector<8x64xi1>, vector<8x64xi32>
      %lt3A_2176 = arith.cmpf olt, %select_n3A_2174, %select_n3A_2103 : vector<8x64xf32>
      %select_n3A_2177 = arith.select %lt3A_2176, %select_n3A_2174, %select_n3A_2103 : vector<8x64xi1>, vector<8x64xf32>
      %select_n3A_2178 = arith.select %lt3A_2176, %select_n3A_2175, %select_n3A_2104 : vector<8x64xi1>, vector<8x64xi32>
      %select_n3A_2179 = arith.select %lt3A_2176, %select_n3A_2103, %select_n3A_2174 : vector<8x64xi1>, vector<8x64xf32>
      %select_n3A_2180 = arith.select %lt3A_2176, %select_n3A_2104, %select_n3A_2175 : vector<8x64xi1>, vector<8x64xi32>
      %lt3A_2181 = arith.cmpf olt, %select_n3A_2179, %select_n3A_2108 : vector<8x64xf32>
      %select_n3A_2182 = arith.select %lt3A_2181, %select_n3A_2179, %select_n3A_2108 : vector<8x64xi1>, vector<8x64xf32>
      %select_n3A_2183 = arith.select %lt3A_2181, %select_n3A_2180, %select_n3A_2109 : vector<8x64xi1>, vector<8x64xi32>
      %select_n3A_2184 = arith.select %lt3A_2181, %select_n3A_2108, %select_n3A_2179 : vector<8x64xi1>, vector<8x64xf32>
      %select_n3A_2185 = arith.select %lt3A_2181, %select_n3A_2109, %select_n3A_2180 : vector<8x64xi1>, vector<8x64xi32>
      %lt3A_2186 = arith.cmpf olt, %select_n3A_2184, %select_n3A_2113 : vector<8x64xf32>
      %select_n3A_2187 = arith.select %lt3A_2186, %select_n3A_2184, %select_n3A_2113 : vector<8x64xi1>, vector<8x64xf32>
      %select_n3A_2188 = arith.select %lt3A_2186, %select_n3A_2185, %select_n3A_2114 : vector<8x64xi1>, vector<8x64xi32>
      %select_n3A_2189 = arith.select %lt3A_2186, %select_n3A_2113, %select_n3A_2184 : vector<8x64xi1>, vector<8x64xf32>
      %select_n3A_2190 = arith.select %lt3A_2186, %select_n3A_2114, %select_n3A_2185 : vector<8x64xi1>, vector<8x64xi32>
      %lt3A_2191 = arith.cmpf olt, %select_n3A_2189, %select_n3A_2118 : vector<8x64xf32>
      %select_n3A_2192 = arith.select %lt3A_2191, %select_n3A_2189, %select_n3A_2118 : vector<8x64xi1>, vector<8x64xf32>
      %select_n3A_2193 = arith.select %lt3A_2191, %select_n3A_2190, %select_n3A_2119 : vector<8x64xi1>, vector<8x64xi32>
      %slice3A_2194 = vector.extract_strided_slice %get3A_197 {offsets = [0, 0, 27], sizes = [8, 8, 64], strides = [1, 1, 1]} : vector<8x8x94xf32> to vector<8x8x64xf32>
      %sub3A_2195 = arith.subf %get3A_6, %slice3A_2194 : vector<8x8x64xf32>
      %mul3A_2196 = arith.mulf %sub3A_2195, %sub3A_2195 : vector<8x8x64xf32>
      %reduce_sum3A_2197 = arith.constant dense<0.000000e+00> : vector<8x64xf32>
      %reduce_sum3A_2198 = vector.multi_reduction <add>, %mul3A_2196, %reduce_sum3A_2197 [0] : vector<8x8x64xf32> to vector<8x64xf32>
      %mul3A_2199 = arith.constant 94 : i32
      %mul3A_2200 = arith.muli %scan3A_164, %mul3A_2199 : i32
      %add3A_2201 = arith.constant 27 : i32
      %add3A_2202 = arith.addi %mul3A_2200, %add3A_2201 : i32
      %add3A_2203 = vector.broadcast %add3A_2202 : i32 to vector<8x64xi32>
      %add3A_2204 = arith.addi %add3A_17, %add3A_2203 : vector<8x64xi32>
      %lt3A_2205 = arith.cmpf olt, %reduce_sum3A_2198, %select_n3A_2132 : vector<8x64xf32>
      %select_n3A_2206 = arith.select %lt3A_2205, %reduce_sum3A_2198, %select_n3A_2132 : vector<8x64xi1>, vector<8x64xf32>
      %select_n3A_2207 = arith.select %lt3A_2205, %add3A_2204, %select_n3A_2133 : vector<8x64xi1>, vector<8x64xi32>
      %select_n3A_2208 = arith.select %lt3A_2205, %select_n3A_2132, %reduce_sum3A_2198 : vector<8x64xi1>, vector<8x64xf32>
      %select_n3A_2209 = arith.select %lt3A_2205, %select_n3A_2133, %add3A_2204 : vector<8x64xi1>, vector<8x64xi32>
      %lt3A_2210 = arith.cmpf olt, %select_n3A_2208, %select_n3A_2137 : vector<8x64xf32>
      %select_n3A_2211 = arith.select %lt3A_2210, %select_n3A_2208, %select_n3A_2137 : vector<8x64xi1>, vector<8x64xf32>
      %select_n3A_2212 = arith.select %lt3A_2210, %select_n3A_2209, %select_n3A_2138 : vector<8x64xi1>, vector<8x64xi32>
      %select_n3A_2213 = arith.select %lt3A_2210, %select_n3A_2137, %select_n3A_2208 : vector<8x64xi1>, vector<8x64xf32>
      %select_n3A_2214 = arith.select %lt3A_2210, %select_n3A_2138, %select_n3A_2209 : vector<8x64xi1>, vector<8x64xi32>
      %lt3A_2215 = arith.cmpf olt, %select_n3A_2213, %select_n3A_2142 : vector<8x64xf32>
      %select_n3A_2216 = arith.select %lt3A_2215, %select_n3A_2213, %select_n3A_2142 : vector<8x64xi1>, vector<8x64xf32>
      %select_n3A_2217 = arith.select %lt3A_2215, %select_n3A_2214, %select_n3A_2143 : vector<8x64xi1>, vector<8x64xi32>
      %select_n3A_2218 = arith.select %lt3A_2215, %select_n3A_2142, %select_n3A_2213 : vector<8x64xi1>, vector<8x64xf32>
      %select_n3A_2219 = arith.select %lt3A_2215, %select_n3A_2143, %select_n3A_2214 : vector<8x64xi1>, vector<8x64xi32>
      %lt3A_2220 = arith.cmpf olt, %select_n3A_2218, %select_n3A_2147 : vector<8x64xf32>
      %select_n3A_2221 = arith.select %lt3A_2220, %select_n3A_2218, %select_n3A_2147 : vector<8x64xi1>, vector<8x64xf32>
      %select_n3A_2222 = arith.select %lt3A_2220, %select_n3A_2219, %select_n3A_2148 : vector<8x64xi1>, vector<8x64xi32>
      %select_n3A_2223 = arith.select %lt3A_2220, %select_n3A_2147, %select_n3A_2218 : vector<8x64xi1>, vector<8x64xf32>
      %select_n3A_2224 = arith.select %lt3A_2220, %select_n3A_2148, %select_n3A_2219 : vector<8x64xi1>, vector<8x64xi32>
      %lt3A_2225 = arith.cmpf olt, %select_n3A_2223, %select_n3A_2152 : vector<8x64xf32>
      %select_n3A_2226 = arith.select %lt3A_2225, %select_n3A_2223, %select_n3A_2152 : vector<8x64xi1>, vector<8x64xf32>
      %select_n3A_2227 = arith.select %lt3A_2225, %select_n3A_2224, %select_n3A_2153 : vector<8x64xi1>, vector<8x64xi32>
      %select_n3A_2228 = arith.select %lt3A_2225, %select_n3A_2152, %select_n3A_2223 : vector<8x64xi1>, vector<8x64xf32>
      %select_n3A_2229 = arith.select %lt3A_2225, %select_n3A_2153, %select_n3A_2224 : vector<8x64xi1>, vector<8x64xi32>
      %lt3A_2230 = arith.cmpf olt, %select_n3A_2228, %select_n3A_2157 : vector<8x64xf32>
      %select_n3A_2231 = arith.select %lt3A_2230, %select_n3A_2228, %select_n3A_2157 : vector<8x64xi1>, vector<8x64xf32>
      %select_n3A_2232 = arith.select %lt3A_2230, %select_n3A_2229, %select_n3A_2158 : vector<8x64xi1>, vector<8x64xi32>
      %select_n3A_2233 = arith.select %lt3A_2230, %select_n3A_2157, %select_n3A_2228 : vector<8x64xi1>, vector<8x64xf32>
      %select_n3A_2234 = arith.select %lt3A_2230, %select_n3A_2158, %select_n3A_2229 : vector<8x64xi1>, vector<8x64xi32>
      %lt3A_2235 = arith.cmpf olt, %select_n3A_2233, %select_n3A_2162 : vector<8x64xf32>
      %select_n3A_2236 = arith.select %lt3A_2235, %select_n3A_2233, %select_n3A_2162 : vector<8x64xi1>, vector<8x64xf32>
      %select_n3A_2237 = arith.select %lt3A_2235, %select_n3A_2234, %select_n3A_2163 : vector<8x64xi1>, vector<8x64xi32>
      %select_n3A_2238 = arith.select %lt3A_2235, %select_n3A_2162, %select_n3A_2233 : vector<8x64xi1>, vector<8x64xf32>
      %select_n3A_2239 = arith.select %lt3A_2235, %select_n3A_2163, %select_n3A_2234 : vector<8x64xi1>, vector<8x64xi32>
      %lt3A_2240 = arith.cmpf olt, %select_n3A_2238, %select_n3A_2167 : vector<8x64xf32>
      %select_n3A_2241 = arith.select %lt3A_2240, %select_n3A_2238, %select_n3A_2167 : vector<8x64xi1>, vector<8x64xf32>
      %select_n3A_2242 = arith.select %lt3A_2240, %select_n3A_2239, %select_n3A_2168 : vector<8x64xi1>, vector<8x64xi32>
      %select_n3A_2243 = arith.select %lt3A_2240, %select_n3A_2167, %select_n3A_2238 : vector<8x64xi1>, vector<8x64xf32>
      %select_n3A_2244 = arith.select %lt3A_2240, %select_n3A_2168, %select_n3A_2239 : vector<8x64xi1>, vector<8x64xi32>
      %lt3A_2245 = arith.cmpf olt, %select_n3A_2243, %select_n3A_2172 : vector<8x64xf32>
      %select_n3A_2246 = arith.select %lt3A_2245, %select_n3A_2243, %select_n3A_2172 : vector<8x64xi1>, vector<8x64xf32>
      %select_n3A_2247 = arith.select %lt3A_2245, %select_n3A_2244, %select_n3A_2173 : vector<8x64xi1>, vector<8x64xi32>
      %select_n3A_2248 = arith.select %lt3A_2245, %select_n3A_2172, %select_n3A_2243 : vector<8x64xi1>, vector<8x64xf32>
      %select_n3A_2249 = arith.select %lt3A_2245, %select_n3A_2173, %select_n3A_2244 : vector<8x64xi1>, vector<8x64xi32>
      %lt3A_2250 = arith.cmpf olt, %select_n3A_2248, %select_n3A_2177 : vector<8x64xf32>
      %select_n3A_2251 = arith.select %lt3A_2250, %select_n3A_2248, %select_n3A_2177 : vector<8x64xi1>, vector<8x64xf32>
      %select_n3A_2252 = arith.select %lt3A_2250, %select_n3A_2249, %select_n3A_2178 : vector<8x64xi1>, vector<8x64xi32>
      %select_n3A_2253 = arith.select %lt3A_2250, %select_n3A_2177, %select_n3A_2248 : vector<8x64xi1>, vector<8x64xf32>
      %select_n3A_2254 = arith.select %lt3A_2250, %select_n3A_2178, %select_n3A_2249 : vector<8x64xi1>, vector<8x64xi32>
      %lt3A_2255 = arith.cmpf olt, %select_n3A_2253, %select_n3A_2182 : vector<8x64xf32>
      %select_n3A_2256 = arith.select %lt3A_2255, %select_n3A_2253, %select_n3A_2182 : vector<8x64xi1>, vector<8x64xf32>
      %select_n3A_2257 = arith.select %lt3A_2255, %select_n3A_2254, %select_n3A_2183 : vector<8x64xi1>, vector<8x64xi32>
      %select_n3A_2258 = arith.select %lt3A_2255, %select_n3A_2182, %select_n3A_2253 : vector<8x64xi1>, vector<8x64xf32>
      %select_n3A_2259 = arith.select %lt3A_2255, %select_n3A_2183, %select_n3A_2254 : vector<8x64xi1>, vector<8x64xi32>
      %lt3A_2260 = arith.cmpf olt, %select_n3A_2258, %select_n3A_2187 : vector<8x64xf32>
      %select_n3A_2261 = arith.select %lt3A_2260, %select_n3A_2258, %select_n3A_2187 : vector<8x64xi1>, vector<8x64xf32>
      %select_n3A_2262 = arith.select %lt3A_2260, %select_n3A_2259, %select_n3A_2188 : vector<8x64xi1>, vector<8x64xi32>
      %select_n3A_2263 = arith.select %lt3A_2260, %select_n3A_2187, %select_n3A_2258 : vector<8x64xi1>, vector<8x64xf32>
      %select_n3A_2264 = arith.select %lt3A_2260, %select_n3A_2188, %select_n3A_2259 : vector<8x64xi1>, vector<8x64xi32>
      %lt3A_2265 = arith.cmpf olt, %select_n3A_2263, %select_n3A_2192 : vector<8x64xf32>
      %select_n3A_2266 = arith.select %lt3A_2265, %select_n3A_2263, %select_n3A_2192 : vector<8x64xi1>, vector<8x64xf32>
      %select_n3A_2267 = arith.select %lt3A_2265, %select_n3A_2264, %select_n3A_2193 : vector<8x64xi1>, vector<8x64xi32>
      %slice3A_2268 = vector.extract_strided_slice %get3A_197 {offsets = [0, 0, 28], sizes = [8, 8, 64], strides = [1, 1, 1]} : vector<8x8x94xf32> to vector<8x8x64xf32>
      %sub3A_2269 = arith.subf %get3A_6, %slice3A_2268 : vector<8x8x64xf32>
      %mul3A_2270 = arith.mulf %sub3A_2269, %sub3A_2269 : vector<8x8x64xf32>
      %reduce_sum3A_2271 = arith.constant dense<0.000000e+00> : vector<8x64xf32>
      %reduce_sum3A_2272 = vector.multi_reduction <add>, %mul3A_2270, %reduce_sum3A_2271 [0] : vector<8x8x64xf32> to vector<8x64xf32>
      %mul3A_2273 = arith.constant 94 : i32
      %mul3A_2274 = arith.muli %scan3A_164, %mul3A_2273 : i32
      %add3A_2275 = arith.constant 28 : i32
      %add3A_2276 = arith.addi %mul3A_2274, %add3A_2275 : i32
      %add3A_2277 = vector.broadcast %add3A_2276 : i32 to vector<8x64xi32>
      %add3A_2278 = arith.addi %add3A_17, %add3A_2277 : vector<8x64xi32>
      %lt3A_2279 = arith.cmpf olt, %reduce_sum3A_2272, %select_n3A_2206 : vector<8x64xf32>
      %select_n3A_2280 = arith.select %lt3A_2279, %reduce_sum3A_2272, %select_n3A_2206 : vector<8x64xi1>, vector<8x64xf32>
      %select_n3A_2281 = arith.select %lt3A_2279, %add3A_2278, %select_n3A_2207 : vector<8x64xi1>, vector<8x64xi32>
      %select_n3A_2282 = arith.select %lt3A_2279, %select_n3A_2206, %reduce_sum3A_2272 : vector<8x64xi1>, vector<8x64xf32>
      %select_n3A_2283 = arith.select %lt3A_2279, %select_n3A_2207, %add3A_2278 : vector<8x64xi1>, vector<8x64xi32>
      %lt3A_2284 = arith.cmpf olt, %select_n3A_2282, %select_n3A_2211 : vector<8x64xf32>
      %select_n3A_2285 = arith.select %lt3A_2284, %select_n3A_2282, %select_n3A_2211 : vector<8x64xi1>, vector<8x64xf32>
      %select_n3A_2286 = arith.select %lt3A_2284, %select_n3A_2283, %select_n3A_2212 : vector<8x64xi1>, vector<8x64xi32>
      %select_n3A_2287 = arith.select %lt3A_2284, %select_n3A_2211, %select_n3A_2282 : vector<8x64xi1>, vector<8x64xf32>
      %select_n3A_2288 = arith.select %lt3A_2284, %select_n3A_2212, %select_n3A_2283 : vector<8x64xi1>, vector<8x64xi32>
      %lt3A_2289 = arith.cmpf olt, %select_n3A_2287, %select_n3A_2216 : vector<8x64xf32>
      %select_n3A_2290 = arith.select %lt3A_2289, %select_n3A_2287, %select_n3A_2216 : vector<8x64xi1>, vector<8x64xf32>
      %select_n3A_2291 = arith.select %lt3A_2289, %select_n3A_2288, %select_n3A_2217 : vector<8x64xi1>, vector<8x64xi32>
      %select_n3A_2292 = arith.select %lt3A_2289, %select_n3A_2216, %select_n3A_2287 : vector<8x64xi1>, vector<8x64xf32>
      %select_n3A_2293 = arith.select %lt3A_2289, %select_n3A_2217, %select_n3A_2288 : vector<8x64xi1>, vector<8x64xi32>
      %lt3A_2294 = arith.cmpf olt, %select_n3A_2292, %select_n3A_2221 : vector<8x64xf32>
      %select_n3A_2295 = arith.select %lt3A_2294, %select_n3A_2292, %select_n3A_2221 : vector<8x64xi1>, vector<8x64xf32>
      %select_n3A_2296 = arith.select %lt3A_2294, %select_n3A_2293, %select_n3A_2222 : vector<8x64xi1>, vector<8x64xi32>
      %select_n3A_2297 = arith.select %lt3A_2294, %select_n3A_2221, %select_n3A_2292 : vector<8x64xi1>, vector<8x64xf32>
      %select_n3A_2298 = arith.select %lt3A_2294, %select_n3A_2222, %select_n3A_2293 : vector<8x64xi1>, vector<8x64xi32>
      %lt3A_2299 = arith.cmpf olt, %select_n3A_2297, %select_n3A_2226 : vector<8x64xf32>
      %select_n3A_2300 = arith.select %lt3A_2299, %select_n3A_2297, %select_n3A_2226 : vector<8x64xi1>, vector<8x64xf32>
      %select_n3A_2301 = arith.select %lt3A_2299, %select_n3A_2298, %select_n3A_2227 : vector<8x64xi1>, vector<8x64xi32>
      %select_n3A_2302 = arith.select %lt3A_2299, %select_n3A_2226, %select_n3A_2297 : vector<8x64xi1>, vector<8x64xf32>
      %select_n3A_2303 = arith.select %lt3A_2299, %select_n3A_2227, %select_n3A_2298 : vector<8x64xi1>, vector<8x64xi32>
      %lt3A_2304 = arith.cmpf olt, %select_n3A_2302, %select_n3A_2231 : vector<8x64xf32>
      %select_n3A_2305 = arith.select %lt3A_2304, %select_n3A_2302, %select_n3A_2231 : vector<8x64xi1>, vector<8x64xf32>
      %select_n3A_2306 = arith.select %lt3A_2304, %select_n3A_2303, %select_n3A_2232 : vector<8x64xi1>, vector<8x64xi32>
      %select_n3A_2307 = arith.select %lt3A_2304, %select_n3A_2231, %select_n3A_2302 : vector<8x64xi1>, vector<8x64xf32>
      %select_n3A_2308 = arith.select %lt3A_2304, %select_n3A_2232, %select_n3A_2303 : vector<8x64xi1>, vector<8x64xi32>
      %lt3A_2309 = arith.cmpf olt, %select_n3A_2307, %select_n3A_2236 : vector<8x64xf32>
      %select_n3A_2310 = arith.select %lt3A_2309, %select_n3A_2307, %select_n3A_2236 : vector<8x64xi1>, vector<8x64xf32>
      %select_n3A_2311 = arith.select %lt3A_2309, %select_n3A_2308, %select_n3A_2237 : vector<8x64xi1>, vector<8x64xi32>
      %select_n3A_2312 = arith.select %lt3A_2309, %select_n3A_2236, %select_n3A_2307 : vector<8x64xi1>, vector<8x64xf32>
      %select_n3A_2313 = arith.select %lt3A_2309, %select_n3A_2237, %select_n3A_2308 : vector<8x64xi1>, vector<8x64xi32>
      %lt3A_2314 = arith.cmpf olt, %select_n3A_2312, %select_n3A_2241 : vector<8x64xf32>
      %select_n3A_2315 = arith.select %lt3A_2314, %select_n3A_2312, %select_n3A_2241 : vector<8x64xi1>, vector<8x64xf32>
      %select_n3A_2316 = arith.select %lt3A_2314, %select_n3A_2313, %select_n3A_2242 : vector<8x64xi1>, vector<8x64xi32>
      %select_n3A_2317 = arith.select %lt3A_2314, %select_n3A_2241, %select_n3A_2312 : vector<8x64xi1>, vector<8x64xf32>
      %select_n3A_2318 = arith.select %lt3A_2314, %select_n3A_2242, %select_n3A_2313 : vector<8x64xi1>, vector<8x64xi32>
      %lt3A_2319 = arith.cmpf olt, %select_n3A_2317, %select_n3A_2246 : vector<8x64xf32>
      %select_n3A_2320 = arith.select %lt3A_2319, %select_n3A_2317, %select_n3A_2246 : vector<8x64xi1>, vector<8x64xf32>
      %select_n3A_2321 = arith.select %lt3A_2319, %select_n3A_2318, %select_n3A_2247 : vector<8x64xi1>, vector<8x64xi32>
      %select_n3A_2322 = arith.select %lt3A_2319, %select_n3A_2246, %select_n3A_2317 : vector<8x64xi1>, vector<8x64xf32>
      %select_n3A_2323 = arith.select %lt3A_2319, %select_n3A_2247, %select_n3A_2318 : vector<8x64xi1>, vector<8x64xi32>
      %lt3A_2324 = arith.cmpf olt, %select_n3A_2322, %select_n3A_2251 : vector<8x64xf32>
      %select_n3A_2325 = arith.select %lt3A_2324, %select_n3A_2322, %select_n3A_2251 : vector<8x64xi1>, vector<8x64xf32>
      %select_n3A_2326 = arith.select %lt3A_2324, %select_n3A_2323, %select_n3A_2252 : vector<8x64xi1>, vector<8x64xi32>
      %select_n3A_2327 = arith.select %lt3A_2324, %select_n3A_2251, %select_n3A_2322 : vector<8x64xi1>, vector<8x64xf32>
      %select_n3A_2328 = arith.select %lt3A_2324, %select_n3A_2252, %select_n3A_2323 : vector<8x64xi1>, vector<8x64xi32>
      %lt3A_2329 = arith.cmpf olt, %select_n3A_2327, %select_n3A_2256 : vector<8x64xf32>
      %select_n3A_2330 = arith.select %lt3A_2329, %select_n3A_2327, %select_n3A_2256 : vector<8x64xi1>, vector<8x64xf32>
      %select_n3A_2331 = arith.select %lt3A_2329, %select_n3A_2328, %select_n3A_2257 : vector<8x64xi1>, vector<8x64xi32>
      %select_n3A_2332 = arith.select %lt3A_2329, %select_n3A_2256, %select_n3A_2327 : vector<8x64xi1>, vector<8x64xf32>
      %select_n3A_2333 = arith.select %lt3A_2329, %select_n3A_2257, %select_n3A_2328 : vector<8x64xi1>, vector<8x64xi32>
      %lt3A_2334 = arith.cmpf olt, %select_n3A_2332, %select_n3A_2261 : vector<8x64xf32>
      %select_n3A_2335 = arith.select %lt3A_2334, %select_n3A_2332, %select_n3A_2261 : vector<8x64xi1>, vector<8x64xf32>
      %select_n3A_2336 = arith.select %lt3A_2334, %select_n3A_2333, %select_n3A_2262 : vector<8x64xi1>, vector<8x64xi32>
      %select_n3A_2337 = arith.select %lt3A_2334, %select_n3A_2261, %select_n3A_2332 : vector<8x64xi1>, vector<8x64xf32>
      %select_n3A_2338 = arith.select %lt3A_2334, %select_n3A_2262, %select_n3A_2333 : vector<8x64xi1>, vector<8x64xi32>
      %lt3A_2339 = arith.cmpf olt, %select_n3A_2337, %select_n3A_2266 : vector<8x64xf32>
      %select_n3A_2340 = arith.select %lt3A_2339, %select_n3A_2337, %select_n3A_2266 : vector<8x64xi1>, vector<8x64xf32>
      %select_n3A_2341 = arith.select %lt3A_2339, %select_n3A_2338, %select_n3A_2267 : vector<8x64xi1>, vector<8x64xi32>
      %slice3A_2342 = vector.extract_strided_slice %get3A_197 {offsets = [0, 0, 29], sizes = [8, 8, 64], strides = [1, 1, 1]} : vector<8x8x94xf32> to vector<8x8x64xf32>
      %sub3A_2343 = arith.subf %get3A_6, %slice3A_2342 : vector<8x8x64xf32>
      %mul3A_2344 = arith.mulf %sub3A_2343, %sub3A_2343 : vector<8x8x64xf32>
      %reduce_sum3A_2345 = arith.constant dense<0.000000e+00> : vector<8x64xf32>
      %reduce_sum3A_2346 = vector.multi_reduction <add>, %mul3A_2344, %reduce_sum3A_2345 [0] : vector<8x8x64xf32> to vector<8x64xf32>
      %mul3A_2347 = arith.constant 94 : i32
      %mul3A_2348 = arith.muli %scan3A_164, %mul3A_2347 : i32
      %add3A_2349 = arith.constant 29 : i32
      %add3A_2350 = arith.addi %mul3A_2348, %add3A_2349 : i32
      %add3A_2351 = vector.broadcast %add3A_2350 : i32 to vector<8x64xi32>
      %add3A_2352 = arith.addi %add3A_17, %add3A_2351 : vector<8x64xi32>
      %lt3A_2353 = arith.cmpf olt, %reduce_sum3A_2346, %select_n3A_2280 : vector<8x64xf32>
      %select_n3A_2354 = arith.select %lt3A_2353, %reduce_sum3A_2346, %select_n3A_2280 : vector<8x64xi1>, vector<8x64xf32>
      %select_n3A_2355 = arith.select %lt3A_2353, %add3A_2352, %select_n3A_2281 : vector<8x64xi1>, vector<8x64xi32>
      %select_n3A_2356 = arith.select %lt3A_2353, %select_n3A_2280, %reduce_sum3A_2346 : vector<8x64xi1>, vector<8x64xf32>
      %select_n3A_2357 = arith.select %lt3A_2353, %select_n3A_2281, %add3A_2352 : vector<8x64xi1>, vector<8x64xi32>
      %lt3A_2358 = arith.cmpf olt, %select_n3A_2356, %select_n3A_2285 : vector<8x64xf32>
      %select_n3A_2359 = arith.select %lt3A_2358, %select_n3A_2356, %select_n3A_2285 : vector<8x64xi1>, vector<8x64xf32>
      %select_n3A_2360 = arith.select %lt3A_2358, %select_n3A_2357, %select_n3A_2286 : vector<8x64xi1>, vector<8x64xi32>
      %select_n3A_2361 = arith.select %lt3A_2358, %select_n3A_2285, %select_n3A_2356 : vector<8x64xi1>, vector<8x64xf32>
      %select_n3A_2362 = arith.select %lt3A_2358, %select_n3A_2286, %select_n3A_2357 : vector<8x64xi1>, vector<8x64xi32>
      %lt3A_2363 = arith.cmpf olt, %select_n3A_2361, %select_n3A_2290 : vector<8x64xf32>
      %select_n3A_2364 = arith.select %lt3A_2363, %select_n3A_2361, %select_n3A_2290 : vector<8x64xi1>, vector<8x64xf32>
      %select_n3A_2365 = arith.select %lt3A_2363, %select_n3A_2362, %select_n3A_2291 : vector<8x64xi1>, vector<8x64xi32>
      %select_n3A_2366 = arith.select %lt3A_2363, %select_n3A_2290, %select_n3A_2361 : vector<8x64xi1>, vector<8x64xf32>
      %select_n3A_2367 = arith.select %lt3A_2363, %select_n3A_2291, %select_n3A_2362 : vector<8x64xi1>, vector<8x64xi32>
      %lt3A_2368 = arith.cmpf olt, %select_n3A_2366, %select_n3A_2295 : vector<8x64xf32>
      %select_n3A_2369 = arith.select %lt3A_2368, %select_n3A_2366, %select_n3A_2295 : vector<8x64xi1>, vector<8x64xf32>
      %select_n3A_2370 = arith.select %lt3A_2368, %select_n3A_2367, %select_n3A_2296 : vector<8x64xi1>, vector<8x64xi32>
      %select_n3A_2371 = arith.select %lt3A_2368, %select_n3A_2295, %select_n3A_2366 : vector<8x64xi1>, vector<8x64xf32>
      %select_n3A_2372 = arith.select %lt3A_2368, %select_n3A_2296, %select_n3A_2367 : vector<8x64xi1>, vector<8x64xi32>
      %lt3A_2373 = arith.cmpf olt, %select_n3A_2371, %select_n3A_2300 : vector<8x64xf32>
      %select_n3A_2374 = arith.select %lt3A_2373, %select_n3A_2371, %select_n3A_2300 : vector<8x64xi1>, vector<8x64xf32>
      %select_n3A_2375 = arith.select %lt3A_2373, %select_n3A_2372, %select_n3A_2301 : vector<8x64xi1>, vector<8x64xi32>
      %select_n3A_2376 = arith.select %lt3A_2373, %select_n3A_2300, %select_n3A_2371 : vector<8x64xi1>, vector<8x64xf32>
      %select_n3A_2377 = arith.select %lt3A_2373, %select_n3A_2301, %select_n3A_2372 : vector<8x64xi1>, vector<8x64xi32>
      %lt3A_2378 = arith.cmpf olt, %select_n3A_2376, %select_n3A_2305 : vector<8x64xf32>
      %select_n3A_2379 = arith.select %lt3A_2378, %select_n3A_2376, %select_n3A_2305 : vector<8x64xi1>, vector<8x64xf32>
      %select_n3A_2380 = arith.select %lt3A_2378, %select_n3A_2377, %select_n3A_2306 : vector<8x64xi1>, vector<8x64xi32>
      %select_n3A_2381 = arith.select %lt3A_2378, %select_n3A_2305, %select_n3A_2376 : vector<8x64xi1>, vector<8x64xf32>
      %select_n3A_2382 = arith.select %lt3A_2378, %select_n3A_2306, %select_n3A_2377 : vector<8x64xi1>, vector<8x64xi32>
      %lt3A_2383 = arith.cmpf olt, %select_n3A_2381, %select_n3A_2310 : vector<8x64xf32>
      %select_n3A_2384 = arith.select %lt3A_2383, %select_n3A_2381, %select_n3A_2310 : vector<8x64xi1>, vector<8x64xf32>
      %select_n3A_2385 = arith.select %lt3A_2383, %select_n3A_2382, %select_n3A_2311 : vector<8x64xi1>, vector<8x64xi32>
      %select_n3A_2386 = arith.select %lt3A_2383, %select_n3A_2310, %select_n3A_2381 : vector<8x64xi1>, vector<8x64xf32>
      %select_n3A_2387 = arith.select %lt3A_2383, %select_n3A_2311, %select_n3A_2382 : vector<8x64xi1>, vector<8x64xi32>
      %lt3A_2388 = arith.cmpf olt, %select_n3A_2386, %select_n3A_2315 : vector<8x64xf32>
      %select_n3A_2389 = arith.select %lt3A_2388, %select_n3A_2386, %select_n3A_2315 : vector<8x64xi1>, vector<8x64xf32>
      %select_n3A_2390 = arith.select %lt3A_2388, %select_n3A_2387, %select_n3A_2316 : vector<8x64xi1>, vector<8x64xi32>
      %select_n3A_2391 = arith.select %lt3A_2388, %select_n3A_2315, %select_n3A_2386 : vector<8x64xi1>, vector<8x64xf32>
      %select_n3A_2392 = arith.select %lt3A_2388, %select_n3A_2316, %select_n3A_2387 : vector<8x64xi1>, vector<8x64xi32>
      %lt3A_2393 = arith.cmpf olt, %select_n3A_2391, %select_n3A_2320 : vector<8x64xf32>
      %select_n3A_2394 = arith.select %lt3A_2393, %select_n3A_2391, %select_n3A_2320 : vector<8x64xi1>, vector<8x64xf32>
      %select_n3A_2395 = arith.select %lt3A_2393, %select_n3A_2392, %select_n3A_2321 : vector<8x64xi1>, vector<8x64xi32>
      %select_n3A_2396 = arith.select %lt3A_2393, %select_n3A_2320, %select_n3A_2391 : vector<8x64xi1>, vector<8x64xf32>
      %select_n3A_2397 = arith.select %lt3A_2393, %select_n3A_2321, %select_n3A_2392 : vector<8x64xi1>, vector<8x64xi32>
      %lt3A_2398 = arith.cmpf olt, %select_n3A_2396, %select_n3A_2325 : vector<8x64xf32>
      %select_n3A_2399 = arith.select %lt3A_2398, %select_n3A_2396, %select_n3A_2325 : vector<8x64xi1>, vector<8x64xf32>
      %select_n3A_2400 = arith.select %lt3A_2398, %select_n3A_2397, %select_n3A_2326 : vector<8x64xi1>, vector<8x64xi32>
      %select_n3A_2401 = arith.select %lt3A_2398, %select_n3A_2325, %select_n3A_2396 : vector<8x64xi1>, vector<8x64xf32>
      %select_n3A_2402 = arith.select %lt3A_2398, %select_n3A_2326, %select_n3A_2397 : vector<8x64xi1>, vector<8x64xi32>
      %lt3A_2403 = arith.cmpf olt, %select_n3A_2401, %select_n3A_2330 : vector<8x64xf32>
      %select_n3A_2404 = arith.select %lt3A_2403, %select_n3A_2401, %select_n3A_2330 : vector<8x64xi1>, vector<8x64xf32>
      %select_n3A_2405 = arith.select %lt3A_2403, %select_n3A_2402, %select_n3A_2331 : vector<8x64xi1>, vector<8x64xi32>
      %select_n3A_2406 = arith.select %lt3A_2403, %select_n3A_2330, %select_n3A_2401 : vector<8x64xi1>, vector<8x64xf32>
      %select_n3A_2407 = arith.select %lt3A_2403, %select_n3A_2331, %select_n3A_2402 : vector<8x64xi1>, vector<8x64xi32>
      %lt3A_2408 = arith.cmpf olt, %select_n3A_2406, %select_n3A_2335 : vector<8x64xf32>
      %select_n3A_2409 = arith.select %lt3A_2408, %select_n3A_2406, %select_n3A_2335 : vector<8x64xi1>, vector<8x64xf32>
      %select_n3A_2410 = arith.select %lt3A_2408, %select_n3A_2407, %select_n3A_2336 : vector<8x64xi1>, vector<8x64xi32>
      %select_n3A_2411 = arith.select %lt3A_2408, %select_n3A_2335, %select_n3A_2406 : vector<8x64xi1>, vector<8x64xf32>
      %select_n3A_2412 = arith.select %lt3A_2408, %select_n3A_2336, %select_n3A_2407 : vector<8x64xi1>, vector<8x64xi32>
      %lt3A_2413 = arith.cmpf olt, %select_n3A_2411, %select_n3A_2340 : vector<8x64xf32>
      %select_n3A_2414 = arith.select %lt3A_2413, %select_n3A_2411, %select_n3A_2340 : vector<8x64xi1>, vector<8x64xf32>
      %select_n3A_2415 = arith.select %lt3A_2413, %select_n3A_2412, %select_n3A_2341 : vector<8x64xi1>, vector<8x64xi32>
      %slice3A_2416 = vector.extract_strided_slice %get3A_197 {offsets = [0, 0, 30], sizes = [8, 8, 64], strides = [1, 1, 1]} : vector<8x8x94xf32> to vector<8x8x64xf32>
      %sub3A_2417 = arith.subf %get3A_6, %slice3A_2416 : vector<8x8x64xf32>
      %mul3A_2418 = arith.mulf %sub3A_2417, %sub3A_2417 : vector<8x8x64xf32>
      %reduce_sum3A_2419 = arith.constant dense<0.000000e+00> : vector<8x64xf32>
      %reduce_sum3A_2420 = vector.multi_reduction <add>, %mul3A_2418, %reduce_sum3A_2419 [0] : vector<8x8x64xf32> to vector<8x64xf32>
      %mul3A_2421 = arith.constant 94 : i32
      %mul3A_2422 = arith.muli %scan3A_164, %mul3A_2421 : i32
      %add3A_2423 = arith.constant 30 : i32
      %add3A_2424 = arith.addi %mul3A_2422, %add3A_2423 : i32
      %add3A_2425 = vector.broadcast %add3A_2424 : i32 to vector<8x64xi32>
      %add3A_2426 = arith.addi %add3A_17, %add3A_2425 : vector<8x64xi32>
      %lt3A_2427 = arith.cmpf olt, %reduce_sum3A_2420, %select_n3A_2354 : vector<8x64xf32>
      %select_n3A_2428 = arith.select %lt3A_2427, %reduce_sum3A_2420, %select_n3A_2354 : vector<8x64xi1>, vector<8x64xf32>
      %select_n3A_2429 = arith.select %lt3A_2427, %add3A_2426, %select_n3A_2355 : vector<8x64xi1>, vector<8x64xi32>
      %select_n3A_2430 = arith.select %lt3A_2427, %select_n3A_2354, %reduce_sum3A_2420 : vector<8x64xi1>, vector<8x64xf32>
      %select_n3A_2431 = arith.select %lt3A_2427, %select_n3A_2355, %add3A_2426 : vector<8x64xi1>, vector<8x64xi32>
      %lt3A_2432 = arith.cmpf olt, %select_n3A_2430, %select_n3A_2359 : vector<8x64xf32>
      %select_n3A_2433 = arith.select %lt3A_2432, %select_n3A_2430, %select_n3A_2359 : vector<8x64xi1>, vector<8x64xf32>
      %select_n3A_2434 = arith.select %lt3A_2432, %select_n3A_2431, %select_n3A_2360 : vector<8x64xi1>, vector<8x64xi32>
      %select_n3A_2435 = arith.select %lt3A_2432, %select_n3A_2359, %select_n3A_2430 : vector<8x64xi1>, vector<8x64xf32>
      %select_n3A_2436 = arith.select %lt3A_2432, %select_n3A_2360, %select_n3A_2431 : vector<8x64xi1>, vector<8x64xi32>
      %lt3A_2437 = arith.cmpf olt, %select_n3A_2435, %select_n3A_2364 : vector<8x64xf32>
      %select_n3A_2438 = arith.select %lt3A_2437, %select_n3A_2435, %select_n3A_2364 : vector<8x64xi1>, vector<8x64xf32>
      %select_n3A_2439 = arith.select %lt3A_2437, %select_n3A_2436, %select_n3A_2365 : vector<8x64xi1>, vector<8x64xi32>
      %select_n3A_2440 = arith.select %lt3A_2437, %select_n3A_2364, %select_n3A_2435 : vector<8x64xi1>, vector<8x64xf32>
      %select_n3A_2441 = arith.select %lt3A_2437, %select_n3A_2365, %select_n3A_2436 : vector<8x64xi1>, vector<8x64xi32>
      %lt3A_2442 = arith.cmpf olt, %select_n3A_2440, %select_n3A_2369 : vector<8x64xf32>
      %select_n3A_2443 = arith.select %lt3A_2442, %select_n3A_2440, %select_n3A_2369 : vector<8x64xi1>, vector<8x64xf32>
      %select_n3A_2444 = arith.select %lt3A_2442, %select_n3A_2441, %select_n3A_2370 : vector<8x64xi1>, vector<8x64xi32>
      %select_n3A_2445 = arith.select %lt3A_2442, %select_n3A_2369, %select_n3A_2440 : vector<8x64xi1>, vector<8x64xf32>
      %select_n3A_2446 = arith.select %lt3A_2442, %select_n3A_2370, %select_n3A_2441 : vector<8x64xi1>, vector<8x64xi32>
      %lt3A_2447 = arith.cmpf olt, %select_n3A_2445, %select_n3A_2374 : vector<8x64xf32>
      %select_n3A_2448 = arith.select %lt3A_2447, %select_n3A_2445, %select_n3A_2374 : vector<8x64xi1>, vector<8x64xf32>
      %select_n3A_2449 = arith.select %lt3A_2447, %select_n3A_2446, %select_n3A_2375 : vector<8x64xi1>, vector<8x64xi32>
      %select_n3A_2450 = arith.select %lt3A_2447, %select_n3A_2374, %select_n3A_2445 : vector<8x64xi1>, vector<8x64xf32>
      %select_n3A_2451 = arith.select %lt3A_2447, %select_n3A_2375, %select_n3A_2446 : vector<8x64xi1>, vector<8x64xi32>
      %lt3A_2452 = arith.cmpf olt, %select_n3A_2450, %select_n3A_2379 : vector<8x64xf32>
      %select_n3A_2453 = arith.select %lt3A_2452, %select_n3A_2450, %select_n3A_2379 : vector<8x64xi1>, vector<8x64xf32>
      %select_n3A_2454 = arith.select %lt3A_2452, %select_n3A_2451, %select_n3A_2380 : vector<8x64xi1>, vector<8x64xi32>
      %select_n3A_2455 = arith.select %lt3A_2452, %select_n3A_2379, %select_n3A_2450 : vector<8x64xi1>, vector<8x64xf32>
      %select_n3A_2456 = arith.select %lt3A_2452, %select_n3A_2380, %select_n3A_2451 : vector<8x64xi1>, vector<8x64xi32>
      %lt3A_2457 = arith.cmpf olt, %select_n3A_2455, %select_n3A_2384 : vector<8x64xf32>
      %select_n3A_2458 = arith.select %lt3A_2457, %select_n3A_2455, %select_n3A_2384 : vector<8x64xi1>, vector<8x64xf32>
      %select_n3A_2459 = arith.select %lt3A_2457, %select_n3A_2456, %select_n3A_2385 : vector<8x64xi1>, vector<8x64xi32>
      %select_n3A_2460 = arith.select %lt3A_2457, %select_n3A_2384, %select_n3A_2455 : vector<8x64xi1>, vector<8x64xf32>
      %select_n3A_2461 = arith.select %lt3A_2457, %select_n3A_2385, %select_n3A_2456 : vector<8x64xi1>, vector<8x64xi32>
      %lt3A_2462 = arith.cmpf olt, %select_n3A_2460, %select_n3A_2389 : vector<8x64xf32>
      %select_n3A_2463 = arith.select %lt3A_2462, %select_n3A_2460, %select_n3A_2389 : vector<8x64xi1>, vector<8x64xf32>
      %select_n3A_2464 = arith.select %lt3A_2462, %select_n3A_2461, %select_n3A_2390 : vector<8x64xi1>, vector<8x64xi32>
      %select_n3A_2465 = arith.select %lt3A_2462, %select_n3A_2389, %select_n3A_2460 : vector<8x64xi1>, vector<8x64xf32>
      %select_n3A_2466 = arith.select %lt3A_2462, %select_n3A_2390, %select_n3A_2461 : vector<8x64xi1>, vector<8x64xi32>
      %lt3A_2467 = arith.cmpf olt, %select_n3A_2465, %select_n3A_2394 : vector<8x64xf32>
      %select_n3A_2468 = arith.select %lt3A_2467, %select_n3A_2465, %select_n3A_2394 : vector<8x64xi1>, vector<8x64xf32>
      %select_n3A_2469 = arith.select %lt3A_2467, %select_n3A_2466, %select_n3A_2395 : vector<8x64xi1>, vector<8x64xi32>
      %select_n3A_2470 = arith.select %lt3A_2467, %select_n3A_2394, %select_n3A_2465 : vector<8x64xi1>, vector<8x64xf32>
      %select_n3A_2471 = arith.select %lt3A_2467, %select_n3A_2395, %select_n3A_2466 : vector<8x64xi1>, vector<8x64xi32>
      %lt3A_2472 = arith.cmpf olt, %select_n3A_2470, %select_n3A_2399 : vector<8x64xf32>
      %select_n3A_2473 = arith.select %lt3A_2472, %select_n3A_2470, %select_n3A_2399 : vector<8x64xi1>, vector<8x64xf32>
      %select_n3A_2474 = arith.select %lt3A_2472, %select_n3A_2471, %select_n3A_2400 : vector<8x64xi1>, vector<8x64xi32>
      %select_n3A_2475 = arith.select %lt3A_2472, %select_n3A_2399, %select_n3A_2470 : vector<8x64xi1>, vector<8x64xf32>
      %select_n3A_2476 = arith.select %lt3A_2472, %select_n3A_2400, %select_n3A_2471 : vector<8x64xi1>, vector<8x64xi32>
      %lt3A_2477 = arith.cmpf olt, %select_n3A_2475, %select_n3A_2404 : vector<8x64xf32>
      %select_n3A_2478 = arith.select %lt3A_2477, %select_n3A_2475, %select_n3A_2404 : vector<8x64xi1>, vector<8x64xf32>
      %select_n3A_2479 = arith.select %lt3A_2477, %select_n3A_2476, %select_n3A_2405 : vector<8x64xi1>, vector<8x64xi32>
      %select_n3A_2480 = arith.select %lt3A_2477, %select_n3A_2404, %select_n3A_2475 : vector<8x64xi1>, vector<8x64xf32>
      %select_n3A_2481 = arith.select %lt3A_2477, %select_n3A_2405, %select_n3A_2476 : vector<8x64xi1>, vector<8x64xi32>
      %lt3A_2482 = arith.cmpf olt, %select_n3A_2480, %select_n3A_2409 : vector<8x64xf32>
      %select_n3A_2483 = arith.select %lt3A_2482, %select_n3A_2480, %select_n3A_2409 : vector<8x64xi1>, vector<8x64xf32>
      %select_n3A_2484 = arith.select %lt3A_2482, %select_n3A_2481, %select_n3A_2410 : vector<8x64xi1>, vector<8x64xi32>
      %select_n3A_2485 = arith.select %lt3A_2482, %select_n3A_2409, %select_n3A_2480 : vector<8x64xi1>, vector<8x64xf32>
      %select_n3A_2486 = arith.select %lt3A_2482, %select_n3A_2410, %select_n3A_2481 : vector<8x64xi1>, vector<8x64xi32>
      %lt3A_2487 = arith.cmpf olt, %select_n3A_2485, %select_n3A_2414 : vector<8x64xf32>
      %select_n3A_2488 = arith.select %lt3A_2487, %select_n3A_2485, %select_n3A_2414 : vector<8x64xi1>, vector<8x64xf32>
      %select_n3A_2489 = arith.select %lt3A_2487, %select_n3A_2486, %select_n3A_2415 : vector<8x64xi1>, vector<8x64xi32>
      scf.yield %select_n3A_2428, %select_n3A_2433, %select_n3A_2438, %select_n3A_2443, %select_n3A_2448, %select_n3A_2453, %select_n3A_2458, %select_n3A_2463, %select_n3A_2468, %select_n3A_2473, %select_n3A_2478, %select_n3A_2483, %select_n3A_2488, %select_n3A_2429, %select_n3A_2434, %select_n3A_2439, %select_n3A_2444, %select_n3A_2449, %select_n3A_2454, %select_n3A_2459, %select_n3A_2464, %select_n3A_2469, %select_n3A_2474, %select_n3A_2479, %select_n3A_2484, %select_n3A_2489 : vector<8x64xf32>, vector<8x64xf32>, vector<8x64xf32>, vector<8x64xf32>, vector<8x64xf32>, vector<8x64xf32>, vector<8x64xf32>, vector<8x64xf32>, vector<8x64xf32>, vector<8x64xf32>, vector<8x64xf32>, vector<8x64xf32>, vector<8x64xf32>, vector<8x64xi32>, vector<8x64xi32>, vector<8x64xi32>, vector<8x64xi32>, vector<8x64xi32>, vector<8x64xi32>, vector<8x64xi32>, vector<8x64xi32>, vector<8x64xi32>, vector<8x64xi32>, vector<8x64xi32>, vector<8x64xi32>, vector<8x64xi32>
    }
    %scan3A_73 = arith.constant 31 : i32
    %swap3A = arith.constant 0 : index
    %swap3A_74 = arith.constant 0 : index
    %swap3A_75 = arith.constant 0 : index
    %swap3A_76 = arith.constant 0 : index
    %swap3A_77 = vector.load %arg3[%swap3A, %swap3A_74, %swap3A_75, %swap3A_76] : memref<1x13x8x64xi32, #tpu.memory_space<vmem>>, vector<1x1x8x64xi32>
    %swap3A_78 = vector.shape_cast %swap3A_77 : vector<1x1x8x64xi32> to vector<8x64xi32>
    %swap3A_79 = vector.shape_cast %scan3A_72#13 : vector<8x64xi32> to vector<1x1x8x64xi32>
    tpu.vector_store %arg3[%swap3A, %swap3A_74, %swap3A_75, %swap3A_76], %swap3A_79 {strides = array<i32>} : memref<1x13x8x64xi32, #tpu.memory_space<vmem>>, vector<1x1x8x64xi32>,
    %swap3A_80 = arith.constant 0 : index
    %swap3A_81 = arith.constant 1 : index
    %swap3A_82 = arith.constant 0 : index
    %swap3A_83 = arith.constant 0 : index
    %swap3A_84 = vector.load %arg3[%swap3A_80, %swap3A_81, %swap3A_82, %swap3A_83] : memref<1x13x8x64xi32, #tpu.memory_space<vmem>>, vector<1x1x8x64xi32>
    %swap3A_85 = vector.shape_cast %swap3A_84 : vector<1x1x8x64xi32> to vector<8x64xi32>
    %swap3A_86 = vector.shape_cast %scan3A_72#14 : vector<8x64xi32> to vector<1x1x8x64xi32>
    tpu.vector_store %arg3[%swap3A_80, %swap3A_81, %swap3A_82, %swap3A_83], %swap3A_86 {strides = array<i32>} : memref<1x13x8x64xi32, #tpu.memory_space<vmem>>, vector<1x1x8x64xi32>,
    %swap3A_87 = arith.constant 0 : index
    %swap3A_88 = arith.constant 2 : index
    %swap3A_89 = arith.constant 0 : index
    %swap3A_90 = arith.constant 0 : index
    %swap3A_91 = vector.load %arg3[%swap3A_87, %swap3A_88, %swap3A_89, %swap3A_90] : memref<1x13x8x64xi32, #tpu.memory_space<vmem>>, vector<1x1x8x64xi32>
    %swap3A_92 = vector.shape_cast %swap3A_91 : vector<1x1x8x64xi32> to vector<8x64xi32>
    %swap3A_93 = vector.shape_cast %scan3A_72#15 : vector<8x64xi32> to vector<1x1x8x64xi32>
    tpu.vector_store %arg3[%swap3A_87, %swap3A_88, %swap3A_89, %swap3A_90], %swap3A_93 {strides = array<i32>} : memref<1x13x8x64xi32, #tpu.memory_space<vmem>>, vector<1x1x8x64xi32>,
    %swap3A_94 = arith.constant 0 : index
    %swap3A_95 = arith.constant 3 : index
    %swap3A_96 = arith.constant 0 : index
    %swap3A_97 = arith.constant 0 : index
    %swap3A_98 = vector.load %arg3[%swap3A_94, %swap3A_95, %swap3A_96, %swap3A_97] : memref<1x13x8x64xi32, #tpu.memory_space<vmem>>, vector<1x1x8x64xi32>
    %swap3A_99 = vector.shape_cast %swap3A_98 : vector<1x1x8x64xi32> to vector<8x64xi32>
    %swap3A_100 = vector.shape_cast %scan3A_72#16 : vector<8x64xi32> to vector<1x1x8x64xi32>
    tpu.vector_store %arg3[%swap3A_94, %swap3A_95, %swap3A_96, %swap3A_97], %swap3A_100 {strides = array<i32>} : memref<1x13x8x64xi32, #tpu.memory_space<vmem>>, vector<1x1x8x64xi32>,
    %swap3A_101 = arith.constant 0 : index
    %swap3A_102 = arith.constant 4 : index
    %swap3A_103 = arith.constant 0 : index
    %swap3A_104 = arith.constant 0 : index
    %swap3A_105 = vector.load %arg3[%swap3A_101, %swap3A_102, %swap3A_103, %swap3A_104] : memref<1x13x8x64xi32, #tpu.memory_space<vmem>>, vector<1x1x8x64xi32>
    %swap3A_106 = vector.shape_cast %swap3A_105 : vector<1x1x8x64xi32> to vector<8x64xi32>
    %swap3A_107 = vector.shape_cast %scan3A_72#17 : vector<8x64xi32> to vector<1x1x8x64xi32>
    tpu.vector_store %arg3[%swap3A_101, %swap3A_102, %swap3A_103, %swap3A_104], %swap3A_107 {strides = array<i32>} : memref<1x13x8x64xi32, #tpu.memory_space<vmem>>, vector<1x1x8x64xi32>,
    %swap3A_108 = arith.constant 0 : index
    %swap3A_109 = arith.constant 5 : index
    %swap3A_110 = arith.constant 0 : index
    %swap3A_111 = arith.constant 0 : index
    %swap3A_112 = vector.load %arg3[%swap3A_108, %swap3A_109, %swap3A_110, %swap3A_111] : memref<1x13x8x64xi32, #tpu.memory_space<vmem>>, vector<1x1x8x64xi32>
    %swap3A_113 = vector.shape_cast %swap3A_112 : vector<1x1x8x64xi32> to vector<8x64xi32>
    %swap3A_114 = vector.shape_cast %scan3A_72#18 : vector<8x64xi32> to vector<1x1x8x64xi32>
    tpu.vector_store %arg3[%swap3A_108, %swap3A_109, %swap3A_110, %swap3A_111], %swap3A_114 {strides = array<i32>} : memref<1x13x8x64xi32, #tpu.memory_space<vmem>>, vector<1x1x8x64xi32>,
    %swap3A_115 = arith.constant 0 : index
    %swap3A_116 = arith.constant 6 : index
    %swap3A_117 = arith.constant 0 : index
    %swap3A_118 = arith.constant 0 : index
    %swap3A_119 = vector.load %arg3[%swap3A_115, %swap3A_116, %swap3A_117, %swap3A_118] : memref<1x13x8x64xi32, #tpu.memory_space<vmem>>, vector<1x1x8x64xi32>
    %swap3A_120 = vector.shape_cast %swap3A_119 : vector<1x1x8x64xi32> to vector<8x64xi32>
    %swap3A_121 = vector.shape_cast %scan3A_72#19 : vector<8x64xi32> to vector<1x1x8x64xi32>
    tpu.vector_store %arg3[%swap3A_115, %swap3A_116, %swap3A_117, %swap3A_118], %swap3A_121 {strides = array<i32>} : memref<1x13x8x64xi32, #tpu.memory_space<vmem>>, vector<1x1x8x64xi32>,
    %swap3A_122 = arith.constant 0 : index
    %swap3A_123 = arith.constant 7 : index
    %swap3A_124 = arith.constant 0 : index
    %swap3A_125 = arith.constant 0 : index
    %swap3A_126 = vector.load %arg3[%swap3A_122, %swap3A_123, %swap3A_124, %swap3A_125] : memref<1x13x8x64xi32, #tpu.memory_space<vmem>>, vector<1x1x8x64xi32>
    %swap3A_127 = vector.shape_cast %swap3A_126 : vector<1x1x8x64xi32> to vector<8x64xi32>
    %swap3A_128 = vector.shape_cast %scan3A_72#20 : vector<8x64xi32> to vector<1x1x8x64xi32>
    tpu.vector_store %arg3[%swap3A_122, %swap3A_123, %swap3A_124, %swap3A_125], %swap3A_128 {strides = array<i32>} : memref<1x13x8x64xi32, #tpu.memory_space<vmem>>, vector<1x1x8x64xi32>,
    %swap3A_129 = arith.constant 0 : index
    %swap3A_130 = arith.constant 8 : index
    %swap3A_131 = arith.constant 0 : index
    %swap3A_132 = arith.constant 0 : index
    %swap3A_133 = vector.load %arg3[%swap3A_129, %swap3A_130, %swap3A_131, %swap3A_132] : memref<1x13x8x64xi32, #tpu.memory_space<vmem>>, vector<1x1x8x64xi32>
    %swap3A_134 = vector.shape_cast %swap3A_133 : vector<1x1x8x64xi32> to vector<8x64xi32>
    %swap3A_135 = vector.shape_cast %scan3A_72#21 : vector<8x64xi32> to vector<1x1x8x64xi32>
    tpu.vector_store %arg3[%swap3A_129, %swap3A_130, %swap3A_131, %swap3A_132], %swap3A_135 {strides = array<i32>} : memref<1x13x8x64xi32, #tpu.memory_space<vmem>>, vector<1x1x8x64xi32>,
    %swap3A_136 = arith.constant 0 : index
    %swap3A_137 = arith.constant 9 : index
    %swap3A_138 = arith.constant 0 : index
    %swap3A_139 = arith.constant 0 : index
    %swap3A_140 = vector.load %arg3[%swap3A_136, %swap3A_137, %swap3A_138, %swap3A_139] : memref<1x13x8x64xi32, #tpu.memory_space<vmem>>, vector<1x1x8x64xi32>
    %swap3A_141 = vector.shape_cast %swap3A_140 : vector<1x1x8x64xi32> to vector<8x64xi32>
    %swap3A_142 = vector.shape_cast %scan3A_72#22 : vector<8x64xi32> to vector<1x1x8x64xi32>
    tpu.vector_store %arg3[%swap3A_136, %swap3A_137, %swap3A_138, %swap3A_139], %swap3A_142 {strides = array<i32>} : memref<1x13x8x64xi32, #tpu.memory_space<vmem>>, vector<1x1x8x64xi32>,
    %swap3A_143 = arith.constant 0 : index
    %swap3A_144 = arith.constant 10 : index
    %swap3A_145 = arith.constant 0 : index
    %swap3A_146 = arith.constant 0 : index
    %swap3A_147 = vector.load %arg3[%swap3A_143, %swap3A_144, %swap3A_145, %swap3A_146] : memref<1x13x8x64xi32, #tpu.memory_space<vmem>>, vector<1x1x8x64xi32>
    %swap3A_148 = vector.shape_cast %swap3A_147 : vector<1x1x8x64xi32> to vector<8x64xi32>
    %swap3A_149 = vector.shape_cast %scan3A_72#23 : vector<8x64xi32> to vector<1x1x8x64xi32>
    tpu.vector_store %arg3[%swap3A_143, %swap3A_144, %swap3A_145, %swap3A_146], %swap3A_149 {strides = array<i32>} : memref<1x13x8x64xi32, #tpu.memory_space<vmem>>, vector<1x1x8x64xi32>,
    %swap3A_150 = arith.constant 0 : index
    %swap3A_151 = arith.constant 11 : index
    %swap3A_152 = arith.constant 0 : index
    %swap3A_153 = arith.constant 0 : index
    %swap3A_154 = vector.load %arg3[%swap3A_150, %swap3A_151, %swap3A_152, %swap3A_153] : memref<1x13x8x64xi32, #tpu.memory_space<vmem>>, vector<1x1x8x64xi32>
    %swap3A_155 = vector.shape_cast %swap3A_154 : vector<1x1x8x64xi32> to vector<8x64xi32>
    %swap3A_156 = vector.shape_cast %scan3A_72#24 : vector<8x64xi32> to vector<1x1x8x64xi32>
    tpu.vector_store %arg3[%swap3A_150, %swap3A_151, %swap3A_152, %swap3A_153], %swap3A_156 {strides = array<i32>} : memref<1x13x8x64xi32, #tpu.memory_space<vmem>>, vector<1x1x8x64xi32>,
    %swap3A_157 = arith.constant 0 : index
    %swap3A_158 = arith.constant 12 : index
    %swap3A_159 = arith.constant 0 : index
    %swap3A_160 = arith.constant 0 : index
    %swap3A_161 = vector.load %arg3[%swap3A_157, %swap3A_158, %swap3A_159, %swap3A_160] : memref<1x13x8x64xi32, #tpu.memory_space<vmem>>, vector<1x1x8x64xi32>
    %swap3A_162 = vector.shape_cast %swap3A_161 : vector<1x1x8x64xi32> to vector<8x64xi32>
    %swap3A_163 = vector.shape_cast %scan3A_72#25 : vector<8x64xi32> to vector<1x1x8x64xi32>
    tpu.vector_store %arg3[%swap3A_157, %swap3A_158, %swap3A_159, %swap3A_160], %swap3A_163 {strides = array<i32>} : memref<1x13x8x64xi32, #tpu.memory_space<vmem>>, vector<1x1x8x64xi32>,
    return
  }
  func.func @transform_0(%arg0: i32, %arg1: i32) -> (i32, i32, i32, i32) {
    %c0_i32 = arith.constant 0 : i32
    %c0_i32_0 = arith.constant 0 : i32
    %c0_i32_1 = arith.constant 0 : i32
    %c0_i32_2 = arith.constant 0 : i32
    return %arg0, %c0_i32, %c0_i32_0, %c0_i32_1 : i32, i32, i32, i32
  }
  func.func @transform_1(%arg0: i32, %arg1: i32) -> (i32, i32, i32, i32) {
    %c0_i32 = arith.constant 0 : i32
    %c0_i32_0 = arith.constant 0 : i32
    %c0_i32_1 = arith.constant 0 : i32
    return %arg0, %c0_i32, %arg1, %c0_i32_0 : i32, i32, i32, i32
  }
}

</mosaic_0001>

<sc_bundles>
// kernel: kernel.4.cloned.1.call-start
scs
__scs_entry_jumppad:
0x0: {  	(pc) =	sbr.rel $0x88, $3  }
0x1: {  	(tag) =	ssettag $0x0;
	lr =	simm.s32 $0x1  }
0x2: {  	[smem:$0x3F96] =	sst lr;
	_ =	strace $0xD0000000  }
0x3: {  	_ = 	snop  }
0x4: {  	_ = 	snop  }
0x5: {  	_ = 	snop  }
0x6: {  	_ = 	snop  }
0x7: {  	_ = 	snop  }
__scs_overlays_trampoline_lowered:
0x8: {  	[smem:$0x3FA5] =	sst s0  }
0x9: {  	[smem:$0x3FA6] =	sst s1  }
0xa: {  	[smem:$0x3FA7] =	sst s2  }
0xb: {  	[smem:$0x3FA8] =	sst s3  }
0xc: {  	[smem:$0x3FA9] =	sst s4  }
0xd: {  	[smem:$0x3FAA] =	sst s5  }
0xe: {  	[smem:$0x3FAB] =	sst s6  }
0xf: {  	[smem:$0x3FAC] =	sst s7  }
0x10: {  	[smem:$0x3FAD] =	sst s8  }
0x11: {  	[smem:$0x3FAE] =	sst s9;
	s0 =	simm.s32 @!p0 $0x0  }
0x12: {  	s1 =	sld [smem:$0x3F94];
	s0 =	simm.s32 @p0 $0x1  }
0x13: {  	[smem:$0x3FAF] =	sst s0;
	s0 =	simm.s32 @!p1 $0x0  }
0x14: {  	s2 =	sld [smem:$0x3F93];
	s0 =	simm.s32 @p1 $0x1  }
0x15: {  	[smem:$0x3FB0] =	sst s0;
	s0 =	simm.s32 @!p2 $0x0  }
0x16: {  	s3 =	sld [smem:$0x3FDB];
	s0 =	simm.s32 @p2 $0x1  }
0x17: {  	s4 =	simm.s32 $0x1BF5;
	[smem:$0x3FB2] =	sst s0  }
0x18: {  	s0 =	sld [smem:$0x3F95];
	_ =	swait.ge [sflag:s4], $0x0  }
0x19: {  	s7 =	sld [smem:$0x3F96]  }
0x1a: {  	s8 =	sadd.s32 $0xFFFFE003, lr  }
0x1b: {  	s9 =	sadd.s32 $0xFFFFFEF7, lr;
	s5 =	simm.s32 $0xFFFFFFFF;
	p2 =	slt.u32 s8, $0xFFFFF086  }
0x1c: {  	p1 =	slt.u32 s9, $0xF7A;
	s5 =	simm.s32 @!p2 $0x0  }
0x1d: {  	s5 =	simm.s32 @p1 $0x1;
	p0 =	seq.s32 s7, s2  }
0x1e: {  	s7 =	smul.u32 @!p0 $0xF7A, s2;
	p2 =	seq.s32 @!p0 s5, $0x0  }
0x1f: {  	s9 =	smul.u32 $0xF7A, s1;
	s8 =	simm.s32 @!p0 $0x1BF5;
	p2 =	por !p2, p0  }
0x20: {  	[sflag:s8] =	ssyncset.s32 @!p0 $0xFFFFF086;
	s6 =	sadd.s32 @!p0 s3, s7;
	s7 =	simm.s32 @!p0 $0x108  }
0x21: {  	s3 =	sadd.s32 s3, s9;
	s6 =	sadd.s32 @!p0 $0x88, s6;
	s7 =	simm.s32 @p2 $0x1082  }
0x22: {  	[simem:s7], [sflag:s8] =	dma.local @!p0 [hbm:s6], $0xF7A  }
0x23: {  	s9 =	sor.u32 $0xD0000000, s2;
	s6 =	simm.s32 $0x108;
	_ =	swait.ge @!p0 [sflag:s8], $0x0  }
0x24: {  	s3 =	sadd.s32 $0x88, s3;
	s6 =	simm.s32 @!p1 $0x1082;
	[sflag:s4] =	ssyncset.s32 $0xFFFFF086  }
0x25: {  	[simem:s6], [sflag:s4] =	dma.local [hbm:s3], $0xF7A  }
0x26: {  	[smem:$0x3F96] =	sst s1;
	(tag) =	ssettag s2;
	_ =	strace s9  }
0x27: {  	s1 =	sld [smem:$0x3FA6]  }
0x28: {  	s2 =	sld [smem:$0x3FA7]  }
0x29: {  	s4 =	sld [smem:$0x3FA9]  }
0x2a: {  	p0 =	seq.s32 s5, $0x0;
	s5 =	sld [smem:$0x3FAA]  }
0x2b: {  	s6 =	sld [smem:$0x3FAB]  }
0x2c: {  	s7 =	sld [smem:$0x3FAC]  }
0x2d: {  	s3 =	simm.s32 $0x108;
	s8 =	sld [smem:$0x3FAD]  }
0x2e: {  	s3 =	simm.s32 @!p0 $0x1082;
	s9 =	sld [smem:$0x3FAE]  }
0x2f: {  	lr =	sadd.s32 s0, s3;
	s0 =	sld [smem:$0x3FA5]  }
0x30: {  	s3 =	sld [smem:$0x3FA8]  }
0x31: {  	[smem:$0x3FB1] =	sst s10  }
0x32: {  	s10 =	sld [smem:$0x3FAF];
	_ =	sdelay $0x3  }
0x33: {  	p0 =	seq.s32 s10, $0x1;
	s10 =	sld [smem:$0x3FB1];
	_ =	sdelay $0x3  }
0x34: {  	[smem:$0x3FB1] =	sst s10  }
0x35: {  	s10 =	sld [smem:$0x3FB0];
	_ =	sdelay $0x3  }
0x36: {  	p1 =	seq.s32 s10, $0x1;
	s10 =	sld [smem:$0x3FB1];
	_ =	sdelay $0x3  }
0x37: {  	[smem:$0x3FB1] =	sst s10  }
0x38: {  	s10 =	sld [smem:$0x3FB2]  }
0x39: {  	_ = 	snop;
	(pc) =	sbr.ind lr, $3  }
0x3a: {  	_ = 	snop  }
0x3b: {  	_ = 	snop  }
0x3c: {  	p2 =	seq.s32 s10, $0x1;
	s10 =	sld [smem:$0x3FB1]  }
0x3d: {  	_ =	shalt  }
0x3e: {  	_ =	shalt  }
0x3f: {  	_ =	shalt  }
0x40: {  	_ =	shalt  }
0x41: {  	_ =	shalt  }
0x42: {  	_ =	shalt  }
0x43: {  	_ =	shalt  }
0x44: {  	_ =	shalt  }
0x45: {  	_ =	shalt  }
0x46: {  	_ =	shalt  }
0x47: {  	_ =	shalt  }
0x48: {  	_ =	shalt  }
0x49: {  	_ =	shalt  }
0x4a: {  	_ =	shalt  }
0x4b: {  	_ =	shalt  }
0x4c: {  	_ =	shalt  }
0x4d: {  	_ =	shalt  }
0x4e: {  	_ =	shalt  }
0x4f: {  	_ =	shalt  }
0x50: {  	_ =	shalt  }
0x51: {  	_ =	shalt  }
0x52: {  	_ =	shalt  }
0x53: {  	_ =	shalt  }
0x54: {  	_ =	shalt  }
0x55: {  	_ =	shalt  }
0x56: {  	_ =	shalt  }
0x57: {  	_ =	shalt  }
0x58: {  	_ =	shalt  }
0x59: {  	_ =	shalt  }
0x5a: {  	_ =	shalt  }
0x5b: {  	_ =	shalt  }
0x5c: {  	_ =	shalt  }
0x5d: {  	_ =	shalt  }
0x5e: {  	_ =	shalt  }
0x5f: {  	_ =	shalt  }
0x60: {  	_ =	shalt  }
0x61: {  	_ =	shalt  }
0x62: {  	_ =	shalt  }
0x63: {  	_ =	shalt  }
0x64: {  	_ =	shalt  }
0x65: {  	_ =	shalt  }
0x66: {  	_ =	shalt  }
0x67: {  	_ =	shalt  }
0x68: {  	_ =	shalt  }
0x69: {  	_ =	shalt  }
0x6a: {  	_ =	shalt  }
0x6b: {  	_ =	shalt  }
0x6c: {  	_ =	shalt  }
0x6d: {  	_ =	shalt  }
0x6e: {  	_ =	shalt  }
0x6f: {  	_ =	shalt  }
0x70: {  	_ =	shalt  }
0x71: {  	_ =	shalt  }
0x72: {  	_ =	shalt  }
0x73: {  	_ =	shalt  }
0x74: {  	_ =	shalt  }
0x75: {  	_ =	shalt  }
0x76: {  	_ =	shalt  }
0x77: {  	_ =	shalt  }
0x78: {  	_ =	shalt  }
0x79: {  	_ =	shalt  }
0x7a: {  	_ =	shalt  }
0x7b: {  	_ =	shalt  }
0x7c: {  	_ =	shalt  }
0x7d: {  	_ =	shalt  }
0x7e: {  	_ =	shalt  }
0x7f: {  	_ =	shalt  }
0x80: {  	_ =	shalt  }
0x81: {  	_ =	shalt  }
0x82: {  	_ =	shalt  }
0x83: {  	_ =	shalt  }
0x84: {  	_ =	shalt  }
0x85: {  	_ =	shalt  }
0x86: {  	_ =	shalt  }
0x87: {  	_ =	shalt  }
.Lfunc_end0:
.L_simem_size_0:
called_computation_lowered:
.L_overlay_start_0:
0x88: {  	s2 =	sld [smem:$0x3FD9]  }
0x89: {  	s3 =	sld [smem:$0x3FFE];
	_ =	sdelay $0x1  }
0x8a: {  	s1 =	srdreg.scid  }
0x8b: {  	s0 =	sand.u32 $0x1, s1  }
0x8c: {  	s17 =	sshll.u32 s0, $0xA;
	s2 =	sadd.s32 s3, s2  }
0x8d: {  	s2 =	sadd.s32 s2, s17  }
0x8e: {  	[smem:$0x3FBD] =	sst s2  }
0x8f: {  	_ = 	snop  }
0x90: {  	s2 =	sld [smem:$0x3FD0];
	(tm) =	ssettm $0x1  }
0x91: {  	s18 =	sld [smem:$0x3FFB];
	_ =	sdelay $0x3  }
0x92: {  	_ =	strace s18  }
0x93: {  	s3 =	sld [smem:$0x3FFC];
	_ =	sdelay $0x3  }
0x94: {  	_ =	strace s3  }
0x95: {  	s3 =	sld [smem:$0x3FFD];
	_ =	sdelay $0x3  }
0x96: {  	_ =	strace s3  }
0x97: {  	_ =	strace $0x8FFFFFFF  }
0x98: {  	s19 =	sld [smem:$0x3FDB];
	_ =	sdelay $0x1  }
0x99: {  	s4 =	simm.s32 $_scs_section_size  }
0x9a: {  	s5 =	simm.s32 $_size__tile_overlayer_lowered;
	s6 =	simm.s32 $_tile_overlayer_lowered  }
0x9b: {  	s22 =	simm.s32 $0x1BFF;
	s21 =	sshll.u32 s6, $0x1;
	s3 =	sadd.s32 s4, s19  }
0x9c: {  	s7 =	simm.s32 $0x0;
	s20 =	sshll.u32 s5, $0x1;
	s5 =	sadd.s32 s21, s3  }
0x9d: {  	[timem:s7], [sflag:s22] =	dma.local [hbm:s5], s20  }
0x9e: {  	_ =	swait.ge [sflag:s22], s20  }
0x9f: {  	s4 =	ssub.s32 $0x0, s20;
	[sflag:s22] =	ssyncset.done $0x0  }
0xa0: {  	[sflag:s22] =	ssyncadd.s32 s4;
	_ =	sdelay $0x1  }
0xa1: {  	s23 =	simm.s32 $0x1B8B  }
0xa2: {  	_ =	swait.ge [sflag:s23], $0x1  }
0xa3: {  	[sflag:s23] =	ssyncset.done $0x0  }
0xa4: {  	s25 =	simm.s32 $0x1B8E;
	s24 =	sld [smem:$0x3FFE];
	[sflag:s23] =	ssyncadd.s32 $0xFFFFFFFF  }
0xa5: {  	s26 =	simm.s32 $execute0_lowered;
	[smem:$0x3FD2] =	sst s25  }
0xa6: {  	s5 =	sshll.u32 s26, $0x1;
	_ =	strace $0x80000046;
	[dreg:$0x1] =	wrdreg $0xFFFFFFFF  }
0xa7: {  	s28 =	simm.s32 $_size_execute0_lowered;
	s3 =	sadd.s32 s3, s5;
	[dreg:$0x0] =	wrdreg $0x0  }
0xa8: {  	s5 =	sshll.u32 s28, $0x1;
	[dreg:$0x2] =	wrdreg s3  }
0xa9: {  	[dreg:$0x3] =	wrdreg s5  }
0xaa: {  	[dreg:$0x4] =	wrdreg $0xC0  }
0xab: {  	_ =	task [dreg:s7], $0x5FFFF  }
0xac: {  	[dreg:$0x1] =	wrdreg $0xFFFFFFFF  }
0xad: {  	[dreg:$0x0] =	wrdreg $0x60  }
0xae: {  	[dreg:$0x2] =	wrdreg s24  }
0xaf: {  	[dreg:$0x3] =	wrdreg s2  }
0xb0: {  	[dreg:$0x4] =	wrdreg $0x9  }
0xb1: {  	_ =	task.clear_ibuf [dreg:s7], $0x5FFFF;
	_ =	strace $0x90000046  }
0xb2: {  	s29 =	simm.s32 $0x9;
	_ =	strace $0x80000048  }
0xb3: {  	_ =	swait.ge [sflag:s29], $0x1  }
0xb4: {  	[sflag:s29] =	ssyncadd.s32 $0xFFFFFFFF  }
0xb5: {  	_ =	strace $0x90000048  }
0xb6: {  	_ =	sfence  }
0xb7: {  	s30 =	sld [smem:$0x0];
	_ =	sdelay $0x2  }
0xb8: {  	s31 =	sshll.u32 s1, $0xD;
	s1 =	sshrl.u32 s1, $0x2  }
0xb9: {  	s3 =	sand.u32 $0x4000, s31;
	s1 =	sadd.s32 s1, s30  }
0xba: {  	s0 =	sor.u32 s3, s0;
	s1 =	sshll.u32 s1, $0x11  }
0xbb: {  	s0 =	sor.u32 s1, s0  }
0xbc: {  	s0 =	sadd.s32 $0x8F2B, s0  }
0xbd: {  	[sflag:s0] =	ssyncadd.remote.s32 $0x1  }
0xbe: {  	_ =	sfence.sel $0xFFFF  }
0xbf: {  	[dreg:$0x0] =	wrdreg $0xFFFFFFFF;
	(pc) =	sbr.abs _section_cstart, $3  }
0xc0: {  	[dreg:$0x1] =	wrdreg $0xFFFFFFFF  }
0xc1: {  	_ =	task.clear_ibuf [dreg:s7], $0x2FFFF;
	_ =	strace $0x9FFFFFFF  }
0xc2: {  	(tm) =	ssettm $0x7FFFFFFF  }
0xc3: {  	_ =	shalt  }
tec
execute0_lowered:
.L_overlay_start_1:
0x0: {  	(tag) =	ssettag $0x1  }
0x1: {  	s1 =	srdreg.scid;
	s4 =	rddreg [dreg:$0x0]  }
0x2: {  	s0 =	stileid.u32;
	s2 =	rddreg [dreg:$0x1]  }
0x3: {  	s3 =	simm.s32 $0x0;
	s11 =	simm.s32 $0x0;
	s5 =	sand.u32 $0x1, s1  }
0x4: {  	s28 =	sshll.u32 s0, $0x1;
	s1 =	rddreg [dreg:$0x2];
	s7 =	smul.u32 $0x6800, s0  }
0x5: {  	[smem:$0x7FF] =	sst s3;
	s6 =	sor.u32 s5, s28;
	s10 =	smul.u32 $0x3400, s5  }
0x6: {  	s8 =	ssub.s32 $0x2, s5;
	_ =	strace $0x80000047;
	s6 =	smul.u32 $0x340, s6  }
0x7: {  	s9 =	sshrl.u32 s8, $0x1;
	s30 =	sadd.s32 s7, s4;
	s7 =	simm.s32 $0x2  }
0x8: {  	s31 =	ssub.s32 s8, s9;
	s8 =	simm.s32 $0x80;
	s9 =	simm.s32 $0x1A00  }
0x9: {  	s29 =	sadd.s32 s6, s4;
	s5 =	smax.u32 s31, $0x1;
	s6 =	sadd.s32 s10, s30  }
0xa: {  	s10 =	simm.s32 $0x1;
	s4 =	sadd.s32 $0x800, s29;
	s6 =	sadd.s32 $0x7000, s6  }
.LBB2_1:
0xb: {  	[tilespmem:s3], [sflag:$0x2] =	stream.linear.gather [hbm4b:s4+s3], $0x1A00, $0x38;
	[tilespmem:$0x2200] =	vst v63  }
0xc: {  	_ =	swait.ge [sflag:s7], $0x1A00  }
0xd: {  	[sflag:s7] =	ssyncset.done $0x0  }
0xe: {  	[sflag:s7] =	ssyncadd.s32 $0xFFFFE600  }
0xf: {  	[tilespmem:s9], [sflag:$0x1] =	stream.indirect.gather [hbm4b:s2+s8], $0x10, s3, s8, $0xb8;
	[tilespmem:$0x2200] =	vst v63  }
0x10: {  	_ =	swait.ge [sflag:s10], $0x800  }
0x11: {  	[sflag:s10] =	ssyncset.done $0x0  }
0x12: {  	s12 =	sadd.s32 $0x0, s6;
	[sflag:s10] =	ssyncadd.s32 $0xFFFFF800  }
0x13: {  	[hbm4b:s12+s3] =	stream.linear.scatter [tilespmem:s9], [sflag:$0x2], $0x800, $0x38;
	[tilespmem:$0x2200] =	vst v63  }
0x14: {  	_ =	swait.ge [sflag:s7], $0x800  }
0x15: {  	s13 =	simm.s32 $0x0;
	s12 =	simm.s32 $0x100;
	[sflag:s7] =	ssyncset.done $0x0  }
.LBB2_2:
0x16: {  	p0 =	sne.s32 s12, $0x3300;
	[sflag:s7] =	ssyncadd.s32 $0xFFFFF800;
	s13 =	sadd.s32 $0x80, s13  }
0x17: {  	[tilespmem:s9], [sflag:$0x1] =	stream.indirect.gather [hbm4b:s2+s8], $0x10, s13, s8, $0xb8;
	[tilespmem:$0x2200] =	vst v63  }
0x18: {  	s14 =	smov.u32 s12;
	s12 =	sadd.s32 $0x100, s12;
	_ =	swait.ge [sflag:s10], $0x800  }
.Ltmp0:
0x19: {  	[sflag:s10] =	ssyncset.done $0x0;
	(pc) =	sbr.rel @p0 .LBB2_2-.Ltmp0, $4  }
0x1a: {  	s14 =	sadd.s32 s14, s6;
	[sflag:s10] =	ssyncadd.s32 $0xFFFFF800  }
0x1b: {  	[hbm4b:s14+s3] =	stream.linear.scatter [tilespmem:s9], [sflag:$0x2], $0x800, $0x38;
	[tilespmem:$0x2200] =	vst v63  }
0x1c: {  	_ =	swait.ge [sflag:s7], $0x800  }
0x1d: {  	[sflag:s7] =	ssyncset.done $0x0  }
0x1e: {  	s11 =	sadd.s32 $0x1, s11  }
0x1f: {  	p0 =	sne.s32 s11, s5  }
.Ltmp1:
0x20: {  	_ = 	snop;
	(pc) =	sbr.rel @p0 .LBB2_1-.Ltmp1, $2  }
0x21: {  	_ =	sdelay $0x2  }
0x22: {  	[sflag:s7] =	ssyncadd.s32 $0xFFFFF800  }
0x23: {  	_ =	sfence.sel $0x180000  }
0x24: {  	[bflag:$0x0] =	sbarrier.arrive $0xFFFF  }
0x25: {  	p0 =	sne.s32 s0, $0x0;
	_ =	strace $0x90000047  }
0x26: {  	s0 =	sadd.s32 @!p0 $0x100000, s1;
	[bflag:$0x2] =	sbarrier.arrive $0xFFFF  }
0x27: {  	[sflag:s0] =	ssyncadd.tile.s32 @!p0 $0x1;
	_ =	shalt  }
.Lfunc_end2:
_tile_overlayer_lowered:
.L_overlay_start_2:
0x28: {  	(tag) =	ssettag $0x2  }
0x29: {  	s0 =	rddreg [dreg:$0x0];
	s2 =	stileid.u32  }
0x2a: {  	s1 =	rddreg [dreg:$0x1];
	p0 =	sne.s32 s2, $0x0  }
0x2b: {  	s3 =	rddreg [dreg:$0x2];
	[bflag:$0x3] =	sbarrier.arrive $0xFFFF;
	s2 =	simm.s32 @!p0 $0x1C02  }
0x2c: {  	[timem:s3], [sflag:s2] =	dma.local @!p0 [hbm:s0], s1  }
0x2d: {  	s0 =	simm.s32 @!p0 $0x2  }
0x2e: {  	_ =	swait.ge @!p0 [sflag:s0], s1  }
0x2f: {  	s1 =	ssub.s32 @!p0 $0x0, s1;
	[sflag:s0] =	ssyncset.done @!p0 $0x0  }
0x30: {  	[sflag:s0] =	ssyncadd.s32 @!p0 s1  }
0x31: {  	[bflag:$0x3] =	sbarrier.arrive $0xFFFF  }
0x32: {  	_ =	shalt  }

</sc_bundles>
